<compile_context>
chip_gen: v7x
topology: tpu7x:2x2x1
jax: 0.10.2.dev20260603
libtpu: 0.0.44.dev20260713+nightly
codegen_flags: <defaults>
</compile_context>

<pallas_src>
import functools

import jax
import jax.numpy as jnp
from jax import lax
from jax.experimental import pallas as pl
from jax.experimental.pallas import tpu as pltpu
from jax.experimental.pallas import tpu_sc as plsc

D = 128
B = 16384
NC, NS = 2, 16
NW = NC * NS
ROWS_PER_W = B // (NW // 2)
CHUNK = 64
NCHUNK = ROWS_PER_W // CHUNK
NBUF = 14


def _line_body(table_hbm, vi_hbm, vj_hbm, out_hbm, idx_v, rows_v, *sems):
    wid = lax.axis_index("s") * NC + lax.axis_index("c")
    pos = lax.rem(wid, 16)

    def pipeline(idx_blk, out_half):
        base = pos * ROWS_PER_W
        pltpu.sync_copy(idx_blk, idx_v)

        def gather(c, b):
            return pltpu.async_copy(
                table_hbm.at[idx_v.at[c]], rows_v.at[b], sems[b]
            )

        def put(c, b):
            return pltpu.async_copy(
                rows_v.at[b], out_half.at[pl.ds(base + c * CHUNK, CHUNK)], sems[b]
            )

        g = {}
        p = {}
        for c in range(NBUF):
            g[c] = gather(c, c)
        for c in range(NCHUNK):
            k = c - 2
            if 0 <= k < NCHUNK - NBUF:
                p[k].wait()
                g[NBUF + k] = gather(NBUF + k, k)
            g[c].wait()
            p[c] = put(c, c % NBUF)
        for c in range(NCHUNK - NBUF, NCHUNK):
            p[c].wait()

    @pl.when(wid < 16)
    def _():
        pipeline(vi_hbm.at[pos], out_hbm.at[0])

    @pl.when(wid >= 16)
    def _():
        pipeline(vj_hbm.at[pos], out_hbm.at[1])


@jax.jit
def _line_gather(first_emb, vi, vj):
    mesh = plsc.VectorSubcoreMesh(
        core_axis_name="c", subcore_axis_name="s", num_cores=NC, num_subcores=NS
    )
    f = functools.partial(
        pl.kernel,
        out_type=jax.ShapeDtypeStruct((2, B, D), jnp.float32),
        mesh=mesh,
        scratch_types=[
            pltpu.VMEM((NCHUNK, CHUNK), jnp.int32),
            pltpu.VMEM((NBUF, CHUNK, D), jnp.float32),
        ]
        + [pltpu.SemaphoreType.DMA] * NBUF,
    )(_line_body)
    return f(first_emb, vi, vj)


def kernel(first_emb, second_emb, context_emb, v_i, v_j):
    vi = v_i.reshape(NW // 2, NCHUNK, CHUNK)
    vj = v_j.reshape(NW // 2, NCHUNK, CHUNK)
    return _line_gather(first_emb, vi, vj)

# --- scband reference (transcript-rebuilt; emitter-appended) ---
"""Pipeline reference for scband-line-8959301779917 (READ-ONLY COPY).

The authoritative reference and input builder live on the scoring server;
editing this copy changes nothing except your own understanding.
"""

import jax, jax.numpy as jnp
import numpy as np

NODES_NUM = 100000
EMBEDDING_SIZE = 128
BATCH = 16384

def setup_inputs(seed: int = 0) -> dict:
    key = jax.random.key(seed)
    k1, k2, k3, k4, k5 = jax.random.split(key, 5)
    v_i = jax.random.randint(k1, (BATCH,), 0, NODES_NUM, dtype=jnp.int64) if jax.config.jax_enable_x64 else jax.random.randint(k1, (BATCH,), 0, NODES_NUM, dtype=jnp.int32)
    v_j = jax.random.randint(k2, (BATCH,), 0, NODES_NUM, dtype=jnp.int32)
    v_i = v_i.astype(jnp.int32)
    # Learned parameters: three embedding tables, as in nn.Embedding default init (N(0,1)).
    first_emb = jax.random.normal(k3, (NODES_NUM, EMBEDDING_SIZE), dtype=jnp.float32)
    second_emb = jax.random.normal(k4, (NODES_NUM, EMBEDDING_SIZE), dtype=jnp.float32)
    context_emb = jax.random.normal(k5, (NODES_NUM, EMBEDDING_SIZE), dtype=jnp.float32)
    return {
        "first_emb": first_emb,
        "second_emb": second_emb,
        "context_emb": context_emb,
        "v_i": v_i,
        "v_j": v_j,
    }

def reference(first_emb, second_emb, context_emb, v_i, v_j):
    # Faithful translation of LINE.forward: two gathers from the first-order table.
    # (second_emb / context_emb are module parameters unused in this forward.)
    first_v_i = jnp.take(first_emb, v_i, axis=0)
    first_v_j = jnp.take(first_emb, v_j, axis=0)
    return jnp.stack((first_v_i, first_v_j), axis=0)

if __name__ == "__main__":
    import jax
    _d = setup_inputs()
    print(jax.jit(kernel)(*tuple(_d.values())))

</pallas_src>

<mosaic_0001>
#map = affine_map<(d0, d1) -> (0, 0)>
#map1 = affine_map<(d0, d1) -> (0, 0, 0)>
module attributes {stable_mosaic.version = 14 : i64} {
  func.func @_line_body(%arg0: i32, %arg1: i32, %arg2: memref<100000x128xf32, #tpu.memory_space<hbm>>, %arg3: memref<16x16x64xi32, #tpu.memory_space<hbm>>, %arg4: memref<16x16x64xi32, #tpu.memory_space<hbm>>, %arg5: memref<2x16384x128xf32, #tpu.memory_space<hbm>>, %arg6: memref<16x64xi32, #tpu.memory_space<vmem>>, %arg7: memref<14x64x128xf32, #tpu.memory_space<vmem>>, %arg8: memref<!tpu.dma_semaphore, #tpu.memory_space<semaphore_mem>>, %arg9: memref<!tpu.dma_semaphore, #tpu.memory_space<semaphore_mem>>, %arg10: memref<!tpu.dma_semaphore, #tpu.memory_space<semaphore_mem>>, %arg11: memref<!tpu.dma_semaphore, #tpu.memory_space<semaphore_mem>>, %arg12: memref<!tpu.dma_semaphore, #tpu.memory_space<semaphore_mem>>, %arg13: memref<!tpu.dma_semaphore, #tpu.memory_space<semaphore_mem>>, %arg14: memref<!tpu.dma_semaphore, #tpu.memory_space<semaphore_mem>>, %arg15: memref<!tpu.dma_semaphore, #tpu.memory_space<semaphore_mem>>, %arg16: memref<!tpu.dma_semaphore, #tpu.memory_space<semaphore_mem>>, %arg17: memref<!tpu.dma_semaphore, #tpu.memory_space<semaphore_mem>>, %arg18: memref<!tpu.dma_semaphore, #tpu.memory_space<semaphore_mem>>, %arg19: memref<!tpu.dma_semaphore, #tpu.memory_space<semaphore_mem>>, %arg20: memref<!tpu.dma_semaphore, #tpu.memory_space<semaphore_mem>>, %arg21: memref<!tpu.dma_semaphore, #tpu.memory_space<semaphore_mem>>) attributes {dimension_semantics = [#tpu.dimension_semantics<core_parallel>, #tpu.dimension_semantics<subcore_parallel>], iteration_bounds = array<i64: 2, 16>, scalar_prefetch = 0 : i64, scratch_operands = 16 : i64, tpu.core_type = #tpu.core_type<sc_vector_subcore>, window_params = [{transform_indices = #map}, {transform_indices = #map1}, {transform_indices = #map1}, {transform_indices = #map1}]} {
    %mul3A = arith.constant 2 : i32
    %mul3A_0 = arith.muli %arg1, %mul3A : i32
    %add3A = arith.addi %mul3A_0, %arg0 : i32
    %rem3A = arith.constant 16 : i32
    %rem3A_1 = arith.remsi %add3A, %rem3A : i32
    %lt3A = arith.constant 16 : i32
    %lt3A_2 = arith.cmpi slt, %add3A, %lt3A : i32
    %convert_element_type3A = arith.extui %lt3A_2 : i1 to i32
    %cond3A = arith.constant 0 : i32
    %cond3A_3 = arith.cmpi ne, %convert_element_type3A, %cond3A : i32
    scf.if %cond3A_3 {
      %mul3A_8 = arith.constant 1024 : i32
      %mul3A_9 = arith.muli %rem3A_1, %mul3A_8 : i32
      "tpu.region"() ({
        %run_scoped3A = tpu.sem_alloc : memref<!tpu.dma_semaphore, #tpu.memory_space<semaphore_mem>>
        %dma_start3A_1128 = arith.constant 0 : i32
        %dma_start3A_1129 = arith.constant 0 : i32
        %dma_start3A_1130 = tpu.memref_slice %arg3[%rem3A_1, %dma_start3A_1128, %dma_start3A_1129] : memref<16x16x64xi32, #tpu.memory_space<hbm>> -> memref<1x16x64xi32, #tpu.memory_space<hbm>>
        %dma_start3A_1131 = tpu.memref_squeeze %dma_start3A_1130 : memref<1x16x64xi32, #tpu.memory_space<hbm>> -> memref<16x64xi32, #tpu.memory_space<hbm>>
        %dma_start3A_1132 = arith.constant 0 : i32
        %dma_start3A_1133 = arith.constant 0 : i32
        %dma_start3A_1134 = tpu.memref_slice %arg3[%rem3A_1, %dma_start3A_1132, %dma_start3A_1133] : memref<16x16x64xi32, #tpu.memory_space<hbm>> -> memref<1x16x64xi32, #tpu.memory_space<hbm>>
        %dma_start3A_1135 = tpu.memref_squeeze %dma_start3A_1134 : memref<1x16x64xi32, #tpu.memory_space<hbm>> -> memref<16x64xi32, #tpu.memory_space<hbm>>
        tpu.enqueue_dma source(%dma_start3A_1135 : memref<16x64xi32, #tpu.memory_space<hbm>>) target(%arg6 : memref<16x64xi32, #tpu.memory_space<vmem>>) target_semaphore(%run_scoped3A : memref<!tpu.dma_semaphore, #tpu.memory_space<semaphore_mem>>)
        %dma_wait3A_1136 = arith.constant 0 : i32
        %dma_wait3A_1137 = arith.constant 0 : i32
        %dma_wait3A_1138 = tpu.memref_slice %arg3[%rem3A_1, %dma_wait3A_1136, %dma_wait3A_1137] : memref<16x16x64xi32, #tpu.memory_space<hbm>> -> memref<1x16x64xi32, #tpu.memory_space<hbm>>
        %dma_wait3A_1139 = tpu.memref_squeeze %dma_wait3A_1138 : memref<1x16x64xi32, #tpu.memory_space<hbm>> -> memref<16x64xi32, #tpu.memory_space<hbm>>
        %dma_wait3A_1140 = arith.constant 0 : i32
        %dma_wait3A_1141 = arith.constant 0 : i32
        %dma_wait3A_1142 = tpu.memref_slice %arg3[%rem3A_1, %dma_wait3A_1140, %dma_wait3A_1141] : memref<16x16x64xi32, #tpu.memory_space<hbm>> -> memref<1x16x64xi32, #tpu.memory_space<hbm>>
        %dma_wait3A_1143 = tpu.memref_squeeze %dma_wait3A_1142 : memref<1x16x64xi32, #tpu.memory_space<hbm>> -> memref<16x64xi32, #tpu.memory_space<hbm>>
        tpu.wait_dma2 semaphore(%run_scoped3A : memref<!tpu.dma_semaphore, #tpu.memory_space<semaphore_mem>>) src(%dma_wait3A_1143 : memref<16x64xi32, #tpu.memory_space<hbm>>) dst(%arg6 : memref<16x64xi32, #tpu.memory_space<vmem>>)
        tpu.yield
      }) : () -> ()
      %dma_start3A = arith.constant 0 : i32
      %dma_start3A_10 = arith.constant 0 : i32
      %dma_start3A_11 = arith.constant 0 : i32
      %dma_start3A_12 = arith.constant 0 : i32
      %dma_start3A_13 = tpu.memref_slice %arg7[%dma_start3A_10, %dma_start3A_11, %dma_start3A_12] : memref<14x64x128xf32, #tpu.memory_space<vmem>> -> memref<1x64x128xf32, #tpu.memory_space<vmem>>
      %dma_start3A_14 = tpu.memref_squeeze %dma_start3A_13 : memref<1x64x128xf32, #tpu.memory_space<vmem>> -> memref<64x128xf32, #tpu.memory_space<vmem>>
      %dma_start3A_15 = arith.constant 0 : i32
      %dma_start3A_16 = tpu.memref_slice %arg6[%dma_start3A, %dma_start3A_15] : memref<16x64xi32, #tpu.memory_space<vmem>> -> memref<1x64xi32, #tpu.memory_space<vmem>>
      %dma_start3A_17 = tpu.memref_squeeze %dma_start3A_16 : memref<1x64xi32, #tpu.memory_space<vmem>> -> memref<64xi32, #tpu.memory_space<vmem>>
      %dma_start3A_18 = arith.constant 0 : i32
      %dma_start3A_19 = arith.constant 0 : i32
      %dma_start3A_20 = tpu.memref_slice %arg2[%dma_start3A_18, %dma_start3A_19] : memref<100000x128xf32, #tpu.memory_space<hbm>> -> memref<100000x128xf32, #tpu.memory_space<hbm>>
      tpu.enqueue_indirect_dma source(%dma_start3A_20 : memref<100000x128xf32, #tpu.memory_space<hbm>>) target(%dma_start3A_14 : memref<64x128xf32, #tpu.memory_space<vmem>>) offsets(%dma_start3A_17 : memref<64xi32, #tpu.memory_space<vmem>>) semaphore(%arg8 : memref<!tpu.dma_semaphore, #tpu.memory_space<semaphore_mem>>)
      %dma_start3A_21 = arith.constant 1 : i32
      %dma_start3A_22 = arith.constant 1 : i32
      %dma_start3A_23 = arith.constant 0 : i32
      %dma_start3A_24 = arith.constant 0 : i32
      %dma_start3A_25 = tpu.memref_slice %arg7[%dma_start3A_22, %dma_start3A_23, %dma_start3A_24] : memref<14x64x128xf32, #tpu.memory_space<vmem>> -> memref<1x64x128xf32, #tpu.memory_space<vmem>>
      %dma_start3A_26 = tpu.memref_squeeze %dma_start3A_25 : memref<1x64x128xf32, #tpu.memory_space<vmem>> -> memref<64x128xf32, #tpu.memory_space<vmem>>
      %dma_start3A_27 = arith.constant 0 : i32
      %dma_start3A_28 = tpu.memref_slice %arg6[%dma_start3A_21, %dma_start3A_27] : memref<16x64xi32, #tpu.memory_space<vmem>> -> memref<1x64xi32, #tpu.memory_space<vmem>>
      %dma_start3A_29 = tpu.memref_squeeze %dma_start3A_28 : memref<1x64xi32, #tpu.memory_space<vmem>> -> memref<64xi32, #tpu.memory_space<vmem>>
      %dma_start3A_30 = arith.constant 0 : i32
      %dma_start3A_31 = arith.constant 0 : i32
      %dma_start3A_32 = tpu.memref_slice %arg2[%dma_start3A_30, %dma_start3A_31] : memref<100000x128xf32, #tpu.memory_space<hbm>> -> memref<100000x128xf32, #tpu.memory_space<hbm>>
      tpu.enqueue_indirect_dma source(%dma_start3A_32 : memref<100000x128xf32, #tpu.memory_space<hbm>>) target(%dma_start3A_26 : memref<64x128xf32, #tpu.memory_space<vmem>>) offsets(%dma_start3A_29 : memref<64xi32, #tpu.memory_space<vmem>>) semaphore(%arg9 : memref<!tpu.dma_semaphore, #tpu.memory_space<semaphore_mem>>)
      %dma_start3A_33 = arith.constant 2 : i32
      %dma_start3A_34 = arith.constant 2 : i32
      %dma_start3A_35 = arith.constant 0 : i32
      %dma_start3A_36 = arith.constant 0 : i32
      %dma_start3A_37 = tpu.memref_slice %arg7[%dma_start3A_34, %dma_start3A_35, %dma_start3A_36] : memref<14x64x128xf32, #tpu.memory_space<vmem>> -> memref<1x64x128xf32, #tpu.memory_space<vmem>>
      %dma_start3A_38 = tpu.memref_squeeze %dma_start3A_37 : memref<1x64x128xf32, #tpu.memory_space<vmem>> -> memref<64x128xf32, #tpu.memory_space<vmem>>
      %dma_start3A_39 = arith.constant 0 : i32
      %dma_start3A_40 = tpu.memref_slice %arg6[%dma_start3A_33, %dma_start3A_39] : memref<16x64xi32, #tpu.memory_space<vmem>> -> memref<1x64xi32, #tpu.memory_space<vmem>>
      %dma_start3A_41 = tpu.memref_squeeze %dma_start3A_40 : memref<1x64xi32, #tpu.memory_space<vmem>> -> memref<64xi32, #tpu.memory_space<vmem>>
      %dma_start3A_42 = arith.constant 0 : i32
      %dma_start3A_43 = arith.constant 0 : i32
      %dma_start3A_44 = tpu.memref_slice %arg2[%dma_start3A_42, %dma_start3A_43] : memref<100000x128xf32, #tpu.memory_space<hbm>> -> memref<100000x128xf32, #tpu.memory_space<hbm>>
      tpu.enqueue_indirect_dma source(%dma_start3A_44 : memref<100000x128xf32, #tpu.memory_space<hbm>>) target(%dma_start3A_38 : memref<64x128xf32, #tpu.memory_space<vmem>>) offsets(%dma_start3A_41 : memref<64xi32, #tpu.memory_space<vmem>>) semaphore(%arg10 : memref<!tpu.dma_semaphore, #tpu.memory_space<semaphore_mem>>)
      %dma_start3A_45 = arith.constant 3 : i32
      %dma_start3A_46 = arith.constant 3 : i32
      %dma_start3A_47 = arith.constant 0 : i32
      %dma_start3A_48 = arith.constant 0 : i32
      %dma_start3A_49 = tpu.memref_slice %arg7[%dma_start3A_46, %dma_start3A_47, %dma_start3A_48] : memref<14x64x128xf32, #tpu.memory_space<vmem>> -> memref<1x64x128xf32, #tpu.memory_space<vmem>>
      %dma_start3A_50 = tpu.memref_squeeze %dma_start3A_49 : memref<1x64x128xf32, #tpu.memory_space<vmem>> -> memref<64x128xf32, #tpu.memory_space<vmem>>
      %dma_start3A_51 = arith.constant 0 : i32
      %dma_start3A_52 = tpu.memref_slice %arg6[%dma_start3A_45, %dma_start3A_51] : memref<16x64xi32, #tpu.memory_space<vmem>> -> memref<1x64xi32, #tpu.memory_space<vmem>>
      %dma_start3A_53 = tpu.memref_squeeze %dma_start3A_52 : memref<1x64xi32, #tpu.memory_space<vmem>> -> memref<64xi32, #tpu.memory_space<vmem>>
      %dma_start3A_54 = arith.constant 0 : i32
      %dma_start3A_55 = arith.constant 0 : i32
      %dma_start3A_56 = tpu.memref_slice %arg2[%dma_start3A_54, %dma_start3A_55] : memref<100000x128xf32, #tpu.memory_space<hbm>> -> memref<100000x128xf32, #tpu.memory_space<hbm>>
      tpu.enqueue_indirect_dma source(%dma_start3A_56 : memref<100000x128xf32, #tpu.memory_space<hbm>>) target(%dma_start3A_50 : memref<64x128xf32, #tpu.memory_space<vmem>>) offsets(%dma_start3A_53 : memref<64xi32, #tpu.memory_space<vmem>>) semaphore(%arg11 : memref<!tpu.dma_semaphore, #tpu.memory_space<semaphore_mem>>)
      %dma_start3A_57 = arith.constant 4 : i32
      %dma_start3A_58 = arith.constant 4 : i32
      %dma_start3A_59 = arith.constant 0 : i32
      %dma_start3A_60 = arith.constant 0 : i32
      %dma_start3A_61 = tpu.memref_slice %arg7[%dma_start3A_58, %dma_start3A_59, %dma_start3A_60] : memref<14x64x128xf32, #tpu.memory_space<vmem>> -> memref<1x64x128xf32, #tpu.memory_space<vmem>>
      %dma_start3A_62 = tpu.memref_squeeze %dma_start3A_61 : memref<1x64x128xf32, #tpu.memory_space<vmem>> -> memref<64x128xf32, #tpu.memory_space<vmem>>
      %dma_start3A_63 = arith.constant 0 : i32
      %dma_start3A_64 = tpu.memref_slice %arg6[%dma_start3A_57, %dma_start3A_63] : memref<16x64xi32, #tpu.memory_space<vmem>> -> memref<1x64xi32, #tpu.memory_space<vmem>>
      %dma_start3A_65 = tpu.memref_squeeze %dma_start3A_64 : memref<1x64xi32, #tpu.memory_space<vmem>> -> memref<64xi32, #tpu.memory_space<vmem>>
      %dma_start3A_66 = arith.constant 0 : i32
      %dma_start3A_67 = arith.constant 0 : i32
      %dma_start3A_68 = tpu.memref_slice %arg2[%dma_start3A_66, %dma_start3A_67] : memref<100000x128xf32, #tpu.memory_space<hbm>> -> memref<100000x128xf32, #tpu.memory_space<hbm>>
      tpu.enqueue_indirect_dma source(%dma_start3A_68 : memref<100000x128xf32, #tpu.memory_space<hbm>>) target(%dma_start3A_62 : memref<64x128xf32, #tpu.memory_space<vmem>>) offsets(%dma_start3A_65 : memref<64xi32, #tpu.memory_space<vmem>>) semaphore(%arg12 : memref<!tpu.dma_semaphore, #tpu.memory_space<semaphore_mem>>)
      %dma_start3A_69 = arith.constant 5 : i32
      %dma_start3A_70 = arith.constant 5 : i32
      %dma_start3A_71 = arith.constant 0 : i32
      %dma_start3A_72 = arith.constant 0 : i32
      %dma_start3A_73 = tpu.memref_slice %arg7[%dma_start3A_70, %dma_start3A_71, %dma_start3A_72] : memref<14x64x128xf32, #tpu.memory_space<vmem>> -> memref<1x64x128xf32, #tpu.memory_space<vmem>>
      %dma_start3A_74 = tpu.memref_squeeze %dma_start3A_73 : memref<1x64x128xf32, #tpu.memory_space<vmem>> -> memref<64x128xf32, #tpu.memory_space<vmem>>
      %dma_start3A_75 = arith.constant 0 : i32
      %dma_start3A_76 = tpu.memref_slice %arg6[%dma_start3A_69, %dma_start3A_75] : memref<16x64xi32, #tpu.memory_space<vmem>> -> memref<1x64xi32, #tpu.memory_space<vmem>>
      %dma_start3A_77 = tpu.memref_squeeze %dma_start3A_76 : memref<1x64xi32, #tpu.memory_space<vmem>> -> memref<64xi32, #tpu.memory_space<vmem>>
      %dma_start3A_78 = arith.constant 0 : i32
      %dma_start3A_79 = arith.constant 0 : i32
      %dma_start3A_80 = tpu.memref_slice %arg2[%dma_start3A_78, %dma_start3A_79] : memref<100000x128xf32, #tpu.memory_space<hbm>> -> memref<100000x128xf32, #tpu.memory_space<hbm>>
      tpu.enqueue_indirect_dma source(%dma_start3A_80 : memref<100000x128xf32, #tpu.memory_space<hbm>>) target(%dma_start3A_74 : memref<64x128xf32, #tpu.memory_space<vmem>>) offsets(%dma_start3A_77 : memref<64xi32, #tpu.memory_space<vmem>>) semaphore(%arg13 : memref<!tpu.dma_semaphore, #tpu.memory_space<semaphore_mem>>)
      %dma_start3A_81 = arith.constant 6 : i32
      %dma_start3A_82 = arith.constant 6 : i32
      %dma_start3A_83 = arith.constant 0 : i32
      %dma_start3A_84 = arith.constant 0 : i32
      %dma_start3A_85 = tpu.memref_slice %arg7[%dma_start3A_82, %dma_start3A_83, %dma_start3A_84] : memref<14x64x128xf32, #tpu.memory_space<vmem>> -> memref<1x64x128xf32, #tpu.memory_space<vmem>>
      %dma_start3A_86 = tpu.memref_squeeze %dma_start3A_85 : memref<1x64x128xf32, #tpu.memory_space<vmem>> -> memref<64x128xf32, #tpu.memory_space<vmem>>
      %dma_start3A_87 = arith.constant 0 : i32
      %dma_start3A_88 = tpu.memref_slice %arg6[%dma_start3A_81, %dma_start3A_87] : memref<16x64xi32, #tpu.memory_space<vmem>> -> memref<1x64xi32, #tpu.memory_space<vmem>>
      %dma_start3A_89 = tpu.memref_squeeze %dma_start3A_88 : memref<1x64xi32, #tpu.memory_space<vmem>> -> memref<64xi32, #tpu.memory_space<vmem>>
      %dma_start3A_90 = arith.constant 0 : i32
      %dma_start3A_91 = arith.constant 0 : i32
      %dma_start3A_92 = tpu.memref_slice %arg2[%dma_start3A_90, %dma_start3A_91] : memref<100000x128xf32, #tpu.memory_space<hbm>> -> memref<100000x128xf32, #tpu.memory_space<hbm>>
      tpu.enqueue_indirect_dma source(%dma_start3A_92 : memref<100000x128xf32, #tpu.memory_space<hbm>>) target(%dma_start3A_86 : memref<64x128xf32, #tpu.memory_space<vmem>>) offsets(%dma_start3A_89 : memref<64xi32, #tpu.memory_space<vmem>>) semaphore(%arg14 : memref<!tpu.dma_semaphore, #tpu.memory_space<semaphore_mem>>)
      %dma_start3A_93 = arith.constant 7 : i32
      %dma_start3A_94 = arith.constant 7 : i32
      %dma_start3A_95 = arith.constant 0 : i32
      %dma_start3A_96 = arith.constant 0 : i32
      %dma_start3A_97 = tpu.memref_slice %arg7[%dma_start3A_94, %dma_start3A_95, %dma_start3A_96] : memref<14x64x128xf32, #tpu.memory_space<vmem>> -> memref<1x64x128xf32, #tpu.memory_space<vmem>>
      %dma_start3A_98 = tpu.memref_squeeze %dma_start3A_97 : memref<1x64x128xf32, #tpu.memory_space<vmem>> -> memref<64x128xf32, #tpu.memory_space<vmem>>
      %dma_start3A_99 = arith.constant 0 : i32
      %dma_start3A_100 = tpu.memref_slice %arg6[%dma_start3A_93, %dma_start3A_99] : memref<16x64xi32, #tpu.memory_space<vmem>> -> memref<1x64xi32, #tpu.memory_space<vmem>>
      %dma_start3A_101 = tpu.memref_squeeze %dma_start3A_100 : memref<1x64xi32, #tpu.memory_space<vmem>> -> memref<64xi32, #tpu.memory_space<vmem>>
      %dma_start3A_102 = arith.constant 0 : i32
      %dma_start3A_103 = arith.constant 0 : i32
      %dma_start3A_104 = tpu.memref_slice %arg2[%dma_start3A_102, %dma_start3A_103] : memref<100000x128xf32, #tpu.memory_space<hbm>> -> memref<100000x128xf32, #tpu.memory_space<hbm>>
      tpu.enqueue_indirect_dma source(%dma_start3A_104 : memref<100000x128xf32, #tpu.memory_space<hbm>>) target(%dma_start3A_98 : memref<64x128xf32, #tpu.memory_space<vmem>>) offsets(%dma_start3A_101 : memref<64xi32, #tpu.memory_space<vmem>>) semaphore(%arg15 : memref<!tpu.dma_semaphore, #tpu.memory_space<semaphore_mem>>)
      %dma_start3A_105 = arith.constant 8 : i32
      %dma_start3A_106 = arith.constant 8 : i32
      %dma_start3A_107 = arith.constant 0 : i32
      %dma_start3A_108 = arith.constant 0 : i32
      %dma_start3A_109 = tpu.memref_slice %arg7[%dma_start3A_106, %dma_start3A_107, %dma_start3A_108] : memref<14x64x128xf32, #tpu.memory_space<vmem>> -> memref<1x64x128xf32, #tpu.memory_space<vmem>>
      %dma_start3A_110 = tpu.memref_squeeze %dma_start3A_109 : memref<1x64x128xf32, #tpu.memory_space<vmem>> -> memref<64x128xf32, #tpu.memory_space<vmem>>
      %dma_start3A_111 = arith.constant 0 : i32
      %dma_start3A_112 = tpu.memref_slice %arg6[%dma_start3A_105, %dma_start3A_111] : memref<16x64xi32, #tpu.memory_space<vmem>> -> memref<1x64xi32, #tpu.memory_space<vmem>>
      %dma_start3A_113 = tpu.memref_squeeze %dma_start3A_112 : memref<1x64xi32, #tpu.memory_space<vmem>> -> memref<64xi32, #tpu.memory_space<vmem>>
      %dma_start3A_114 = arith.constant 0 : i32
      %dma_start3A_115 = arith.constant 0 : i32
      %dma_start3A_116 = tpu.memref_slice %arg2[%dma_start3A_114, %dma_start3A_115] : memref<100000x128xf32, #tpu.memory_space<hbm>> -> memref<100000x128xf32, #tpu.memory_space<hbm>>
      tpu.enqueue_indirect_dma source(%dma_start3A_116 : memref<100000x128xf32, #tpu.memory_space<hbm>>) target(%dma_start3A_110 : memref<64x128xf32, #tpu.memory_space<vmem>>) offsets(%dma_start3A_113 : memref<64xi32, #tpu.memory_space<vmem>>) semaphore(%arg16 : memref<!tpu.dma_semaphore, #tpu.memory_space<semaphore_mem>>)
      %dma_start3A_117 = arith.constant 9 : i32
      %dma_start3A_118 = arith.constant 9 : i32
      %dma_start3A_119 = arith.constant 0 : i32
      %dma_start3A_120 = arith.constant 0 : i32
      %dma_start3A_121 = tpu.memref_slice %arg7[%dma_start3A_118, %dma_start3A_119, %dma_start3A_120] : memref<14x64x128xf32, #tpu.memory_space<vmem>> -> memref<1x64x128xf32, #tpu.memory_space<vmem>>
      %dma_start3A_122 = tpu.memref_squeeze %dma_start3A_121 : memref<1x64x128xf32, #tpu.memory_space<vmem>> -> memref<64x128xf32, #tpu.memory_space<vmem>>
      %dma_start3A_123 = arith.constant 0 : i32
      %dma_start3A_124 = tpu.memref_slice %arg6[%dma_start3A_117, %dma_start3A_123] : memref<16x64xi32, #tpu.memory_space<vmem>> -> memref<1x64xi32, #tpu.memory_space<vmem>>
      %dma_start3A_125 = tpu.memref_squeeze %dma_start3A_124 : memref<1x64xi32, #tpu.memory_space<vmem>> -> memref<64xi32, #tpu.memory_space<vmem>>
      %dma_start3A_126 = arith.constant 0 : i32
      %dma_start3A_127 = arith.constant 0 : i32
      %dma_start3A_128 = tpu.memref_slice %arg2[%dma_start3A_126, %dma_start3A_127] : memref<100000x128xf32, #tpu.memory_space<hbm>> -> memref<100000x128xf32, #tpu.memory_space<hbm>>
      tpu.enqueue_indirect_dma source(%dma_start3A_128 : memref<100000x128xf32, #tpu.memory_space<hbm>>) target(%dma_start3A_122 : memref<64x128xf32, #tpu.memory_space<vmem>>) offsets(%dma_start3A_125 : memref<64xi32, #tpu.memory_space<vmem>>) semaphore(%arg17 : memref<!tpu.dma_semaphore, #tpu.memory_space<semaphore_mem>>)
      %dma_start3A_129 = arith.constant 10 : i32
      %dma_start3A_130 = arith.constant 10 : i32
      %dma_start3A_131 = arith.constant 0 : i32
      %dma_start3A_132 = arith.constant 0 : i32
      %dma_start3A_133 = tpu.memref_slice %arg7[%dma_start3A_130, %dma_start3A_131, %dma_start3A_132] : memref<14x64x128xf32, #tpu.memory_space<vmem>> -> memref<1x64x128xf32, #tpu.memory_space<vmem>>
      %dma_start3A_134 = tpu.memref_squeeze %dma_start3A_133 : memref<1x64x128xf32, #tpu.memory_space<vmem>> -> memref<64x128xf32, #tpu.memory_space<vmem>>
      %dma_start3A_135 = arith.constant 0 : i32
      %dma_start3A_136 = tpu.memref_slice %arg6[%dma_start3A_129, %dma_start3A_135] : memref<16x64xi32, #tpu.memory_space<vmem>> -> memref<1x64xi32, #tpu.memory_space<vmem>>
      %dma_start3A_137 = tpu.memref_squeeze %dma_start3A_136 : memref<1x64xi32, #tpu.memory_space<vmem>> -> memref<64xi32, #tpu.memory_space<vmem>>
      %dma_start3A_138 = arith.constant 0 : i32
      %dma_start3A_139 = arith.constant 0 : i32
      %dma_start3A_140 = tpu.memref_slice %arg2[%dma_start3A_138, %dma_start3A_139] : memref<100000x128xf32, #tpu.memory_space<hbm>> -> memref<100000x128xf32, #tpu.memory_space<hbm>>
      tpu.enqueue_indirect_dma source(%dma_start3A_140 : memref<100000x128xf32, #tpu.memory_space<hbm>>) target(%dma_start3A_134 : memref<64x128xf32, #tpu.memory_space<vmem>>) offsets(%dma_start3A_137 : memref<64xi32, #tpu.memory_space<vmem>>) semaphore(%arg18 : memref<!tpu.dma_semaphore, #tpu.memory_space<semaphore_mem>>)
      %dma_start3A_141 = arith.constant 11 : i32
      %dma_start3A_142 = arith.constant 11 : i32
      %dma_start3A_143 = arith.constant 0 : i32
      %dma_start3A_144 = arith.constant 0 : i32
      %dma_start3A_145 = tpu.memref_slice %arg7[%dma_start3A_142, %dma_start3A_143, %dma_start3A_144] : memref<14x64x128xf32, #tpu.memory_space<vmem>> -> memref<1x64x128xf32, #tpu.memory_space<vmem>>
      %dma_start3A_146 = tpu.memref_squeeze %dma_start3A_145 : memref<1x64x128xf32, #tpu.memory_space<vmem>> -> memref<64x128xf32, #tpu.memory_space<vmem>>
      %dma_start3A_147 = arith.constant 0 : i32
      %dma_start3A_148 = tpu.memref_slice %arg6[%dma_start3A_141, %dma_start3A_147] : memref<16x64xi32, #tpu.memory_space<vmem>> -> memref<1x64xi32, #tpu.memory_space<vmem>>
      %dma_start3A_149 = tpu.memref_squeeze %dma_start3A_148 : memref<1x64xi32, #tpu.memory_space<vmem>> -> memref<64xi32, #tpu.memory_space<vmem>>
      %dma_start3A_150 = arith.constant 0 : i32
      %dma_start3A_151 = arith.constant 0 : i32
      %dma_start3A_152 = tpu.memref_slice %arg2[%dma_start3A_150, %dma_start3A_151] : memref<100000x128xf32, #tpu.memory_space<hbm>> -> memref<100000x128xf32, #tpu.memory_space<hbm>>
      tpu.enqueue_indirect_dma source(%dma_start3A_152 : memref<100000x128xf32, #tpu.memory_space<hbm>>) target(%dma_start3A_146 : memref<64x128xf32, #tpu.memory_space<vmem>>) offsets(%dma_start3A_149 : memref<64xi32, #tpu.memory_space<vmem>>) semaphore(%arg19 : memref<!tpu.dma_semaphore, #tpu.memory_space<semaphore_mem>>)
      %dma_start3A_153 = arith.constant 12 : i32
      %dma_start3A_154 = arith.constant 12 : i32
      %dma_start3A_155 = arith.constant 0 : i32
      %dma_start3A_156 = arith.constant 0 : i32
      %dma_start3A_157 = tpu.memref_slice %arg7[%dma_start3A_154, %dma_start3A_155, %dma_start3A_156] : memref<14x64x128xf32, #tpu.memory_space<vmem>> -> memref<1x64x128xf32, #tpu.memory_space<vmem>>
      %dma_start3A_158 = tpu.memref_squeeze %dma_start3A_157 : memref<1x64x128xf32, #tpu.memory_space<vmem>> -> memref<64x128xf32, #tpu.memory_space<vmem>>
      %dma_start3A_159 = arith.constant 0 : i32
      %dma_start3A_160 = tpu.memref_slice %arg6[%dma_start3A_153, %dma_start3A_159] : memref<16x64xi32, #tpu.memory_space<vmem>> -> memref<1x64xi32, #tpu.memory_space<vmem>>
      %dma_start3A_161 = tpu.memref_squeeze %dma_start3A_160 : memref<1x64xi32, #tpu.memory_space<vmem>> -> memref<64xi32, #tpu.memory_space<vmem>>
      %dma_start3A_162 = arith.constant 0 : i32
      %dma_start3A_163 = arith.constant 0 : i32
      %dma_start3A_164 = tpu.memref_slice %arg2[%dma_start3A_162, %dma_start3A_163] : memref<100000x128xf32, #tpu.memory_space<hbm>> -> memref<100000x128xf32, #tpu.memory_space<hbm>>
      tpu.enqueue_indirect_dma source(%dma_start3A_164 : memref<100000x128xf32, #tpu.memory_space<hbm>>) target(%dma_start3A_158 : memref<64x128xf32, #tpu.memory_space<vmem>>) offsets(%dma_start3A_161 : memref<64xi32, #tpu.memory_space<vmem>>) semaphore(%arg20 : memref<!tpu.dma_semaphore, #tpu.memory_space<semaphore_mem>>)
      %dma_start3A_165 = arith.constant 13 : i32
      %dma_start3A_166 = arith.constant 13 : i32
      %dma_start3A_167 = arith.constant 0 : i32
      %dma_start3A_168 = arith.constant 0 : i32
      %dma_start3A_169 = tpu.memref_slice %arg7[%dma_start3A_166, %dma_start3A_167, %dma_start3A_168] : memref<14x64x128xf32, #tpu.memory_space<vmem>> -> memref<1x64x128xf32, #tpu.memory_space<vmem>>
      %dma_start3A_170 = tpu.memref_squeeze %dma_start3A_169 : memref<1x64x128xf32, #tpu.memory_space<vmem>> -> memref<64x128xf32, #tpu.memory_space<vmem>>
      %dma_start3A_171 = arith.constant 0 : i32
      %dma_start3A_172 = tpu.memref_slice %arg6[%dma_start3A_165, %dma_start3A_171] : memref<16x64xi32, #tpu.memory_space<vmem>> -> memref<1x64xi32, #tpu.memory_space<vmem>>
      %dma_start3A_173 = tpu.memref_squeeze %dma_start3A_172 : memref<1x64xi32, #tpu.memory_space<vmem>> -> memref<64xi32, #tpu.memory_space<vmem>>
      %dma_start3A_174 = arith.constant 0 : i32
      %dma_start3A_175 = arith.constant 0 : i32
      %dma_start3A_176 = tpu.memref_slice %arg2[%dma_start3A_174, %dma_start3A_175] : memref<100000x128xf32, #tpu.memory_space<hbm>> -> memref<100000x128xf32, #tpu.memory_space<hbm>>
      tpu.enqueue_indirect_dma source(%dma_start3A_176 : memref<100000x128xf32, #tpu.memory_space<hbm>>) target(%dma_start3A_170 : memref<64x128xf32, #tpu.memory_space<vmem>>) offsets(%dma_start3A_173 : memref<64xi32, #tpu.memory_space<vmem>>) semaphore(%arg21 : memref<!tpu.dma_semaphore, #tpu.memory_space<semaphore_mem>>)
      %dma_wait3A = arith.constant 0 : i32
      %dma_wait3A_177 = arith.constant 0 : i32
      %dma_wait3A_178 = arith.constant 0 : i32
      %dma_wait3A_179 = arith.constant 0 : i32
      %dma_wait3A_180 = tpu.memref_slice %arg7[%dma_wait3A_177, %dma_wait3A_178, %dma_wait3A_179] : memref<14x64x128xf32, #tpu.memory_space<vmem>> -> memref<1x64x128xf32, #tpu.memory_space<vmem>>
      %dma_wait3A_181 = tpu.memref_squeeze %dma_wait3A_180 : memref<1x64x128xf32, #tpu.memory_space<vmem>> -> memref<64x128xf32, #tpu.memory_space<vmem>>
      %dma_wait3A_182 = arith.constant 0 : i32
      %dma_wait3A_183 = tpu.memref_slice %arg6[%dma_wait3A, %dma_wait3A_182] : memref<16x64xi32, #tpu.memory_space<vmem>> -> memref<1x64xi32, #tpu.memory_space<vmem>>
      %dma_wait3A_184 = tpu.memref_squeeze %dma_wait3A_183 : memref<1x64xi32, #tpu.memory_space<vmem>> -> memref<64xi32, #tpu.memory_space<vmem>>
      %dma_wait3A_185 = arith.constant 0 : i32
      %dma_wait3A_186 = arith.constant 0 : i32
      %dma_wait3A_187 = tpu.memref_slice %arg2[%dma_wait3A_185, %dma_wait3A_186] : memref<100000x128xf32, #tpu.memory_space<hbm>> -> memref<100000x128xf32, #tpu.memory_space<hbm>>
      tpu.wait_indirect_dma semaphore(%arg8 : memref<!tpu.dma_semaphore, #tpu.memory_space<semaphore_mem>>) src(%dma_wait3A_187 : memref<100000x128xf32, #tpu.memory_space<hbm>>) dst(%dma_wait3A_181 : memref<64x128xf32, #tpu.memory_space<vmem>>)
      %add3A_188 = arith.constant 0 : i32
      %add3A_189 = arith.addi %mul3A_9, %add3A_188 : i32
      %dma_start3A_190 = arith.constant 0 : i32
      %dma_start3A_191 = arith.constant 0 : i32
      %dma_start3A_192 = arith.constant 0 : i32
      %dma_start3A_193 = arith.constant 0 : i32
      %dma_start3A_194 = tpu.memref_slice %arg7[%dma_start3A_190, %dma_start3A_192, %dma_start3A_193] : memref<14x64x128xf32, #tpu.memory_space<vmem>> -> memref<1x64x128xf32, #tpu.memory_space<vmem>>
      %dma_start3A_195 = tpu.memref_squeeze %dma_start3A_194 : memref<1x64x128xf32, #tpu.memory_space<vmem>> -> memref<64x128xf32, #tpu.memory_space<vmem>>
      %dma_start3A_196 = arith.constant 0 : i32
      %dma_start3A_197 = arith.constant 0 : i32
      %dma_start3A_198 = tpu.memref_slice %arg5[%dma_start3A_191, %dma_start3A_196, %dma_start3A_197] : memref<2x16384x128xf32, #tpu.memory_space<hbm>> -> memref<1x16384x128xf32, #tpu.memory_space<hbm>>
      %dma_start3A_199 = tpu.memref_squeeze %dma_start3A_198 : memref<1x16384x128xf32, #tpu.memory_space<hbm>> -> memref<16384x128xf32, #tpu.memory_space<hbm>>
      %dma_start3A_200 = arith.constant 0 : i32
      %dma_start3A_201 = tpu.memref_slice %dma_start3A_199[%add3A_189, %dma_start3A_200] : memref<16384x128xf32, #tpu.memory_space<hbm>> -> memref<64x128xf32, #tpu.memory_space<hbm>>
      %dma_start3A_202 = arith.constant 0 : i32
      %dma_start3A_203 = arith.constant 0 : i32
      %dma_start3A_204 = tpu.memref_slice %arg5[%dma_start3A_191, %dma_start3A_202, %dma_start3A_203] : memref<2x16384x128xf32, #tpu.memory_space<hbm>> -> memref<1x16384x128xf32, #tpu.memory_space<hbm>>
      %dma_start3A_205 = tpu.memref_squeeze %dma_start3A_204 : memref<1x16384x128xf32, #tpu.memory_space<hbm>> -> memref<16384x128xf32, #tpu.memory_space<hbm>>
      %dma_start3A_206 = arith.constant 0 : i32
      %dma_start3A_207 = tpu.memref_slice %dma_start3A_205[%add3A_189, %dma_start3A_206] : memref<16384x128xf32, #tpu.memory_space<hbm>> -> memref<64x128xf32, #tpu.memory_space<hbm>>
      %dma_start3A_208 = arith.constant 0 : i32
      %dma_start3A_209 = arith.constant 0 : i32
      %dma_start3A_210 = tpu.memref_slice %arg7[%dma_start3A_190, %dma_start3A_208, %dma_start3A_209] : memref<14x64x128xf32, #tpu.memory_space<vmem>> -> memref<1x64x128xf32, #tpu.memory_space<vmem>>
      %dma_start3A_211 = tpu.memref_squeeze %dma_start3A_210 : memref<1x64x128xf32, #tpu.memory_space<vmem>> -> memref<64x128xf32, #tpu.memory_space<vmem>>
      tpu.enqueue_dma source(%dma_start3A_211 : memref<64x128xf32, #tpu.memory_space<vmem>>) target(%dma_start3A_207 : memref<64x128xf32, #tpu.memory_space<hbm>>) target_semaphore(%arg8 : memref<!tpu.dma_semaphore, #tpu.memory_space<semaphore_mem>>)
      %dma_wait3A_212 = arith.constant 1 : i32
      %dma_wait3A_213 = arith.constant 1 : i32
      %dma_wait3A_214 = arith.constant 0 : i32
      %dma_wait3A_215 = arith.constant 0 : i32
      %dma_wait3A_216 = tpu.memref_slice %arg7[%dma_wait3A_213, %dma_wait3A_214, %dma_wait3A_215] : memref<14x64x128xf32, #tpu.memory_space<vmem>> -> memref<1x64x128xf32, #tpu.memory_space<vmem>>
      %dma_wait3A_217 = tpu.memref_squeeze %dma_wait3A_216 : memref<1x64x128xf32, #tpu.memory_space<vmem>> -> memref<64x128xf32, #tpu.memory_space<vmem>>
      %dma_wait3A_218 = arith.constant 0 : i32
      %dma_wait3A_219 = tpu.memref_slice %arg6[%dma_wait3A_212, %dma_wait3A_218] : memref<16x64xi32, #tpu.memory_space<vmem>> -> memref<1x64xi32, #tpu.memory_space<vmem>>
      %dma_wait3A_220 = tpu.memref_squeeze %dma_wait3A_219 : memref<1x64xi32, #tpu.memory_space<vmem>> -> memref<64xi32, #tpu.memory_space<vmem>>
      %dma_wait3A_221 = arith.constant 0 : i32
      %dma_wait3A_222 = arith.constant 0 : i32
      %dma_wait3A_223 = tpu.memref_slice %arg2[%dma_wait3A_221, %dma_wait3A_222] : memref<100000x128xf32, #tpu.memory_space<hbm>> -> memref<100000x128xf32, #tpu.memory_space<hbm>>
      tpu.wait_indirect_dma semaphore(%arg9 : memref<!tpu.dma_semaphore, #tpu.memory_space<semaphore_mem>>) src(%dma_wait3A_223 : memref<100000x128xf32, #tpu.memory_space<hbm>>) dst(%dma_wait3A_217 : memref<64x128xf32, #tpu.memory_space<vmem>>)
      %add3A_224 = arith.constant 64 : i32
      %add3A_225 = arith.addi %mul3A_9, %add3A_224 : i32
      %dma_start3A_226 = arith.constant 1 : i32
      %dma_start3A_227 = arith.constant 0 : i32
      %dma_start3A_228 = arith.constant 0 : i32
      %dma_start3A_229 = arith.constant 0 : i32
      %dma_start3A_230 = tpu.memref_slice %arg7[%dma_start3A_226, %dma_start3A_228, %dma_start3A_229] : memref<14x64x128xf32, #tpu.memory_space<vmem>> -> memref<1x64x128xf32, #tpu.memory_space<vmem>>
      %dma_start3A_231 = tpu.memref_squeeze %dma_start3A_230 : memref<1x64x128xf32, #tpu.memory_space<vmem>> -> memref<64x128xf32, #tpu.memory_space<vmem>>
      %dma_start3A_232 = arith.constant 0 : i32
      %dma_start3A_233 = arith.constant 0 : i32
      %dma_start3A_234 = tpu.memref_slice %arg5[%dma_start3A_227, %dma_start3A_232, %dma_start3A_233] : memref<2x16384x128xf32, #tpu.memory_space<hbm>> -> memref<1x16384x128xf32, #tpu.memory_space<hbm>>
      %dma_start3A_235 = tpu.memref_squeeze %dma_start3A_234 : memref<1x16384x128xf32, #tpu.memory_space<hbm>> -> memref<16384x128xf32, #tpu.memory_space<hbm>>
      %dma_start3A_236 = arith.constant 0 : i32
      %dma_start3A_237 = tpu.memref_slice %dma_start3A_235[%add3A_225, %dma_start3A_236] : memref<16384x128xf32, #tpu.memory_space<hbm>> -> memref<64x128xf32, #tpu.memory_space<hbm>>
      %dma_start3A_238 = arith.constant 0 : i32
      %dma_start3A_239 = arith.constant 0 : i32
      %dma_start3A_240 = tpu.memref_slice %arg5[%dma_start3A_227, %dma_start3A_238, %dma_start3A_239] : memref<2x16384x128xf32, #tpu.memory_space<hbm>> -> memref<1x16384x128xf32, #tpu.memory_space<hbm>>
      %dma_start3A_241 = tpu.memref_squeeze %dma_start3A_240 : memref<1x16384x128xf32, #tpu.memory_space<hbm>> -> memref<16384x128xf32, #tpu.memory_space<hbm>>
      %dma_start3A_242 = arith.constant 0 : i32
      %dma_start3A_243 = tpu.memref_slice %dma_start3A_241[%add3A_225, %dma_start3A_242] : memref<16384x128xf32, #tpu.memory_space<hbm>> -> memref<64x128xf32, #tpu.memory_space<hbm>>
      %dma_start3A_244 = arith.constant 0 : i32
      %dma_start3A_245 = arith.constant 0 : i32
      %dma_start3A_246 = tpu.memref_slice %arg7[%dma_start3A_226, %dma_start3A_244, %dma_start3A_245] : memref<14x64x128xf32, #tpu.memory_space<vmem>> -> memref<1x64x128xf32, #tpu.memory_space<vmem>>
      %dma_start3A_247 = tpu.memref_squeeze %dma_start3A_246 : memref<1x64x128xf32, #tpu.memory_space<vmem>> -> memref<64x128xf32, #tpu.memory_space<vmem>>
      tpu.enqueue_dma source(%dma_start3A_247 : memref<64x128xf32, #tpu.memory_space<vmem>>) target(%dma_start3A_243 : memref<64x128xf32, #tpu.memory_space<hbm>>) target_semaphore(%arg9 : memref<!tpu.dma_semaphore, #tpu.memory_space<semaphore_mem>>)
      %dma_wait3A_248 = arith.constant 0 : i32
      %dma_wait3A_249 = arith.constant 0 : i32
      %dma_wait3A_250 = arith.constant 0 : i32
      %dma_wait3A_251 = arith.constant 0 : i32
      %dma_wait3A_252 = tpu.memref_slice %arg7[%dma_wait3A_248, %dma_wait3A_250, %dma_wait3A_251] : memref<14x64x128xf32, #tpu.memory_space<vmem>> -> memref<1x64x128xf32, #tpu.memory_space<vmem>>
      %dma_wait3A_253 = tpu.memref_squeeze %dma_wait3A_252 : memref<1x64x128xf32, #tpu.memory_space<vmem>> -> memref<64x128xf32, #tpu.memory_space<vmem>>
      %dma_wait3A_254 = arith.constant 0 : i32
      %dma_wait3A_255 = arith.constant 0 : i32
      %dma_wait3A_256 = tpu.memref_slice %arg5[%dma_wait3A_249, %dma_wait3A_254, %dma_wait3A_255] : memref<2x16384x128xf32, #tpu.memory_space<hbm>> -> memref<1x16384x128xf32, #tpu.memory_space<hbm>>
      %dma_wait3A_257 = tpu.memref_squeeze %dma_wait3A_256 : memref<1x16384x128xf32, #tpu.memory_space<hbm>> -> memref<16384x128xf32, #tpu.memory_space<hbm>>
      %dma_wait3A_258 = arith.constant 0 : i32
      %dma_wait3A_259 = tpu.memref_slice %dma_wait3A_257[%add3A_189, %dma_wait3A_258] : memref<16384x128xf32, #tpu.memory_space<hbm>> -> memref<64x128xf32, #tpu.memory_space<hbm>>
      %dma_wait3A_260 = arith.constant 0 : i32
      %dma_wait3A_261 = arith.constant 0 : i32
      %dma_wait3A_262 = tpu.memref_slice %arg5[%dma_wait3A_249, %dma_wait3A_260, %dma_wait3A_261] : memref<2x16384x128xf32, #tpu.memory_space<hbm>> -> memref<1x16384x128xf32, #tpu.memory_space<hbm>>
      %dma_wait3A_263 = tpu.memref_squeeze %dma_wait3A_262 : memref<1x16384x128xf32, #tpu.memory_space<hbm>> -> memref<16384x128xf32, #tpu.memory_space<hbm>>
      %dma_wait3A_264 = arith.constant 0 : i32
      %dma_wait3A_265 = tpu.memref_slice %dma_wait3A_263[%add3A_189, %dma_wait3A_264] : memref<16384x128xf32, #tpu.memory_space<hbm>> -> memref<64x128xf32, #tpu.memory_space<hbm>>
      %dma_wait3A_266 = arith.constant 0 : i32
      %dma_wait3A_267 = arith.constant 0 : i32
      %dma_wait3A_268 = tpu.memref_slice %arg7[%dma_wait3A_248, %dma_wait3A_266, %dma_wait3A_267] : memref<14x64x128xf32, #tpu.memory_space<vmem>> -> memref<1x64x128xf32, #tpu.memory_space<vmem>>
      %dma_wait3A_269 = tpu.memref_squeeze %dma_wait3A_268 : memref<1x64x128xf32, #tpu.memory_space<vmem>> -> memref<64x128xf32, #tpu.memory_space<vmem>>
      tpu.wait_dma2 semaphore(%arg8 : memref<!tpu.dma_semaphore, #tpu.memory_space<semaphore_mem>>) src(%dma_wait3A_269 : memref<64x128xf32, #tpu.memory_space<vmem>>) dst(%dma_wait3A_265 : memref<64x128xf32, #tpu.memory_space<hbm>>)
      %dma_start3A_270 = arith.constant 14 : i32
      %dma_start3A_271 = arith.constant 0 : i32
      %dma_start3A_272 = arith.constant 0 : i32
      %dma_start3A_273 = arith.constant 0 : i32
      %dma_start3A_274 = tpu.memref_slice %arg7[%dma_start3A_271, %dma_start3A_272, %dma_start3A_273] : memref<14x64x128xf32, #tpu.memory_space<vmem>> -> memref<1x64x128xf32, #tpu.memory_space<vmem>>
      %dma_start3A_275 = tpu.memref_squeeze %dma_start3A_274 : memref<1x64x128xf32, #tpu.memory_space<vmem>> -> memref<64x128xf32, #tpu.memory_space<vmem>>
      %dma_start3A_276 = arith.constant 0 : i32
      %dma_start3A_277 = tpu.memref_slice %arg6[%dma_start3A_270, %dma_start3A_276] : memref<16x64xi32, #tpu.memory_space<vmem>> -> memref<1x64xi32, #tpu.memory_space<vmem>>
      %dma_start3A_278 = tpu.memref_squeeze %dma_start3A_277 : memref<1x64xi32, #tpu.memory_space<vmem>> -> memref<64xi32, #tpu.memory_space<vmem>>
      %dma_start3A_279 = arith.constant 0 : i32
      %dma_start3A_280 = arith.constant 0 : i32
      %dma_start3A_281 = tpu.memref_slice %arg2[%dma_start3A_279, %dma_start3A_280] : memref<100000x128xf32, #tpu.memory_space<hbm>> -> memref<100000x128xf32, #tpu.memory_space<hbm>>
      tpu.enqueue_indirect_dma source(%dma_start3A_281 : memref<100000x128xf32, #tpu.memory_space<hbm>>) target(%dma_start3A_275 : memref<64x128xf32, #tpu.memory_space<vmem>>) offsets(%dma_start3A_278 : memref<64xi32, #tpu.memory_space<vmem>>) semaphore(%arg8 : memref<!tpu.dma_semaphore, #tpu.memory_space<semaphore_mem>>)
      %dma_wait3A_282 = arith.constant 2 : i32
      %dma_wait3A_283 = arith.constant 2 : i32
      %dma_wait3A_284 = arith.constant 0 : i32
      %dma_wait3A_285 = arith.constant 0 : i32
      %dma_wait3A_286 = tpu.memref_slice %arg7[%dma_wait3A_283, %dma_wait3A_284, %dma_wait3A_285] : memref<14x64x128xf32, #tpu.memory_space<vmem>> -> memref<1x64x128xf32, #tpu.memory_space<vmem>>
      %dma_wait3A_287 = tpu.memref_squeeze %dma_wait3A_286 : memref<1x64x128xf32, #tpu.memory_space<vmem>> -> memref<64x128xf32, #tpu.memory_space<vmem>>
      %dma_wait3A_288 = arith.constant 0 : i32
      %dma_wait3A_289 = tpu.memref_slice %arg6[%dma_wait3A_282, %dma_wait3A_288] : memref<16x64xi32, #tpu.memory_space<vmem>> -> memref<1x64xi32, #tpu.memory_space<vmem>>
      %dma_wait3A_290 = tpu.memref_squeeze %dma_wait3A_289 : memref<1x64xi32, #tpu.memory_space<vmem>> -> memref<64xi32, #tpu.memory_space<vmem>>
      %dma_wait3A_291 = arith.constant 0 : i32
      %dma_wait3A_292 = arith.constant 0 : i32
      %dma_wait3A_293 = tpu.memref_slice %arg2[%dma_wait3A_291, %dma_wait3A_292] : memref<100000x128xf32, #tpu.memory_space<hbm>> -> memref<100000x128xf32, #tpu.memory_space<hbm>>
      tpu.wait_indirect_dma semaphore(%arg10 : memref<!tpu.dma_semaphore, #tpu.memory_space<semaphore_mem>>) src(%dma_wait3A_293 : memref<100000x128xf32, #tpu.memory_space<hbm>>) dst(%dma_wait3A_287 : memref<64x128xf32, #tpu.memory_space<vmem>>)
      %add3A_294 = arith.constant 128 : i32
      %add3A_295 = arith.addi %mul3A_9, %add3A_294 : i32
      %dma_start3A_296 = arith.constant 2 : i32
      %dma_start3A_297 = arith.constant 0 : i32
      %dma_start3A_298 = arith.constant 0 : i32
      %dma_start3A_299 = arith.constant 0 : i32
      %dma_start3A_300 = tpu.memref_slice %arg7[%dma_start3A_296, %dma_start3A_298, %dma_start3A_299] : memref<14x64x128xf32, #tpu.memory_space<vmem>> -> memref<1x64x128xf32, #tpu.memory_space<vmem>>
      %dma_start3A_301 = tpu.memref_squeeze %dma_start3A_300 : memref<1x64x128xf32, #tpu.memory_space<vmem>> -> memref<64x128xf32, #tpu.memory_space<vmem>>
      %dma_start3A_302 = arith.constant 0 : i32
      %dma_start3A_303 = arith.constant 0 : i32
      %dma_start3A_304 = tpu.memref_slice %arg5[%dma_start3A_297, %dma_start3A_302, %dma_start3A_303] : memref<2x16384x128xf32, #tpu.memory_space<hbm>> -> memref<1x16384x128xf32, #tpu.memory_space<hbm>>
      %dma_start3A_305 = tpu.memref_squeeze %dma_start3A_304 : memref<1x16384x128xf32, #tpu.memory_space<hbm>> -> memref<16384x128xf32, #tpu.memory_space<hbm>>
      %dma_start3A_306 = arith.constant 0 : i32
      %dma_start3A_307 = tpu.memref_slice %dma_start3A_305[%add3A_295, %dma_start3A_306] : memref<16384x128xf32, #tpu.memory_space<hbm>> -> memref<64x128xf32, #tpu.memory_space<hbm>>
      %dma_start3A_308 = arith.constant 0 : i32
      %dma_start3A_309 = arith.constant 0 : i32
      %dma_start3A_310 = tpu.memref_slice %arg5[%dma_start3A_297, %dma_start3A_308, %dma_start3A_309] : memref<2x16384x128xf32, #tpu.memory_space<hbm>> -> memref<1x16384x128xf32, #tpu.memory_space<hbm>>
      %dma_start3A_311 = tpu.memref_squeeze %dma_start3A_310 : memref<1x16384x128xf32, #tpu.memory_space<hbm>> -> memref<16384x128xf32, #tpu.memory_space<hbm>>
      %dma_start3A_312 = arith.constant 0 : i32
      %dma_start3A_313 = tpu.memref_slice %dma_start3A_311[%add3A_295, %dma_start3A_312] : memref<16384x128xf32, #tpu.memory_space<hbm>> -> memref<64x128xf32, #tpu.memory_space<hbm>>
      %dma_start3A_314 = arith.constant 0 : i32
      %dma_start3A_315 = arith.constant 0 : i32
      %dma_start3A_316 = tpu.memref_slice %arg7[%dma_start3A_296, %dma_start3A_314, %dma_start3A_315] : memref<14x64x128xf32, #tpu.memory_space<vmem>> -> memref<1x64x128xf32, #tpu.memory_space<vmem>>
      %dma_start3A_317 = tpu.memref_squeeze %dma_start3A_316 : memref<1x64x128xf32, #tpu.memory_space<vmem>> -> memref<64x128xf32, #tpu.memory_space<vmem>>
      tpu.enqueue_dma source(%dma_start3A_317 : memref<64x128xf32, #tpu.memory_space<vmem>>) target(%dma_start3A_313 : memref<64x128xf32, #tpu.memory_space<hbm>>) target_semaphore(%arg10 : memref<!tpu.dma_semaphore, #tpu.memory_space<semaphore_mem>>)
      %dma_wait3A_318 = arith.constant 1 : i32
      %dma_wait3A_319 = arith.constant 0 : i32
      %dma_wait3A_320 = arith.constant 0 : i32
      %dma_wait3A_321 = arith.constant 0 : i32
      %dma_wait3A_322 = tpu.memref_slice %arg7[%dma_wait3A_318, %dma_wait3A_320, %dma_wait3A_321] : memref<14x64x128xf32, #tpu.memory_space<vmem>> -> memref<1x64x128xf32, #tpu.memory_space<vmem>>
      %dma_wait3A_323 = tpu.memref_squeeze %dma_wait3A_322 : memref<1x64x128xf32, #tpu.memory_space<vmem>> -> memref<64x128xf32, #tpu.memory_space<vmem>>
      %dma_wait3A_324 = arith.constant 0 : i32
      %dma_wait3A_325 = arith.constant 0 : i32
      %dma_wait3A_326 = tpu.memref_slice %arg5[%dma_wait3A_319, %dma_wait3A_324, %dma_wait3A_325] : memref<2x16384x128xf32, #tpu.memory_space<hbm>> -> memref<1x16384x128xf32, #tpu.memory_space<hbm>>
      %dma_wait3A_327 = tpu.memref_squeeze %dma_wait3A_326 : memref<1x16384x128xf32, #tpu.memory_space<hbm>> -> memref<16384x128xf32, #tpu.memory_space<hbm>>
      %dma_wait3A_328 = arith.constant 0 : i32
      %dma_wait3A_329 = tpu.memref_slice %dma_wait3A_327[%add3A_225, %dma_wait3A_328] : memref<16384x128xf32, #tpu.memory_space<hbm>> -> memref<64x128xf32, #tpu.memory_space<hbm>>
      %dma_wait3A_330 = arith.constant 0 : i32
      %dma_wait3A_331 = arith.constant 0 : i32
      %dma_wait3A_332 = tpu.memref_slice %arg5[%dma_wait3A_319, %dma_wait3A_330, %dma_wait3A_331] : memref<2x16384x128xf32, #tpu.memory_space<hbm>> -> memref<1x16384x128xf32, #tpu.memory_space<hbm>>
      %dma_wait3A_333 = tpu.memref_squeeze %dma_wait3A_332 : memref<1x16384x128xf32, #tpu.memory_space<hbm>> -> memref<16384x128xf32, #tpu.memory_space<hbm>>
      %dma_wait3A_334 = arith.constant 0 : i32
      %dma_wait3A_335 = tpu.memref_slice %dma_wait3A_333[%add3A_225, %dma_wait3A_334] : memref<16384x128xf32, #tpu.memory_space<hbm>> -> memref<64x128xf32, #tpu.memory_space<hbm>>
      %dma_wait3A_336 = arith.constant 0 : i32
      %dma_wait3A_337 = arith.constant 0 : i32
      %dma_wait3A_338 = tpu.memref_slice %arg7[%dma_wait3A_318, %dma_wait3A_336, %dma_wait3A_337] : memref<14x64x128xf32, #tpu.memory_space<vmem>> -> memref<1x64x128xf32, #tpu.memory_space<vmem>>
      %dma_wait3A_339 = tpu.memref_squeeze %dma_wait3A_338 : memref<1x64x128xf32, #tpu.memory_space<vmem>> -> memref<64x128xf32, #tpu.memory_space<vmem>>
      tpu.wait_dma2 semaphore(%arg9 : memref<!tpu.dma_semaphore, #tpu.memory_space<semaphore_mem>>) src(%dma_wait3A_339 : memref<64x128xf32, #tpu.memory_space<vmem>>) dst(%dma_wait3A_335 : memref<64x128xf32, #tpu.memory_space<hbm>>)
      %dma_start3A_340 = arith.constant 15 : i32
      %dma_start3A_341 = arith.constant 1 : i32
      %dma_start3A_342 = arith.constant 0 : i32
      %dma_start3A_343 = arith.constant 0 : i32
      %dma_start3A_344 = tpu.memref_slice %arg7[%dma_start3A_341, %dma_start3A_342, %dma_start3A_343] : memref<14x64x128xf32, #tpu.memory_space<vmem>> -> memref<1x64x128xf32, #tpu.memory_space<vmem>>
      %dma_start3A_345 = tpu.memref_squeeze %dma_start3A_344 : memref<1x64x128xf32, #tpu.memory_space<vmem>> -> memref<64x128xf32, #tpu.memory_space<vmem>>
      %dma_start3A_346 = arith.constant 0 : i32
      %dma_start3A_347 = tpu.memref_slice %arg6[%dma_start3A_340, %dma_start3A_346] : memref<16x64xi32, #tpu.memory_space<vmem>> -> memref<1x64xi32, #tpu.memory_space<vmem>>
      %dma_start3A_348 = tpu.memref_squeeze %dma_start3A_347 : memref<1x64xi32, #tpu.memory_space<vmem>> -> memref<64xi32, #tpu.memory_space<vmem>>
      %dma_start3A_349 = arith.constant 0 : i32
      %dma_start3A_350 = arith.constant 0 : i32
      %dma_start3A_351 = tpu.memref_slice %arg2[%dma_start3A_349, %dma_start3A_350] : memref<100000x128xf32, #tpu.memory_space<hbm>> -> memref<100000x128xf32, #tpu.memory_space<hbm>>
      tpu.enqueue_indirect_dma source(%dma_start3A_351 : memref<100000x128xf32, #tpu.memory_space<hbm>>) target(%dma_start3A_345 : memref<64x128xf32, #tpu.memory_space<vmem>>) offsets(%dma_start3A_348 : memref<64xi32, #tpu.memory_space<vmem>>) semaphore(%arg9 : memref<!tpu.dma_semaphore, #tpu.memory_space<semaphore_mem>>)
      %dma_wait3A_352 = arith.constant 3 : i32
      %dma_wait3A_353 = arith.constant 3 : i32
      %dma_wait3A_354 = arith.constant 0 : i32
      %dma_wait3A_355 = arith.constant 0 : i32
      %dma_wait3A_356 = tpu.memref_slice %arg7[%dma_wait3A_353, %dma_wait3A_354, %dma_wait3A_355] : memref<14x64x128xf32, #tpu.memory_space<vmem>> -> memref<1x64x128xf32, #tpu.memory_space<vmem>>
      %dma_wait3A_357 = tpu.memref_squeeze %dma_wait3A_356 : memref<1x64x128xf32, #tpu.memory_space<vmem>> -> memref<64x128xf32, #tpu.memory_space<vmem>>
      %dma_wait3A_358 = arith.constant 0 : i32
      %dma_wait3A_359 = tpu.memref_slice %arg6[%dma_wait3A_352, %dma_wait3A_358] : memref<16x64xi32, #tpu.memory_space<vmem>> -> memref<1x64xi32, #tpu.memory_space<vmem>>
      %dma_wait3A_360 = tpu.memref_squeeze %dma_wait3A_359 : memref<1x64xi32, #tpu.memory_space<vmem>> -> memref<64xi32, #tpu.memory_space<vmem>>
      %dma_wait3A_361 = arith.constant 0 : i32
      %dma_wait3A_362 = arith.constant 0 : i32
      %dma_wait3A_363 = tpu.memref_slice %arg2[%dma_wait3A_361, %dma_wait3A_362] : memref<100000x128xf32, #tpu.memory_space<hbm>> -> memref<100000x128xf32, #tpu.memory_space<hbm>>
      tpu.wait_indirect_dma semaphore(%arg11 : memref<!tpu.dma_semaphore, #tpu.memory_space<semaphore_mem>>) src(%dma_wait3A_363 : memref<100000x128xf32, #tpu.memory_space<hbm>>) dst(%dma_wait3A_357 : memref<64x128xf32, #tpu.memory_space<vmem>>)
      %add3A_364 = arith.constant 192 : i32
      %add3A_365 = arith.addi %mul3A_9, %add3A_364 : i32
      %dma_start3A_366 = arith.constant 3 : i32
      %dma_start3A_367 = arith.constant 0 : i32
      %dma_start3A_368 = arith.constant 0 : i32
      %dma_start3A_369 = arith.constant 0 : i32
      %dma_start3A_370 = tpu.memref_slice %arg7[%dma_start3A_366, %dma_start3A_368, %dma_start3A_369] : memref<14x64x128xf32, #tpu.memory_space<vmem>> -> memref<1x64x128xf32, #tpu.memory_space<vmem>>
      %dma_start3A_371 = tpu.memref_squeeze %dma_start3A_370 : memref<1x64x128xf32, #tpu.memory_space<vmem>> -> memref<64x128xf32, #tpu.memory_space<vmem>>
      %dma_start3A_372 = arith.constant 0 : i32
      %dma_start3A_373 = arith.constant 0 : i32
      %dma_start3A_374 = tpu.memref_slice %arg5[%dma_start3A_367, %dma_start3A_372, %dma_start3A_373] : memref<2x16384x128xf32, #tpu.memory_space<hbm>> -> memref<1x16384x128xf32, #tpu.memory_space<hbm>>
      %dma_start3A_375 = tpu.memref_squeeze %dma_start3A_374 : memref<1x16384x128xf32, #tpu.memory_space<hbm>> -> memref<16384x128xf32, #tpu.memory_space<hbm>>
      %dma_start3A_376 = arith.constant 0 : i32
      %dma_start3A_377 = tpu.memref_slice %dma_start3A_375[%add3A_365, %dma_start3A_376] : memref<16384x128xf32, #tpu.memory_space<hbm>> -> memref<64x128xf32, #tpu.memory_space<hbm>>
      %dma_start3A_378 = arith.constant 0 : i32
      %dma_start3A_379 = arith.constant 0 : i32
      %dma_start3A_380 = tpu.memref_slice %arg5[%dma_start3A_367, %dma_start3A_378, %dma_start3A_379] : memref<2x16384x128xf32, #tpu.memory_space<hbm>> -> memref<1x16384x128xf32, #tpu.memory_space<hbm>>
      %dma_start3A_381 = tpu.memref_squeeze %dma_start3A_380 : memref<1x16384x128xf32, #tpu.memory_space<hbm>> -> memref<16384x128xf32, #tpu.memory_space<hbm>>
      %dma_start3A_382 = arith.constant 0 : i32
      %dma_start3A_383 = tpu.memref_slice %dma_start3A_381[%add3A_365, %dma_start3A_382] : memref<16384x128xf32, #tpu.memory_space<hbm>> -> memref<64x128xf32, #tpu.memory_space<hbm>>
      %dma_start3A_384 = arith.constant 0 : i32
      %dma_start3A_385 = arith.constant 0 : i32
      %dma_start3A_386 = tpu.memref_slice %arg7[%dma_start3A_366, %dma_start3A_384, %dma_start3A_385] : memref<14x64x128xf32, #tpu.memory_space<vmem>> -> memref<1x64x128xf32, #tpu.memory_space<vmem>>
      %dma_start3A_387 = tpu.memref_squeeze %dma_start3A_386 : memref<1x64x128xf32, #tpu.memory_space<vmem>> -> memref<64x128xf32, #tpu.memory_space<vmem>>
      tpu.enqueue_dma source(%dma_start3A_387 : memref<64x128xf32, #tpu.memory_space<vmem>>) target(%dma_start3A_383 : memref<64x128xf32, #tpu.memory_space<hbm>>) target_semaphore(%arg11 : memref<!tpu.dma_semaphore, #tpu.memory_space<semaphore_mem>>)
      %dma_wait3A_388 = arith.constant 4 : i32
      %dma_wait3A_389 = arith.constant 4 : i32
      %dma_wait3A_390 = arith.constant 0 : i32
      %dma_wait3A_391 = arith.constant 0 : i32
      %dma_wait3A_392 = tpu.memref_slice %arg7[%dma_wait3A_389, %dma_wait3A_390, %dma_wait3A_391] : memref<14x64x128xf32, #tpu.memory_space<vmem>> -> memref<1x64x128xf32, #tpu.memory_space<vmem>>
      %dma_wait3A_393 = tpu.memref_squeeze %dma_wait3A_392 : memref<1x64x128xf32, #tpu.memory_space<vmem>> -> memref<64x128xf32, #tpu.memory_space<vmem>>
      %dma_wait3A_394 = arith.constant 0 : i32
      %dma_wait3A_395 = tpu.memref_slice %arg6[%dma_wait3A_388, %dma_wait3A_394] : memref<16x64xi32, #tpu.memory_space<vmem>> -> memref<1x64xi32, #tpu.memory_space<vmem>>
      %dma_wait3A_396 = tpu.memref_squeeze %dma_wait3A_395 : memref<1x64xi32, #tpu.memory_space<vmem>> -> memref<64xi32, #tpu.memory_space<vmem>>
      %dma_wait3A_397 = arith.constant 0 : i32
      %dma_wait3A_398 = arith.constant 0 : i32
      %dma_wait3A_399 = tpu.memref_slice %arg2[%dma_wait3A_397, %dma_wait3A_398] : memref<100000x128xf32, #tpu.memory_space<hbm>> -> memref<100000x128xf32, #tpu.memory_space<hbm>>
      tpu.wait_indirect_dma semaphore(%arg12 : memref<!tpu.dma_semaphore, #tpu.memory_space<semaphore_mem>>) src(%dma_wait3A_399 : memref<100000x128xf32, #tpu.memory_space<hbm>>) dst(%dma_wait3A_393 : memref<64x128xf32, #tpu.memory_space<vmem>>)
      %add3A_400 = arith.constant 256 : i32
      %add3A_401 = arith.addi %mul3A_9, %add3A_400 : i32
      %dma_start3A_402 = arith.constant 4 : i32
      %dma_start3A_403 = arith.constant 0 : i32
      %dma_start3A_404 = arith.constant 0 : i32
      %dma_start3A_405 = arith.constant 0 : i32
      %dma_start3A_406 = tpu.memref_slice %arg7[%dma_start3A_402, %dma_start3A_404, %dma_start3A_405] : memref<14x64x128xf32, #tpu.memory_space<vmem>> -> memref<1x64x128xf32, #tpu.memory_space<vmem>>
      %dma_start3A_407 = tpu.memref_squeeze %dma_start3A_406 : memref<1x64x128xf32, #tpu.memory_space<vmem>> -> memref<64x128xf32, #tpu.memory_space<vmem>>
      %dma_start3A_408 = arith.constant 0 : i32
      %dma_start3A_409 = arith.constant 0 : i32
      %dma_start3A_410 = tpu.memref_slice %arg5[%dma_start3A_403, %dma_start3A_408, %dma_start3A_409] : memref<2x16384x128xf32, #tpu.memory_space<hbm>> -> memref<1x16384x128xf32, #tpu.memory_space<hbm>>
      %dma_start3A_411 = tpu.memref_squeeze %dma_start3A_410 : memref<1x16384x128xf32, #tpu.memory_space<hbm>> -> memref<16384x128xf32, #tpu.memory_space<hbm>>
      %dma_start3A_412 = arith.constant 0 : i32
      %dma_start3A_413 = tpu.memref_slice %dma_start3A_411[%add3A_401, %dma_start3A_412] : memref<16384x128xf32, #tpu.memory_space<hbm>> -> memref<64x128xf32, #tpu.memory_space<hbm>>
      %dma_start3A_414 = arith.constant 0 : i32
      %dma_start3A_415 = arith.constant 0 : i32
      %dma_start3A_416 = tpu.memref_slice %arg5[%dma_start3A_403, %dma_start3A_414, %dma_start3A_415] : memref<2x16384x128xf32, #tpu.memory_space<hbm>> -> memref<1x16384x128xf32, #tpu.memory_space<hbm>>
      %dma_start3A_417 = tpu.memref_squeeze %dma_start3A_416 : memref<1x16384x128xf32, #tpu.memory_space<hbm>> -> memref<16384x128xf32, #tpu.memory_space<hbm>>
      %dma_start3A_418 = arith.constant 0 : i32
      %dma_start3A_419 = tpu.memref_slice %dma_start3A_417[%add3A_401, %dma_start3A_418] : memref<16384x128xf32, #tpu.memory_space<hbm>> -> memref<64x128xf32, #tpu.memory_space<hbm>>
      %dma_start3A_420 = arith.constant 0 : i32
      %dma_start3A_421 = arith.constant 0 : i32
      %dma_start3A_422 = tpu.memref_slice %arg7[%dma_start3A_402, %dma_start3A_420, %dma_start3A_421] : memref<14x64x128xf32, #tpu.memory_space<vmem>> -> memref<1x64x128xf32, #tpu.memory_space<vmem>>
      %dma_start3A_423 = tpu.memref_squeeze %dma_start3A_422 : memref<1x64x128xf32, #tpu.memory_space<vmem>> -> memref<64x128xf32, #tpu.memory_space<vmem>>
      tpu.enqueue_dma source(%dma_start3A_423 : memref<64x128xf32, #tpu.memory_space<vmem>>) target(%dma_start3A_419 : memref<64x128xf32, #tpu.memory_space<hbm>>) target_semaphore(%arg12 : memref<!tpu.dma_semaphore, #tpu.memory_space<semaphore_mem>>)
      %dma_wait3A_424 = arith.constant 5 : i32
      %dma_wait3A_425 = arith.constant 5 : i32
      %dma_wait3A_426 = arith.constant 0 : i32
      %dma_wait3A_427 = arith.constant 0 : i32
      %dma_wait3A_428 = tpu.memref_slice %arg7[%dma_wait3A_425, %dma_wait3A_426, %dma_wait3A_427] : memref<14x64x128xf32, #tpu.memory_space<vmem>> -> memref<1x64x128xf32, #tpu.memory_space<vmem>>
      %dma_wait3A_429 = tpu.memref_squeeze %dma_wait3A_428 : memref<1x64x128xf32, #tpu.memory_space<vmem>> -> memref<64x128xf32, #tpu.memory_space<vmem>>
      %dma_wait3A_430 = arith.constant 0 : i32
      %dma_wait3A_431 = tpu.memref_slice %arg6[%dma_wait3A_424, %dma_wait3A_430] : memref<16x64xi32, #tpu.memory_space<vmem>> -> memref<1x64xi32, #tpu.memory_space<vmem>>
      %dma_wait3A_432 = tpu.memref_squeeze %dma_wait3A_431 : memref<1x64xi32, #tpu.memory_space<vmem>> -> memref<64xi32, #tpu.memory_space<vmem>>
      %dma_wait3A_433 = arith.constant 0 : i32
      %dma_wait3A_434 = arith.constant 0 : i32
      %dma_wait3A_435 = tpu.memref_slice %arg2[%dma_wait3A_433, %dma_wait3A_434] : memref<100000x128xf32, #tpu.memory_space<hbm>> -> memref<100000x128xf32, #tpu.memory_space<hbm>>
      tpu.wait_indirect_dma semaphore(%arg13 : memref<!tpu.dma_semaphore, #tpu.memory_space<semaphore_mem>>) src(%dma_wait3A_435 : memref<100000x128xf32, #tpu.memory_space<hbm>>) dst(%dma_wait3A_429 : memref<64x128xf32, #tpu.memory_space<vmem>>)
      %add3A_436 = arith.constant 320 : i32
      %add3A_437 = arith.addi %mul3A_9, %add3A_436 : i32
      %dma_start3A_438 = arith.constant 5 : i32
      %dma_start3A_439 = arith.constant 0 : i32
      %dma_start3A_440 = arith.constant 0 : i32
      %dma_start3A_441 = arith.constant 0 : i32
      %dma_start3A_442 = tpu.memref_slice %arg7[%dma_start3A_438, %dma_start3A_440, %dma_start3A_441] : memref<14x64x128xf32, #tpu.memory_space<vmem>> -> memref<1x64x128xf32, #tpu.memory_space<vmem>>
      %dma_start3A_443 = tpu.memref_squeeze %dma_start3A_442 : memref<1x64x128xf32, #tpu.memory_space<vmem>> -> memref<64x128xf32, #tpu.memory_space<vmem>>
      %dma_start3A_444 = arith.constant 0 : i32
      %dma_start3A_445 = arith.constant 0 : i32
      %dma_start3A_446 = tpu.memref_slice %arg5[%dma_start3A_439, %dma_start3A_444, %dma_start3A_445] : memref<2x16384x128xf32, #tpu.memory_space<hbm>> -> memref<1x16384x128xf32, #tpu.memory_space<hbm>>
      %dma_start3A_447 = tpu.memref_squeeze %dma_start3A_446 : memref<1x16384x128xf32, #tpu.memory_space<hbm>> -> memref<16384x128xf32, #tpu.memory_space<hbm>>
      %dma_start3A_448 = arith.constant 0 : i32
      %dma_start3A_449 = tpu.memref_slice %dma_start3A_447[%add3A_437, %dma_start3A_448] : memref<16384x128xf32, #tpu.memory_space<hbm>> -> memref<64x128xf32, #tpu.memory_space<hbm>>
      %dma_start3A_450 = arith.constant 0 : i32
      %dma_start3A_451 = arith.constant 0 : i32
      %dma_start3A_452 = tpu.memref_slice %arg5[%dma_start3A_439, %dma_start3A_450, %dma_start3A_451] : memref<2x16384x128xf32, #tpu.memory_space<hbm>> -> memref<1x16384x128xf32, #tpu.memory_space<hbm>>
      %dma_start3A_453 = tpu.memref_squeeze %dma_start3A_452 : memref<1x16384x128xf32, #tpu.memory_space<hbm>> -> memref<16384x128xf32, #tpu.memory_space<hbm>>
      %dma_start3A_454 = arith.constant 0 : i32
      %dma_start3A_455 = tpu.memref_slice %dma_start3A_453[%add3A_437, %dma_start3A_454] : memref<16384x128xf32, #tpu.memory_space<hbm>> -> memref<64x128xf32, #tpu.memory_space<hbm>>
      %dma_start3A_456 = arith.constant 0 : i32
      %dma_start3A_457 = arith.constant 0 : i32
      %dma_start3A_458 = tpu.memref_slice %arg7[%dma_start3A_438, %dma_start3A_456, %dma_start3A_457] : memref<14x64x128xf32, #tpu.memory_space<vmem>> -> memref<1x64x128xf32, #tpu.memory_space<vmem>>
      %dma_start3A_459 = tpu.memref_squeeze %dma_start3A_458 : memref<1x64x128xf32, #tpu.memory_space<vmem>> -> memref<64x128xf32, #tpu.memory_space<vmem>>
      tpu.enqueue_dma source(%dma_start3A_459 : memref<64x128xf32, #tpu.memory_space<vmem>>) target(%dma_start3A_455 : memref<64x128xf32, #tpu.memory_space<hbm>>) target_semaphore(%arg13 : memref<!tpu.dma_semaphore, #tpu.memory_space<semaphore_mem>>)
      %dma_wait3A_460 = arith.constant 6 : i32
      %dma_wait3A_461 = arith.constant 6 : i32
      %dma_wait3A_462 = arith.constant 0 : i32
      %dma_wait3A_463 = arith.constant 0 : i32
      %dma_wait3A_464 = tpu.memref_slice %arg7[%dma_wait3A_461, %dma_wait3A_462, %dma_wait3A_463] : memref<14x64x128xf32, #tpu.memory_space<vmem>> -> memref<1x64x128xf32, #tpu.memory_space<vmem>>
      %dma_wait3A_465 = tpu.memref_squeeze %dma_wait3A_464 : memref<1x64x128xf32, #tpu.memory_space<vmem>> -> memref<64x128xf32, #tpu.memory_space<vmem>>
      %dma_wait3A_466 = arith.constant 0 : i32
      %dma_wait3A_467 = tpu.memref_slice %arg6[%dma_wait3A_460, %dma_wait3A_466] : memref<16x64xi32, #tpu.memory_space<vmem>> -> memref<1x64xi32, #tpu.memory_space<vmem>>
      %dma_wait3A_468 = tpu.memref_squeeze %dma_wait3A_467 : memref<1x64xi32, #tpu.memory_space<vmem>> -> memref<64xi32, #tpu.memory_space<vmem>>
      %dma_wait3A_469 = arith.constant 0 : i32
      %dma_wait3A_470 = arith.constant 0 : i32
      %dma_wait3A_471 = tpu.memref_slice %arg2[%dma_wait3A_469, %dma_wait3A_470] : memref<100000x128xf32, #tpu.memory_space<hbm>> -> memref<100000x128xf32, #tpu.memory_space<hbm>>
      tpu.wait_indirect_dma semaphore(%arg14 : memref<!tpu.dma_semaphore, #tpu.memory_space<semaphore_mem>>) src(%dma_wait3A_471 : memref<100000x128xf32, #tpu.memory_space<hbm>>) dst(%dma_wait3A_465 : memref<64x128xf32, #tpu.memory_space<vmem>>)
      %add3A_472 = arith.constant 384 : i32
      %add3A_473 = arith.addi %mul3A_9, %add3A_472 : i32
      %dma_start3A_474 = arith.constant 6 : i32
      %dma_start3A_475 = arith.constant 0 : i32
      %dma_start3A_476 = arith.constant 0 : i32
      %dma_start3A_477 = arith.constant 0 : i32
      %dma_start3A_478 = tpu.memref_slice %arg7[%dma_start3A_474, %dma_start3A_476, %dma_start3A_477] : memref<14x64x128xf32, #tpu.memory_space<vmem>> -> memref<1x64x128xf32, #tpu.memory_space<vmem>>
      %dma_start3A_479 = tpu.memref_squeeze %dma_start3A_478 : memref<1x64x128xf32, #tpu.memory_space<vmem>> -> memref<64x128xf32, #tpu.memory_space<vmem>>
      %dma_start3A_480 = arith.constant 0 : i32
      %dma_start3A_481 = arith.constant 0 : i32
      %dma_start3A_482 = tpu.memref_slice %arg5[%dma_start3A_475, %dma_start3A_480, %dma_start3A_481] : memref<2x16384x128xf32, #tpu.memory_space<hbm>> -> memref<1x16384x128xf32, #tpu.memory_space<hbm>>
      %dma_start3A_483 = tpu.memref_squeeze %dma_start3A_482 : memref<1x16384x128xf32, #tpu.memory_space<hbm>> -> memref<16384x128xf32, #tpu.memory_space<hbm>>
      %dma_start3A_484 = arith.constant 0 : i32
      %dma_start3A_485 = tpu.memref_slice %dma_start3A_483[%add3A_473, %dma_start3A_484] : memref<16384x128xf32, #tpu.memory_space<hbm>> -> memref<64x128xf32, #tpu.memory_space<hbm>>
      %dma_start3A_486 = arith.constant 0 : i32
      %dma_start3A_487 = arith.constant 0 : i32
      %dma_start3A_488 = tpu.memref_slice %arg5[%dma_start3A_475, %dma_start3A_486, %dma_start3A_487] : memref<2x16384x128xf32, #tpu.memory_space<hbm>> -> memref<1x16384x128xf32, #tpu.memory_space<hbm>>
      %dma_start3A_489 = tpu.memref_squeeze %dma_start3A_488 : memref<1x16384x128xf32, #tpu.memory_space<hbm>> -> memref<16384x128xf32, #tpu.memory_space<hbm>>
      %dma_start3A_490 = arith.constant 0 : i32
      %dma_start3A_491 = tpu.memref_slice %dma_start3A_489[%add3A_473, %dma_start3A_490] : memref<16384x128xf32, #tpu.memory_space<hbm>> -> memref<64x128xf32, #tpu.memory_space<hbm>>
      %dma_start3A_492 = arith.constant 0 : i32
      %dma_start3A_493 = arith.constant 0 : i32
      %dma_start3A_494 = tpu.memref_slice %arg7[%dma_start3A_474, %dma_start3A_492, %dma_start3A_493] : memref<14x64x128xf32, #tpu.memory_space<vmem>> -> memref<1x64x128xf32, #tpu.memory_space<vmem>>
      %dma_start3A_495 = tpu.memref_squeeze %dma_start3A_494 : memref<1x64x128xf32, #tpu.memory_space<vmem>> -> memref<64x128xf32, #tpu.memory_space<vmem>>
      tpu.enqueue_dma source(%dma_start3A_495 : memref<64x128xf32, #tpu.memory_space<vmem>>) target(%dma_start3A_491 : memref<64x128xf32, #tpu.memory_space<hbm>>) target_semaphore(%arg14 : memref<!tpu.dma_semaphore, #tpu.memory_space<semaphore_mem>>)
      %dma_wait3A_496 = arith.constant 7 : i32
      %dma_wait3A_497 = arith.constant 7 : i32
      %dma_wait3A_498 = arith.constant 0 : i32
      %dma_wait3A_499 = arith.constant 0 : i32
      %dma_wait3A_500 = tpu.memref_slice %arg7[%dma_wait3A_497, %dma_wait3A_498, %dma_wait3A_499] : memref<14x64x128xf32, #tpu.memory_space<vmem>> -> memref<1x64x128xf32, #tpu.memory_space<vmem>>
      %dma_wait3A_501 = tpu.memref_squeeze %dma_wait3A_500 : memref<1x64x128xf32, #tpu.memory_space<vmem>> -> memref<64x128xf32, #tpu.memory_space<vmem>>
      %dma_wait3A_502 = arith.constant 0 : i32
      %dma_wait3A_503 = tpu.memref_slice %arg6[%dma_wait3A_496, %dma_wait3A_502] : memref<16x64xi32, #tpu.memory_space<vmem>> -> memref<1x64xi32, #tpu.memory_space<vmem>>
      %dma_wait3A_504 = tpu.memref_squeeze %dma_wait3A_503 : memref<1x64xi32, #tpu.memory_space<vmem>> -> memref<64xi32, #tpu.memory_space<vmem>>
      %dma_wait3A_505 = arith.constant 0 : i32
      %dma_wait3A_506 = arith.constant 0 : i32
      %dma_wait3A_507 = tpu.memref_slice %arg2[%dma_wait3A_505, %dma_wait3A_506] : memref<100000x128xf32, #tpu.memory_space<hbm>> -> memref<100000x128xf32, #tpu.memory_space<hbm>>
      tpu.wait_indirect_dma semaphore(%arg15 : memref<!tpu.dma_semaphore, #tpu.memory_space<semaphore_mem>>) src(%dma_wait3A_507 : memref<100000x128xf32, #tpu.memory_space<hbm>>) dst(%dma_wait3A_501 : memref<64x128xf32, #tpu.memory_space<vmem>>)
      %add3A_508 = arith.constant 448 : i32
      %add3A_509 = arith.addi %mul3A_9, %add3A_508 : i32
      %dma_start3A_510 = arith.constant 7 : i32
      %dma_start3A_511 = arith.constant 0 : i32
      %dma_start3A_512 = arith.constant 0 : i32
      %dma_start3A_513 = arith.constant 0 : i32
      %dma_start3A_514 = tpu.memref_slice %arg7[%dma_start3A_510, %dma_start3A_512, %dma_start3A_513] : memref<14x64x128xf32, #tpu.memory_space<vmem>> -> memref<1x64x128xf32, #tpu.memory_space<vmem>>
      %dma_start3A_515 = tpu.memref_squeeze %dma_start3A_514 : memref<1x64x128xf32, #tpu.memory_space<vmem>> -> memref<64x128xf32, #tpu.memory_space<vmem>>
      %dma_start3A_516 = arith.constant 0 : i32
      %dma_start3A_517 = arith.constant 0 : i32
      %dma_start3A_518 = tpu.memref_slice %arg5[%dma_start3A_511, %dma_start3A_516, %dma_start3A_517] : memref<2x16384x128xf32, #tpu.memory_space<hbm>> -> memref<1x16384x128xf32, #tpu.memory_space<hbm>>
      %dma_start3A_519 = tpu.memref_squeeze %dma_start3A_518 : memref<1x16384x128xf32, #tpu.memory_space<hbm>> -> memref<16384x128xf32, #tpu.memory_space<hbm>>
      %dma_start3A_520 = arith.constant 0 : i32
      %dma_start3A_521 = tpu.memref_slice %dma_start3A_519[%add3A_509, %dma_start3A_520] : memref<16384x128xf32, #tpu.memory_space<hbm>> -> memref<64x128xf32, #tpu.memory_space<hbm>>
      %dma_start3A_522 = arith.constant 0 : i32
      %dma_start3A_523 = arith.constant 0 : i32
      %dma_start3A_524 = tpu.memref_slice %arg5[%dma_start3A_511, %dma_start3A_522, %dma_start3A_523] : memref<2x16384x128xf32, #tpu.memory_space<hbm>> -> memref<1x16384x128xf32, #tpu.memory_space<hbm>>
      %dma_start3A_525 = tpu.memref_squeeze %dma_start3A_524 : memref<1x16384x128xf32, #tpu.memory_space<hbm>> -> memref<16384x128xf32, #tpu.memory_space<hbm>>
      %dma_start3A_526 = arith.constant 0 : i32
      %dma_start3A_527 = tpu.memref_slice %dma_start3A_525[%add3A_509, %dma_start3A_526] : memref<16384x128xf32, #tpu.memory_space<hbm>> -> memref<64x128xf32, #tpu.memory_space<hbm>>
      %dma_start3A_528 = arith.constant 0 : i32
      %dma_start3A_529 = arith.constant 0 : i32
      %dma_start3A_530 = tpu.memref_slice %arg7[%dma_start3A_510, %dma_start3A_528, %dma_start3A_529] : memref<14x64x128xf32, #tpu.memory_space<vmem>> -> memref<1x64x128xf32, #tpu.memory_space<vmem>>
      %dma_start3A_531 = tpu.memref_squeeze %dma_start3A_530 : memref<1x64x128xf32, #tpu.memory_space<vmem>> -> memref<64x128xf32, #tpu.memory_space<vmem>>
      tpu.enqueue_dma source(%dma_start3A_531 : memref<64x128xf32, #tpu.memory_space<vmem>>) target(%dma_start3A_527 : memref<64x128xf32, #tpu.memory_space<hbm>>) target_semaphore(%arg15 : memref<!tpu.dma_semaphore, #tpu.memory_space<semaphore_mem>>)
      %dma_wait3A_532 = arith.constant 8 : i32
      %dma_wait3A_533 = arith.constant 8 : i32
      %dma_wait3A_534 = arith.constant 0 : i32
      %dma_wait3A_535 = arith.constant 0 : i32
      %dma_wait3A_536 = tpu.memref_slice %arg7[%dma_wait3A_533, %dma_wait3A_534, %dma_wait3A_535] : memref<14x64x128xf32, #tpu.memory_space<vmem>> -> memref<1x64x128xf32, #tpu.memory_space<vmem>>
      %dma_wait3A_537 = tpu.memref_squeeze %dma_wait3A_536 : memref<1x64x128xf32, #tpu.memory_space<vmem>> -> memref<64x128xf32, #tpu.memory_space<vmem>>
      %dma_wait3A_538 = arith.constant 0 : i32
      %dma_wait3A_539 = tpu.memref_slice %arg6[%dma_wait3A_532, %dma_wait3A_538] : memref<16x64xi32, #tpu.memory_space<vmem>> -> memref<1x64xi32, #tpu.memory_space<vmem>>
      %dma_wait3A_540 = tpu.memref_squeeze %dma_wait3A_539 : memref<1x64xi32, #tpu.memory_space<vmem>> -> memref<64xi32, #tpu.memory_space<vmem>>
      %dma_wait3A_541 = arith.constant 0 : i32
      %dma_wait3A_542 = arith.constant 0 : i32
      %dma_wait3A_543 = tpu.memref_slice %arg2[%dma_wait3A_541, %dma_wait3A_542] : memref<100000x128xf32, #tpu.memory_space<hbm>> -> memref<100000x128xf32, #tpu.memory_space<hbm>>
      tpu.wait_indirect_dma semaphore(%arg16 : memref<!tpu.dma_semaphore, #tpu.memory_space<semaphore_mem>>) src(%dma_wait3A_543 : memref<100000x128xf32, #tpu.memory_space<hbm>>) dst(%dma_wait3A_537 : memref<64x128xf32, #tpu.memory_space<vmem>>)
      %add3A_544 = arith.constant 512 : i32
      %add3A_545 = arith.addi %mul3A_9, %add3A_544 : i32
      %dma_start3A_546 = arith.constant 8 : i32
      %dma_start3A_547 = arith.constant 0 : i32
      %dma_start3A_548 = arith.constant 0 : i32
      %dma_start3A_549 = arith.constant 0 : i32
      %dma_start3A_550 = tpu.memref_slice %arg7[%dma_start3A_546, %dma_start3A_548, %dma_start3A_549] : memref<14x64x128xf32, #tpu.memory_space<vmem>> -> memref<1x64x128xf32, #tpu.memory_space<vmem>>
      %dma_start3A_551 = tpu.memref_squeeze %dma_start3A_550 : memref<1x64x128xf32, #tpu.memory_space<vmem>> -> memref<64x128xf32, #tpu.memory_space<vmem>>
      %dma_start3A_552 = arith.constant 0 : i32
      %dma_start3A_553 = arith.constant 0 : i32
      %dma_start3A_554 = tpu.memref_slice %arg5[%dma_start3A_547, %dma_start3A_552, %dma_start3A_553] : memref<2x16384x128xf32, #tpu.memory_space<hbm>> -> memref<1x16384x128xf32, #tpu.memory_space<hbm>>
      %dma_start3A_555 = tpu.memref_squeeze %dma_start3A_554 : memref<1x16384x128xf32, #tpu.memory_space<hbm>> -> memref<16384x128xf32, #tpu.memory_space<hbm>>
      %dma_start3A_556 = arith.constant 0 : i32
      %dma_start3A_557 = tpu.memref_slice %dma_start3A_555[%add3A_545, %dma_start3A_556] : memref<16384x128xf32, #tpu.memory_space<hbm>> -> memref<64x128xf32, #tpu.memory_space<hbm>>
      %dma_start3A_558 = arith.constant 0 : i32
      %dma_start3A_559 = arith.constant 0 : i32
      %dma_start3A_560 = tpu.memref_slice %arg5[%dma_start3A_547, %dma_start3A_558, %dma_start3A_559] : memref<2x16384x128xf32, #tpu.memory_space<hbm>> -> memref<1x16384x128xf32, #tpu.memory_space<hbm>>
      %dma_start3A_561 = tpu.memref_squeeze %dma_start3A_560 : memref<1x16384x128xf32, #tpu.memory_space<hbm>> -> memref<16384x128xf32, #tpu.memory_space<hbm>>
      %dma_start3A_562 = arith.constant 0 : i32
      %dma_start3A_563 = tpu.memref_slice %dma_start3A_561[%add3A_545, %dma_start3A_562] : memref<16384x128xf32, #tpu.memory_space<hbm>> -> memref<64x128xf32, #tpu.memory_space<hbm>>
      %dma_start3A_564 = arith.constant 0 : i32
      %dma_start3A_565 = arith.constant 0 : i32
      %dma_start3A_566 = tpu.memref_slice %arg7[%dma_start3A_546, %dma_start3A_564, %dma_start3A_565] : memref<14x64x128xf32, #tpu.memory_space<vmem>> -> memref<1x64x128xf32, #tpu.memory_space<vmem>>
      %dma_start3A_567 = tpu.memref_squeeze %dma_start3A_566 : memref<1x64x128xf32, #tpu.memory_space<vmem>> -> memref<64x128xf32, #tpu.memory_space<vmem>>
      tpu.enqueue_dma source(%dma_start3A_567 : memref<64x128xf32, #tpu.memory_space<vmem>>) target(%dma_start3A_563 : memref<64x128xf32, #tpu.memory_space<hbm>>) target_semaphore(%arg16 : memref<!tpu.dma_semaphore, #tpu.memory_space<semaphore_mem>>)
      %dma_wait3A_568 = arith.constant 9 : i32
      %dma_wait3A_569 = arith.constant 9 : i32
      %dma_wait3A_570 = arith.constant 0 : i32
      %dma_wait3A_571 = arith.constant 0 : i32
      %dma_wait3A_572 = tpu.memref_slice %arg7[%dma_wait3A_569, %dma_wait3A_570, %dma_wait3A_571] : memref<14x64x128xf32, #tpu.memory_space<vmem>> -> memref<1x64x128xf32, #tpu.memory_space<vmem>>
      %dma_wait3A_573 = tpu.memref_squeeze %dma_wait3A_572 : memref<1x64x128xf32, #tpu.memory_space<vmem>> -> memref<64x128xf32, #tpu.memory_space<vmem>>
      %dma_wait3A_574 = arith.constant 0 : i32
      %dma_wait3A_575 = tpu.memref_slice %arg6[%dma_wait3A_568, %dma_wait3A_574] : memref<16x64xi32, #tpu.memory_space<vmem>> -> memref<1x64xi32, #tpu.memory_space<vmem>>
      %dma_wait3A_576 = tpu.memref_squeeze %dma_wait3A_575 : memref<1x64xi32, #tpu.memory_space<vmem>> -> memref<64xi32, #tpu.memory_space<vmem>>
      %dma_wait3A_577 = arith.constant 0 : i32
      %dma_wait3A_578 = arith.constant 0 : i32
      %dma_wait3A_579 = tpu.memref_slice %arg2[%dma_wait3A_577, %dma_wait3A_578] : memref<100000x128xf32, #tpu.memory_space<hbm>> -> memref<100000x128xf32, #tpu.memory_space<hbm>>
      tpu.wait_indirect_dma semaphore(%arg17 : memref<!tpu.dma_semaphore, #tpu.memory_space<semaphore_mem>>) src(%dma_wait3A_579 : memref<100000x128xf32, #tpu.memory_space<hbm>>) dst(%dma_wait3A_573 : memref<64x128xf32, #tpu.memory_space<vmem>>)
      %add3A_580 = arith.constant 576 : i32
      %add3A_581 = arith.addi %mul3A_9, %add3A_580 : i32
      %dma_start3A_582 = arith.constant 9 : i32
      %dma_start3A_583 = arith.constant 0 : i32
      %dma_start3A_584 = arith.constant 0 : i32
      %dma_start3A_585 = arith.constant 0 : i32
      %dma_start3A_586 = tpu.memref_slice %arg7[%dma_start3A_582, %dma_start3A_584, %dma_start3A_585] : memref<14x64x128xf32, #tpu.memory_space<vmem>> -> memref<1x64x128xf32, #tpu.memory_space<vmem>>
      %dma_start3A_587 = tpu.memref_squeeze %dma_start3A_586 : memref<1x64x128xf32, #tpu.memory_space<vmem>> -> memref<64x128xf32, #tpu.memory_space<vmem>>
      %dma_start3A_588 = arith.constant 0 : i32
      %dma_start3A_589 = arith.constant 0 : i32
      %dma_start3A_590 = tpu.memref_slice %arg5[%dma_start3A_583, %dma_start3A_588, %dma_start3A_589] : memref<2x16384x128xf32, #tpu.memory_space<hbm>> -> memref<1x16384x128xf32, #tpu.memory_space<hbm>>
      %dma_start3A_591 = tpu.memref_squeeze %dma_start3A_590 : memref<1x16384x128xf32, #tpu.memory_space<hbm>> -> memref<16384x128xf32, #tpu.memory_space<hbm>>
      %dma_start3A_592 = arith.constant 0 : i32
      %dma_start3A_593 = tpu.memref_slice %dma_start3A_591[%add3A_581, %dma_start3A_592] : memref<16384x128xf32, #tpu.memory_space<hbm>> -> memref<64x128xf32, #tpu.memory_space<hbm>>
      %dma_start3A_594 = arith.constant 0 : i32
      %dma_start3A_595 = arith.constant 0 : i32
      %dma_start3A_596 = tpu.memref_slice %arg5[%dma_start3A_583, %dma_start3A_594, %dma_start3A_595] : memref<2x16384x128xf32, #tpu.memory_space<hbm>> -> memref<1x16384x128xf32, #tpu.memory_space<hbm>>
      %dma_start3A_597 = tpu.memref_squeeze %dma_start3A_596 : memref<1x16384x128xf32, #tpu.memory_space<hbm>> -> memref<16384x128xf32, #tpu.memory_space<hbm>>
      %dma_start3A_598 = arith.constant 0 : i32
      %dma_start3A_599 = tpu.memref_slice %dma_start3A_597[%add3A_581, %dma_start3A_598] : memref<16384x128xf32, #tpu.memory_space<hbm>> -> memref<64x128xf32, #tpu.memory_space<hbm>>
      %dma_start3A_600 = arith.constant 0 : i32
      %dma_start3A_601 = arith.constant 0 : i32
      %dma_start3A_602 = tpu.memref_slice %arg7[%dma_start3A_582, %dma_start3A_600, %dma_start3A_601] : memref<14x64x128xf32, #tpu.memory_space<vmem>> -> memref<1x64x128xf32, #tpu.memory_space<vmem>>
      %dma_start3A_603 = tpu.memref_squeeze %dma_start3A_602 : memref<1x64x128xf32, #tpu.memory_space<vmem>> -> memref<64x128xf32, #tpu.memory_space<vmem>>
      tpu.enqueue_dma source(%dma_start3A_603 : memref<64x128xf32, #tpu.memory_space<vmem>>) target(%dma_start3A_599 : memref<64x128xf32, #tpu.memory_space<hbm>>) target_semaphore(%arg17 : memref<!tpu.dma_semaphore, #tpu.memory_space<semaphore_mem>>)
      %dma_wait3A_604 = arith.constant 10 : i32
      %dma_wait3A_605 = arith.constant 10 : i32
      %dma_wait3A_606 = arith.constant 0 : i32
      %dma_wait3A_607 = arith.constant 0 : i32
      %dma_wait3A_608 = tpu.memref_slice %arg7[%dma_wait3A_605, %dma_wait3A_606, %dma_wait3A_607] : memref<14x64x128xf32, #tpu.memory_space<vmem>> -> memref<1x64x128xf32, #tpu.memory_space<vmem>>
      %dma_wait3A_609 = tpu.memref_squeeze %dma_wait3A_608 : memref<1x64x128xf32, #tpu.memory_space<vmem>> -> memref<64x128xf32, #tpu.memory_space<vmem>>
      %dma_wait3A_610 = arith.constant 0 : i32
      %dma_wait3A_611 = tpu.memref_slice %arg6[%dma_wait3A_604, %dma_wait3A_610] : memref<16x64xi32, #tpu.memory_space<vmem>> -> memref<1x64xi32, #tpu.memory_space<vmem>>
      %dma_wait3A_612 = tpu.memref_squeeze %dma_wait3A_611 : memref<1x64xi32, #tpu.memory_space<vmem>> -> memref<64xi32, #tpu.memory_space<vmem>>
      %dma_wait3A_613 = arith.constant 0 : i32
      %dma_wait3A_614 = arith.constant 0 : i32
      %dma_wait3A_615 = tpu.memref_slice %arg2[%dma_wait3A_613, %dma_wait3A_614] : memref<100000x128xf32, #tpu.memory_space<hbm>> -> memref<100000x128xf32, #tpu.memory_space<hbm>>
      tpu.wait_indirect_dma semaphore(%arg18 : memref<!tpu.dma_semaphore, #tpu.memory_space<semaphore_mem>>) src(%dma_wait3A_615 : memref<100000x128xf32, #tpu.memory_space<hbm>>) dst(%dma_wait3A_609 : memref<64x128xf32, #tpu.memory_space<vmem>>)
      %add3A_616 = arith.constant 640 : i32
      %add3A_617 = arith.addi %mul3A_9, %add3A_616 : i32
      %dma_start3A_618 = arith.constant 10 : i32
      %dma_start3A_619 = arith.constant 0 : i32
      %dma_start3A_620 = arith.constant 0 : i32
      %dma_start3A_621 = arith.constant 0 : i32
      %dma_start3A_622 = tpu.memref_slice %arg7[%dma_start3A_618, %dma_start3A_620, %dma_start3A_621] : memref<14x64x128xf32, #tpu.memory_space<vmem>> -> memref<1x64x128xf32, #tpu.memory_space<vmem>>
      %dma_start3A_623 = tpu.memref_squeeze %dma_start3A_622 : memref<1x64x128xf32, #tpu.memory_space<vmem>> -> memref<64x128xf32, #tpu.memory_space<vmem>>
      %dma_start3A_624 = arith.constant 0 : i32
      %dma_start3A_625 = arith.constant 0 : i32
      %dma_start3A_626 = tpu.memref_slice %arg5[%dma_start3A_619, %dma_start3A_624, %dma_start3A_625] : memref<2x16384x128xf32, #tpu.memory_space<hbm>> -> memref<1x16384x128xf32, #tpu.memory_space<hbm>>
      %dma_start3A_627 = tpu.memref_squeeze %dma_start3A_626 : memref<1x16384x128xf32, #tpu.memory_space<hbm>> -> memref<16384x128xf32, #tpu.memory_space<hbm>>
      %dma_start3A_628 = arith.constant 0 : i32
      %dma_start3A_629 = tpu.memref_slice %dma_start3A_627[%add3A_617, %dma_start3A_628] : memref<16384x128xf32, #tpu.memory_space<hbm>> -> memref<64x128xf32, #tpu.memory_space<hbm>>
      %dma_start3A_630 = arith.constant 0 : i32
      %dma_start3A_631 = arith.constant 0 : i32
      %dma_start3A_632 = tpu.memref_slice %arg5[%dma_start3A_619, %dma_start3A_630, %dma_start3A_631] : memref<2x16384x128xf32, #tpu.memory_space<hbm>> -> memref<1x16384x128xf32, #tpu.memory_space<hbm>>
      %dma_start3A_633 = tpu.memref_squeeze %dma_start3A_632 : memref<1x16384x128xf32, #tpu.memory_space<hbm>> -> memref<16384x128xf32, #tpu.memory_space<hbm>>
      %dma_start3A_634 = arith.constant 0 : i32
      %dma_start3A_635 = tpu.memref_slice %dma_start3A_633[%add3A_617, %dma_start3A_634] : memref<16384x128xf32, #tpu.memory_space<hbm>> -> memref<64x128xf32, #tpu.memory_space<hbm>>
      %dma_start3A_636 = arith.constant 0 : i32
      %dma_start3A_637 = arith.constant 0 : i32
      %dma_start3A_638 = tpu.memref_slice %arg7[%dma_start3A_618, %dma_start3A_636, %dma_start3A_637] : memref<14x64x128xf32, #tpu.memory_space<vmem>> -> memref<1x64x128xf32, #tpu.memory_space<vmem>>
      %dma_start3A_639 = tpu.memref_squeeze %dma_start3A_638 : memref<1x64x128xf32, #tpu.memory_space<vmem>> -> memref<64x128xf32, #tpu.memory_space<vmem>>
      tpu.enqueue_dma source(%dma_start3A_639 : memref<64x128xf32, #tpu.memory_space<vmem>>) target(%dma_start3A_635 : memref<64x128xf32, #tpu.memory_space<hbm>>) target_semaphore(%arg18 : memref<!tpu.dma_semaphore, #tpu.memory_space<semaphore_mem>>)
      %dma_wait3A_640 = arith.constant 11 : i32
      %dma_wait3A_641 = arith.constant 11 : i32
      %dma_wait3A_642 = arith.constant 0 : i32
      %dma_wait3A_643 = arith.constant 0 : i32
      %dma_wait3A_644 = tpu.memref_slice %arg7[%dma_wait3A_641, %dma_wait3A_642, %dma_wait3A_643] : memref<14x64x128xf32, #tpu.memory_space<vmem>> -> memref<1x64x128xf32, #tpu.memory_space<vmem>>
      %dma_wait3A_645 = tpu.memref_squeeze %dma_wait3A_644 : memref<1x64x128xf32, #tpu.memory_space<vmem>> -> memref<64x128xf32, #tpu.memory_space<vmem>>
      %dma_wait3A_646 = arith.constant 0 : i32
      %dma_wait3A_647 = tpu.memref_slice %arg6[%dma_wait3A_640, %dma_wait3A_646] : memref<16x64xi32, #tpu.memory_space<vmem>> -> memref<1x64xi32, #tpu.memory_space<vmem>>
      %dma_wait3A_648 = tpu.memref_squeeze %dma_wait3A_647 : memref<1x64xi32, #tpu.memory_space<vmem>> -> memref<64xi32, #tpu.memory_space<vmem>>
      %dma_wait3A_649 = arith.constant 0 : i32
      %dma_wait3A_650 = arith.constant 0 : i32
      %dma_wait3A_651 = tpu.memref_slice %arg2[%dma_wait3A_649, %dma_wait3A_650] : memref<100000x128xf32, #tpu.memory_space<hbm>> -> memref<100000x128xf32, #tpu.memory_space<hbm>>
      tpu.wait_indirect_dma semaphore(%arg19 : memref<!tpu.dma_semaphore, #tpu.memory_space<semaphore_mem>>) src(%dma_wait3A_651 : memref<100000x128xf32, #tpu.memory_space<hbm>>) dst(%dma_wait3A_645 : memref<64x128xf32, #tpu.memory_space<vmem>>)
      %add3A_652 = arith.constant 704 : i32
      %add3A_653 = arith.addi %mul3A_9, %add3A_652 : i32
      %dma_start3A_654 = arith.constant 11 : i32
      %dma_start3A_655 = arith.constant 0 : i32
      %dma_start3A_656 = arith.constant 0 : i32
      %dma_start3A_657 = arith.constant 0 : i32
      %dma_start3A_658 = tpu.memref_slice %arg7[%dma_start3A_654, %dma_start3A_656, %dma_start3A_657] : memref<14x64x128xf32, #tpu.memory_space<vmem>> -> memref<1x64x128xf32, #tpu.memory_space<vmem>>
      %dma_start3A_659 = tpu.memref_squeeze %dma_start3A_658 : memref<1x64x128xf32, #tpu.memory_space<vmem>> -> memref<64x128xf32, #tpu.memory_space<vmem>>
      %dma_start3A_660 = arith.constant 0 : i32
      %dma_start3A_661 = arith.constant 0 : i32
      %dma_start3A_662 = tpu.memref_slice %arg5[%dma_start3A_655, %dma_start3A_660, %dma_start3A_661] : memref<2x16384x128xf32, #tpu.memory_space<hbm>> -> memref<1x16384x128xf32, #tpu.memory_space<hbm>>
      %dma_start3A_663 = tpu.memref_squeeze %dma_start3A_662 : memref<1x16384x128xf32, #tpu.memory_space<hbm>> -> memref<16384x128xf32, #tpu.memory_space<hbm>>
      %dma_start3A_664 = arith.constant 0 : i32
      %dma_start3A_665 = tpu.memref_slice %dma_start3A_663[%add3A_653, %dma_start3A_664] : memref<16384x128xf32, #tpu.memory_space<hbm>> -> memref<64x128xf32, #tpu.memory_space<hbm>>
      %dma_start3A_666 = arith.constant 0 : i32
      %dma_start3A_667 = arith.constant 0 : i32
      %dma_start3A_668 = tpu.memref_slice %arg5[%dma_start3A_655, %dma_start3A_666, %dma_start3A_667] : memref<2x16384x128xf32, #tpu.memory_space<hbm>> -> memref<1x16384x128xf32, #tpu.memory_space<hbm>>
      %dma_start3A_669 = tpu.memref_squeeze %dma_start3A_668 : memref<1x16384x128xf32, #tpu.memory_space<hbm>> -> memref<16384x128xf32, #tpu.memory_space<hbm>>
      %dma_start3A_670 = arith.constant 0 : i32
      %dma_start3A_671 = tpu.memref_slice %dma_start3A_669[%add3A_653, %dma_start3A_670] : memref<16384x128xf32, #tpu.memory_space<hbm>> -> memref<64x128xf32, #tpu.memory_space<hbm>>
      %dma_start3A_672 = arith.constant 0 : i32
      %dma_start3A_673 = arith.constant 0 : i32
      %dma_start3A_674 = tpu.memref_slice %arg7[%dma_start3A_654, %dma_start3A_672, %dma_start3A_673] : memref<14x64x128xf32, #tpu.memory_space<vmem>> -> memref<1x64x128xf32, #tpu.memory_space<vmem>>
      %dma_start3A_675 = tpu.memref_squeeze %dma_start3A_674 : memref<1x64x128xf32, #tpu.memory_space<vmem>> -> memref<64x128xf32, #tpu.memory_space<vmem>>
      tpu.enqueue_dma source(%dma_start3A_675 : memref<64x128xf32, #tpu.memory_space<vmem>>) target(%dma_start3A_671 : memref<64x128xf32, #tpu.memory_space<hbm>>) target_semaphore(%arg19 : memref<!tpu.dma_semaphore, #tpu.memory_space<semaphore_mem>>)
      %dma_wait3A_676 = arith.constant 12 : i32
      %dma_wait3A_677 = arith.constant 12 : i32
      %dma_wait3A_678 = arith.constant 0 : i32
      %dma_wait3A_679 = arith.constant 0 : i32
      %dma_wait3A_680 = tpu.memref_slice %arg7[%dma_wait3A_677, %dma_wait3A_678, %dma_wait3A_679] : memref<14x64x128xf32, #tpu.memory_space<vmem>> -> memref<1x64x128xf32, #tpu.memory_space<vmem>>
      %dma_wait3A_681 = tpu.memref_squeeze %dma_wait3A_680 : memref<1x64x128xf32, #tpu.memory_space<vmem>> -> memref<64x128xf32, #tpu.memory_space<vmem>>
      %dma_wait3A_682 = arith.constant 0 : i32
      %dma_wait3A_683 = tpu.memref_slice %arg6[%dma_wait3A_676, %dma_wait3A_682] : memref<16x64xi32, #tpu.memory_space<vmem>> -> memref<1x64xi32, #tpu.memory_space<vmem>>
      %dma_wait3A_684 = tpu.memref_squeeze %dma_wait3A_683 : memref<1x64xi32, #tpu.memory_space<vmem>> -> memref<64xi32, #tpu.memory_space<vmem>>
      %dma_wait3A_685 = arith.constant 0 : i32
      %dma_wait3A_686 = arith.constant 0 : i32
      %dma_wait3A_687 = tpu.memref_slice %arg2[%dma_wait3A_685, %dma_wait3A_686] : memref<100000x128xf32, #tpu.memory_space<hbm>> -> memref<100000x128xf32, #tpu.memory_space<hbm>>
      tpu.wait_indirect_dma semaphore(%arg20 : memref<!tpu.dma_semaphore, #tpu.memory_space<semaphore_mem>>) src(%dma_wait3A_687 : memref<100000x128xf32, #tpu.memory_space<hbm>>) dst(%dma_wait3A_681 : memref<64x128xf32, #tpu.memory_space<vmem>>)
      %add3A_688 = arith.constant 768 : i32
      %add3A_689 = arith.addi %mul3A_9, %add3A_688 : i32
      %dma_start3A_690 = arith.constant 12 : i32
      %dma_start3A_691 = arith.constant 0 : i32
      %dma_start3A_692 = arith.constant 0 : i32
      %dma_start3A_693 = arith.constant 0 : i32
      %dma_start3A_694 = tpu.memref_slice %arg7[%dma_start3A_690, %dma_start3A_692, %dma_start3A_693] : memref<14x64x128xf32, #tpu.memory_space<vmem>> -> memref<1x64x128xf32, #tpu.memory_space<vmem>>
      %dma_start3A_695 = tpu.memref_squeeze %dma_start3A_694 : memref<1x64x128xf32, #tpu.memory_space<vmem>> -> memref<64x128xf32, #tpu.memory_space<vmem>>
      %dma_start3A_696 = arith.constant 0 : i32
      %dma_start3A_697 = arith.constant 0 : i32
      %dma_start3A_698 = tpu.memref_slice %arg5[%dma_start3A_691, %dma_start3A_696, %dma_start3A_697] : memref<2x16384x128xf32, #tpu.memory_space<hbm>> -> memref<1x16384x128xf32, #tpu.memory_space<hbm>>
      %dma_start3A_699 = tpu.memref_squeeze %dma_start3A_698 : memref<1x16384x128xf32, #tpu.memory_space<hbm>> -> memref<16384x128xf32, #tpu.memory_space<hbm>>
      %dma_start3A_700 = arith.constant 0 : i32
      %dma_start3A_701 = tpu.memref_slice %dma_start3A_699[%add3A_689, %dma_start3A_700] : memref<16384x128xf32, #tpu.memory_space<hbm>> -> memref<64x128xf32, #tpu.memory_space<hbm>>
      %dma_start3A_702 = arith.constant 0 : i32
      %dma_start3A_703 = arith.constant 0 : i32
      %dma_start3A_704 = tpu.memref_slice %arg5[%dma_start3A_691, %dma_start3A_702, %dma_start3A_703] : memref<2x16384x128xf32, #tpu.memory_space<hbm>> -> memref<1x16384x128xf32, #tpu.memory_space<hbm>>
      %dma_start3A_705 = tpu.memref_squeeze %dma_start3A_704 : memref<1x16384x128xf32, #tpu.memory_space<hbm>> -> memref<16384x128xf32, #tpu.memory_space<hbm>>
      %dma_start3A_706 = arith.constant 0 : i32
      %dma_start3A_707 = tpu.memref_slice %dma_start3A_705[%add3A_689, %dma_start3A_706] : memref<16384x128xf32, #tpu.memory_space<hbm>> -> memref<64x128xf32, #tpu.memory_space<hbm>>
      %dma_start3A_708 = arith.constant 0 : i32
      %dma_start3A_709 = arith.constant 0 : i32
      %dma_start3A_710 = tpu.memref_slice %arg7[%dma_start3A_690, %dma_start3A_708, %dma_start3A_709] : memref<14x64x128xf32, #tpu.memory_space<vmem>> -> memref<1x64x128xf32, #tpu.memory_space<vmem>>
      %dma_start3A_711 = tpu.memref_squeeze %dma_start3A_710 : memref<1x64x128xf32, #tpu.memory_space<vmem>> -> memref<64x128xf32, #tpu.memory_space<vmem>>
      tpu.enqueue_dma source(%dma_start3A_711 : memref<64x128xf32, #tpu.memory_space<vmem>>) target(%dma_start3A_707 : memref<64x128xf32, #tpu.memory_space<hbm>>) target_semaphore(%arg20 : memref<!tpu.dma_semaphore, #tpu.memory_space<semaphore_mem>>)
      %dma_wait3A_712 = arith.constant 13 : i32
      %dma_wait3A_713 = arith.constant 13 : i32
      %dma_wait3A_714 = arith.constant 0 : i32
      %dma_wait3A_715 = arith.constant 0 : i32
      %dma_wait3A_716 = tpu.memref_slice %arg7[%dma_wait3A_713, %dma_wait3A_714, %dma_wait3A_715] : memref<14x64x128xf32, #tpu.memory_space<vmem>> -> memref<1x64x128xf32, #tpu.memory_space<vmem>>
      %dma_wait3A_717 = tpu.memref_squeeze %dma_wait3A_716 : memref<1x64x128xf32, #tpu.memory_space<vmem>> -> memref<64x128xf32, #tpu.memory_space<vmem>>
      %dma_wait3A_718 = arith.constant 0 : i32
      %dma_wait3A_719 = tpu.memref_slice %arg6[%dma_wait3A_712, %dma_wait3A_718] : memref<16x64xi32, #tpu.memory_space<vmem>> -> memref<1x64xi32, #tpu.memory_space<vmem>>
      %dma_wait3A_720 = tpu.memref_squeeze %dma_wait3A_719 : memref<1x64xi32, #tpu.memory_space<vmem>> -> memref<64xi32, #tpu.memory_space<vmem>>
      %dma_wait3A_721 = arith.constant 0 : i32
      %dma_wait3A_722 = arith.constant 0 : i32
      %dma_wait3A_723 = tpu.memref_slice %arg2[%dma_wait3A_721, %dma_wait3A_722] : memref<100000x128xf32, #tpu.memory_space<hbm>> -> memref<100000x128xf32, #tpu.memory_space<hbm>>
      tpu.wait_indirect_dma semaphore(%arg21 : memref<!tpu.dma_semaphore, #tpu.memory_space<semaphore_mem>>) src(%dma_wait3A_723 : memref<100000x128xf32, #tpu.memory_space<hbm>>) dst(%dma_wait3A_717 : memref<64x128xf32, #tpu.memory_space<vmem>>)
      %add3A_724 = arith.constant 832 : i32
      %add3A_725 = arith.addi %mul3A_9, %add3A_724 : i32
      %dma_start3A_726 = arith.constant 13 : i32
      %dma_start3A_727 = arith.constant 0 : i32
      %dma_start3A_728 = arith.constant 0 : i32
      %dma_start3A_729 = arith.constant 0 : i32
      %dma_start3A_730 = tpu.memref_slice %arg7[%dma_start3A_726, %dma_start3A_728, %dma_start3A_729] : memref<14x64x128xf32, #tpu.memory_space<vmem>> -> memref<1x64x128xf32, #tpu.memory_space<vmem>>
      %dma_start3A_731 = tpu.memref_squeeze %dma_start3A_730 : memref<1x64x128xf32, #tpu.memory_space<vmem>> -> memref<64x128xf32, #tpu.memory_space<vmem>>
      %dma_start3A_732 = arith.constant 0 : i32
      %dma_start3A_733 = arith.constant 0 : i32
      %dma_start3A_734 = tpu.memref_slice %arg5[%dma_start3A_727, %dma_start3A_732, %dma_start3A_733] : memref<2x16384x128xf32, #tpu.memory_space<hbm>> -> memref<1x16384x128xf32, #tpu.memory_space<hbm>>
      %dma_start3A_735 = tpu.memref_squeeze %dma_start3A_734 : memref<1x16384x128xf32, #tpu.memory_space<hbm>> -> memref<16384x128xf32, #tpu.memory_space<hbm>>
      %dma_start3A_736 = arith.constant 0 : i32
      %dma_start3A_737 = tpu.memref_slice %dma_start3A_735[%add3A_725, %dma_start3A_736] : memref<16384x128xf32, #tpu.memory_space<hbm>> -> memref<64x128xf32, #tpu.memory_space<hbm>>
      %dma_start3A_738 = arith.constant 0 : i32
      %dma_start3A_739 = arith.constant 0 : i32
      %dma_start3A_740 = tpu.memref_slice %arg5[%dma_start3A_727, %dma_start3A_738, %dma_start3A_739] : memref<2x16384x128xf32, #tpu.memory_space<hbm>> -> memref<1x16384x128xf32, #tpu.memory_space<hbm>>
      %dma_start3A_741 = tpu.memref_squeeze %dma_start3A_740 : memref<1x16384x128xf32, #tpu.memory_space<hbm>> -> memref<16384x128xf32, #tpu.memory_space<hbm>>
      %dma_start3A_742 = arith.constant 0 : i32
      %dma_start3A_743 = tpu.memref_slice %dma_start3A_741[%add3A_725, %dma_start3A_742] : memref<16384x128xf32, #tpu.memory_space<hbm>> -> memref<64x128xf32, #tpu.memory_space<hbm>>
      %dma_start3A_744 = arith.constant 0 : i32
      %dma_start3A_745 = arith.constant 0 : i32
      %dma_start3A_746 = tpu.memref_slice %arg7[%dma_start3A_726, %dma_start3A_744, %dma_start3A_745] : memref<14x64x128xf32, #tpu.memory_space<vmem>> -> memref<1x64x128xf32, #tpu.memory_space<vmem>>
      %dma_start3A_747 = tpu.memref_squeeze %dma_start3A_746 : memref<1x64x128xf32, #tpu.memory_space<vmem>> -> memref<64x128xf32, #tpu.memory_space<vmem>>
      tpu.enqueue_dma source(%dma_start3A_747 : memref<64x128xf32, #tpu.memory_space<vmem>>) target(%dma_start3A_743 : memref<64x128xf32, #tpu.memory_space<hbm>>) target_semaphore(%arg21 : memref<!tpu.dma_semaphore, #tpu.memory_space<semaphore_mem>>)
      %dma_wait3A_748 = arith.constant 14 : i32
      %dma_wait3A_749 = arith.constant 0 : i32
      %dma_wait3A_750 = arith.constant 0 : i32
      %dma_wait3A_751 = arith.constant 0 : i32
      %dma_wait3A_752 = tpu.memref_slice %arg7[%dma_wait3A_749, %dma_wait3A_750, %dma_wait3A_751] : memref<14x64x128xf32, #tpu.memory_space<vmem>> -> memref<1x64x128xf32, #tpu.memory_space<vmem>>
      %dma_wait3A_753 = tpu.memref_squeeze %dma_wait3A_752 : memref<1x64x128xf32, #tpu.memory_space<vmem>> -> memref<64x128xf32, #tpu.memory_space<vmem>>
      %dma_wait3A_754 = arith.constant 0 : i32
      %dma_wait3A_755 = tpu.memref_slice %arg6[%dma_wait3A_748, %dma_wait3A_754] : memref<16x64xi32, #tpu.memory_space<vmem>> -> memref<1x64xi32, #tpu.memory_space<vmem>>
      %dma_wait3A_756 = tpu.memref_squeeze %dma_wait3A_755 : memref<1x64xi32, #tpu.memory_space<vmem>> -> memref<64xi32, #tpu.memory_space<vmem>>
      %dma_wait3A_757 = arith.constant 0 : i32
      %dma_wait3A_758 = arith.constant 0 : i32
      %dma_wait3A_759 = tpu.memref_slice %arg2[%dma_wait3A_757, %dma_wait3A_758] : memref<100000x128xf32, #tpu.memory_space<hbm>> -> memref<100000x128xf32, #tpu.memory_space<hbm>>
      tpu.wait_indirect_dma semaphore(%arg8 : memref<!tpu.dma_semaphore, #tpu.memory_space<semaphore_mem>>) src(%dma_wait3A_759 : memref<100000x128xf32, #tpu.memory_space<hbm>>) dst(%dma_wait3A_753 : memref<64x128xf32, #tpu.memory_space<vmem>>)
      %add3A_760 = arith.constant 896 : i32
      %add3A_761 = arith.addi %mul3A_9, %add3A_760 : i32
      %dma_start3A_762 = arith.constant 0 : i32
      %dma_start3A_763 = arith.constant 0 : i32
      %dma_start3A_764 = arith.constant 0 : i32
      %dma_start3A_765 = arith.constant 0 : i32
      %dma_start3A_766 = tpu.memref_slice %arg7[%dma_start3A_762, %dma_start3A_764, %dma_start3A_765] : memref<14x64x128xf32, #tpu.memory_space<vmem>> -> memref<1x64x128xf32, #tpu.memory_space<vmem>>
      %dma_start3A_767 = tpu.memref_squeeze %dma_start3A_766 : memref<1x64x128xf32, #tpu.memory_space<vmem>> -> memref<64x128xf32, #tpu.memory_space<vmem>>
      %dma_start3A_768 = arith.constant 0 : i32
      %dma_start3A_769 = arith.constant 0 : i32
      %dma_start3A_770 = tpu.memref_slice %arg5[%dma_start3A_763, %dma_start3A_768, %dma_start3A_769] : memref<2x16384x128xf32, #tpu.memory_space<hbm>> -> memref<1x16384x128xf32, #tpu.memory_space<hbm>>
      %dma_start3A_771 = tpu.memref_squeeze %dma_start3A_770 : memref<1x16384x128xf32, #tpu.memory_space<hbm>> -> memref<16384x128xf32, #tpu.memory_space<hbm>>
      %dma_start3A_772 = arith.constant 0 : i32
      %dma_start3A_773 = tpu.memref_slice %dma_start3A_771[%add3A_761, %dma_start3A_772] : memref<16384x128xf32, #tpu.memory_space<hbm>> -> memref<64x128xf32, #tpu.memory_space<hbm>>
      %dma_start3A_774 = arith.constant 0 : i32
      %dma_start3A_775 = arith.constant 0 : i32
      %dma_start3A_776 = tpu.memref_slice %arg5[%dma_start3A_763, %dma_start3A_774, %dma_start3A_775] : memref<2x16384x128xf32, #tpu.memory_space<hbm>> -> memref<1x16384x128xf32, #tpu.memory_space<hbm>>
      %dma_start3A_777 = tpu.memref_squeeze %dma_start3A_776 : memref<1x16384x128xf32, #tpu.memory_space<hbm>> -> memref<16384x128xf32, #tpu.memory_space<hbm>>
      %dma_start3A_778 = arith.constant 0 : i32
      %dma_start3A_779 = tpu.memref_slice %dma_start3A_777[%add3A_761, %dma_start3A_778] : memref<16384x128xf32, #tpu.memory_space<hbm>> -> memref<64x128xf32, #tpu.memory_space<hbm>>
      %dma_start3A_780 = arith.constant 0 : i32
      %dma_start3A_781 = arith.constant 0 : i32
      %dma_start3A_782 = tpu.memref_slice %arg7[%dma_start3A_762, %dma_start3A_780, %dma_start3A_781] : memref<14x64x128xf32, #tpu.memory_space<vmem>> -> memref<1x64x128xf32, #tpu.memory_space<vmem>>
      %dma_start3A_783 = tpu.memref_squeeze %dma_start3A_782 : memref<1x64x128xf32, #tpu.memory_space<vmem>> -> memref<64x128xf32, #tpu.memory_space<vmem>>
      tpu.enqueue_dma source(%dma_start3A_783 : memref<64x128xf32, #tpu.memory_space<vmem>>) target(%dma_start3A_779 : memref<64x128xf32, #tpu.memory_space<hbm>>) target_semaphore(%arg8 : memref<!tpu.dma_semaphore, #tpu.memory_space<semaphore_mem>>)
      %dma_wait3A_784 = arith.constant 15 : i32
      %dma_wait3A_785 = arith.constant 1 : i32
      %dma_wait3A_786 = arith.constant 0 : i32
      %dma_wait3A_787 = arith.constant 0 : i32
      %dma_wait3A_788 = tpu.memref_slice %arg7[%dma_wait3A_785, %dma_wait3A_786, %dma_wait3A_787] : memref<14x64x128xf32, #tpu.memory_space<vmem>> -> memref<1x64x128xf32, #tpu.memory_space<vmem>>
      %dma_wait3A_789 = tpu.memref_squeeze %dma_wait3A_788 : memref<1x64x128xf32, #tpu.memory_space<vmem>> -> memref<64x128xf32, #tpu.memory_space<vmem>>
      %dma_wait3A_790 = arith.constant 0 : i32
      %dma_wait3A_791 = tpu.memref_slice %arg6[%dma_wait3A_784, %dma_wait3A_790] : memref<16x64xi32, #tpu.memory_space<vmem>> -> memref<1x64xi32, #tpu.memory_space<vmem>>
      %dma_wait3A_792 = tpu.memref_squeeze %dma_wait3A_791 : memref<1x64xi32, #tpu.memory_space<vmem>> -> memref<64xi32, #tpu.memory_space<vmem>>
      %dma_wait3A_793 = arith.constant 0 : i32
      %dma_wait3A_794 = arith.constant 0 : i32
      %dma_wait3A_795 = tpu.memref_slice %arg2[%dma_wait3A_793, %dma_wait3A_794] : memref<100000x128xf32, #tpu.memory_space<hbm>> -> memref<100000x128xf32, #tpu.memory_space<hbm>>
      tpu.wait_indirect_dma semaphore(%arg9 : memref<!tpu.dma_semaphore, #tpu.memory_space<semaphore_mem>>) src(%dma_wait3A_795 : memref<100000x128xf32, #tpu.memory_space<hbm>>) dst(%dma_wait3A_789 : memref<64x128xf32, #tpu.memory_space<vmem>>)
      %add3A_796 = arith.constant 960 : i32
      %add3A_797 = arith.addi %mul3A_9, %add3A_796 : i32
      %dma_start3A_798 = arith.constant 1 : i32
      %dma_start3A_799 = arith.constant 0 : i32
      %dma_start3A_800 = arith.constant 0 : i32
      %dma_start3A_801 = arith.constant 0 : i32
      %dma_start3A_802 = tpu.memref_slice %arg7[%dma_start3A_798, %dma_start3A_800, %dma_start3A_801] : memref<14x64x128xf32, #tpu.memory_space<vmem>> -> memref<1x64x128xf32, #tpu.memory_space<vmem>>
      %dma_start3A_803 = tpu.memref_squeeze %dma_start3A_802 : memref<1x64x128xf32, #tpu.memory_space<vmem>> -> memref<64x128xf32, #tpu.memory_space<vmem>>
      %dma_start3A_804 = arith.constant 0 : i32
      %dma_start3A_805 = arith.constant 0 : i32
      %dma_start3A_806 = tpu.memref_slice %arg5[%dma_start3A_799, %dma_start3A_804, %dma_start3A_805] : memref<2x16384x128xf32, #tpu.memory_space<hbm>> -> memref<1x16384x128xf32, #tpu.memory_space<hbm>>
      %dma_start3A_807 = tpu.memref_squeeze %dma_start3A_806 : memref<1x16384x128xf32, #tpu.memory_space<hbm>> -> memref<16384x128xf32, #tpu.memory_space<hbm>>
      %dma_start3A_808 = arith.constant 0 : i32
      %dma_start3A_809 = tpu.memref_slice %dma_start3A_807[%add3A_797, %dma_start3A_808] : memref<16384x128xf32, #tpu.memory_space<hbm>> -> memref<64x128xf32, #tpu.memory_space<hbm>>
      %dma_start3A_810 = arith.constant 0 : i32
      %dma_start3A_811 = arith.constant 0 : i32
      %dma_start3A_812 = tpu.memref_slice %arg5[%dma_start3A_799, %dma_start3A_810, %dma_start3A_811] : memref<2x16384x128xf32, #tpu.memory_space<hbm>> -> memref<1x16384x128xf32, #tpu.memory_space<hbm>>
      %dma_start3A_813 = tpu.memref_squeeze %dma_start3A_812 : memref<1x16384x128xf32, #tpu.memory_space<hbm>> -> memref<16384x128xf32, #tpu.memory_space<hbm>>
      %dma_start3A_814 = arith.constant 0 : i32
      %dma_start3A_815 = tpu.memref_slice %dma_start3A_813[%add3A_797, %dma_start3A_814] : memref<16384x128xf32, #tpu.memory_space<hbm>> -> memref<64x128xf32, #tpu.memory_space<hbm>>
      %dma_start3A_816 = arith.constant 0 : i32
      %dma_start3A_817 = arith.constant 0 : i32
      %dma_start3A_818 = tpu.memref_slice %arg7[%dma_start3A_798, %dma_start3A_816, %dma_start3A_817] : memref<14x64x128xf32, #tpu.memory_space<vmem>> -> memref<1x64x128xf32, #tpu.memory_space<vmem>>
      %dma_start3A_819 = tpu.memref_squeeze %dma_start3A_818 : memref<1x64x128xf32, #tpu.memory_space<vmem>> -> memref<64x128xf32, #tpu.memory_space<vmem>>
      tpu.enqueue_dma source(%dma_start3A_819 : memref<64x128xf32, #tpu.memory_space<vmem>>) target(%dma_start3A_815 : memref<64x128xf32, #tpu.memory_space<hbm>>) target_semaphore(%arg9 : memref<!tpu.dma_semaphore, #tpu.memory_space<semaphore_mem>>)
      %dma_wait3A_820 = arith.constant 2 : i32
      %dma_wait3A_821 = arith.constant 0 : i32
      %dma_wait3A_822 = arith.constant 0 : i32
      %dma_wait3A_823 = arith.constant 0 : i32
      %dma_wait3A_824 = tpu.memref_slice %arg7[%dma_wait3A_820, %dma_wait3A_822, %dma_wait3A_823] : memref<14x64x128xf32, #tpu.memory_space<vmem>> -> memref<1x64x128xf32, #tpu.memory_space<vmem>>
      %dma_wait3A_825 = tpu.memref_squeeze %dma_wait3A_824 : memref<1x64x128xf32, #tpu.memory_space<vmem>> -> memref<64x128xf32, #tpu.memory_space<vmem>>
      %dma_wait3A_826 = arith.constant 0 : i32
      %dma_wait3A_827 = arith.constant 0 : i32
      %dma_wait3A_828 = tpu.memref_slice %arg5[%dma_wait3A_821, %dma_wait3A_826, %dma_wait3A_827] : memref<2x16384x128xf32, #tpu.memory_space<hbm>> -> memref<1x16384x128xf32, #tpu.memory_space<hbm>>
      %dma_wait3A_829 = tpu.memref_squeeze %dma_wait3A_828 : memref<1x16384x128xf32, #tpu.memory_space<hbm>> -> memref<16384x128xf32, #tpu.memory_space<hbm>>
      %dma_wait3A_830 = arith.constant 0 : i32
      %dma_wait3A_831 = tpu.memref_slice %dma_wait3A_829[%add3A_295, %dma_wait3A_830] : memref<16384x128xf32, #tpu.memory_space<hbm>> -> memref<64x128xf32, #tpu.memory_space<hbm>>
      %dma_wait3A_832 = arith.constant 0 : i32
      %dma_wait3A_833 = arith.constant 0 : i32
      %dma_wait3A_834 = tpu.memref_slice %arg5[%dma_wait3A_821, %dma_wait3A_832, %dma_wait3A_833] : memref<2x16384x128xf32, #tpu.memory_space<hbm>> -> memref<1x16384x128xf32, #tpu.memory_space<hbm>>
      %dma_wait3A_835 = tpu.memref_squeeze %dma_wait3A_834 : memref<1x16384x128xf32, #tpu.memory_space<hbm>> -> memref<16384x128xf32, #tpu.memory_space<hbm>>
      %dma_wait3A_836 = arith.constant 0 : i32
      %dma_wait3A_837 = tpu.memref_slice %dma_wait3A_835[%add3A_295, %dma_wait3A_836] : memref<16384x128xf32, #tpu.memory_space<hbm>> -> memref<64x128xf32, #tpu.memory_space<hbm>>
      %dma_wait3A_838 = arith.constant 0 : i32
      %dma_wait3A_839 = arith.constant 0 : i32
      %dma_wait3A_840 = tpu.memref_slice %arg7[%dma_wait3A_820, %dma_wait3A_838, %dma_wait3A_839] : memref<14x64x128xf32, #tpu.memory_space<vmem>> -> memref<1x64x128xf32, #tpu.memory_space<vmem>>
      %dma_wait3A_841 = tpu.memref_squeeze %dma_wait3A_840 : memref<1x64x128xf32, #tpu.memory_space<vmem>> -> memref<64x128xf32, #tpu.memory_space<vmem>>
      tpu.wait_dma2 semaphore(%arg10 : memref<!tpu.dma_semaphore, #tpu.memory_space<semaphore_mem>>) src(%dma_wait3A_841 : memref<64x128xf32, #tpu.memory_space<vmem>>) dst(%dma_wait3A_837 : memref<64x128xf32, #tpu.memory_space<hbm>>)
      %dma_wait3A_842 = arith.constant 3 : i32
      %dma_wait3A_843 = arith.constant 0 : i32
      %dma_wait3A_844 = arith.constant 0 : i32
      %dma_wait3A_845 = arith.constant 0 : i32
      %dma_wait3A_846 = tpu.memref_slice %arg7[%dma_wait3A_842, %dma_wait3A_844, %dma_wait3A_845] : memref<14x64x128xf32, #tpu.memory_space<vmem>> -> memref<1x64x128xf32, #tpu.memory_space<vmem>>
      %dma_wait3A_847 = tpu.memref_squeeze %dma_wait3A_846 : memref<1x64x128xf32, #tpu.memory_space<vmem>> -> memref<64x128xf32, #tpu.memory_space<vmem>>
      %dma_wait3A_848 = arith.constant 0 : i32
      %dma_wait3A_849 = arith.constant 0 : i32
      %dma_wait3A_850 = tpu.memref_slice %arg5[%dma_wait3A_843, %dma_wait3A_848, %dma_wait3A_849] : memref<2x16384x128xf32, #tpu.memory_space<hbm>> -> memref<1x16384x128xf32, #tpu.memory_space<hbm>>
      %dma_wait3A_851 = tpu.memref_squeeze %dma_wait3A_850 : memref<1x16384x128xf32, #tpu.memory_space<hbm>> -> memref<16384x128xf32, #tpu.memory_space<hbm>>
      %dma_wait3A_852 = arith.constant 0 : i32
      %dma_wait3A_853 = tpu.memref_slice %dma_wait3A_851[%add3A_365, %dma_wait3A_852] : memref<16384x128xf32, #tpu.memory_space<hbm>> -> memref<64x128xf32, #tpu.memory_space<hbm>>
      %dma_wait3A_854 = arith.constant 0 : i32
      %dma_wait3A_855 = arith.constant 0 : i32
      %dma_wait3A_856 = tpu.memref_slice %arg5[%dma_wait3A_843, %dma_wait3A_854, %dma_wait3A_855] : memref<2x16384x128xf32, #tpu.memory_space<hbm>> -> memref<1x16384x128xf32, #tpu.memory_space<hbm>>
      %dma_wait3A_857 = tpu.memref_squeeze %dma_wait3A_856 : memref<1x16384x128xf32, #tpu.memory_space<hbm>> -> memref<16384x128xf32, #tpu.memory_space<hbm>>
      %dma_wait3A_858 = arith.constant 0 : i32
      %dma_wait3A_859 = tpu.memref_slice %dma_wait3A_857[%add3A_365, %dma_wait3A_858] : memref<16384x128xf32, #tpu.memory_space<hbm>> -> memref<64x128xf32, #tpu.memory_space<hbm>>
      %dma_wait3A_860 = arith.constant 0 : i32
      %dma_wait3A_861 = arith.constant 0 : i32
      %dma_wait3A_862 = tpu.memref_slice %arg7[%dma_wait3A_842, %dma_wait3A_860, %dma_wait3A_861] : memref<14x64x128xf32, #tpu.memory_space<vmem>> -> memref<1x64x128xf32, #tpu.memory_space<vmem>>
      %dma_wait3A_863 = tpu.memref_squeeze %dma_wait3A_862 : memref<1x64x128xf32, #tpu.memory_space<vmem>> -> memref<64x128xf32, #tpu.memory_space<vmem>>
      tpu.wait_dma2 semaphore(%arg11 : memref<!tpu.dma_semaphore, #tpu.memory_space<semaphore_mem>>) src(%dma_wait3A_863 : memref<64x128xf32, #tpu.memory_space<vmem>>) dst(%dma_wait3A_859 : memref<64x128xf32, #tpu.memory_space<hbm>>)
      %dma_wait3A_864 = arith.constant 4 : i32
      %dma_wait3A_865 = arith.constant 0 : i32
      %dma_wait3A_866 = arith.constant 0 : i32
      %dma_wait3A_867 = arith.constant 0 : i32
      %dma_wait3A_868 = tpu.memref_slice %arg7[%dma_wait3A_864, %dma_wait3A_866, %dma_wait3A_867] : memref<14x64x128xf32, #tpu.memory_space<vmem>> -> memref<1x64x128xf32, #tpu.memory_space<vmem>>
      %dma_wait3A_869 = tpu.memref_squeeze %dma_wait3A_868 : memref<1x64x128xf32, #tpu.memory_space<vmem>> -> memref<64x128xf32, #tpu.memory_space<vmem>>
      %dma_wait3A_870 = arith.constant 0 : i32
      %dma_wait3A_871 = arith.constant 0 : i32
      %dma_wait3A_872 = tpu.memref_slice %arg5[%dma_wait3A_865, %dma_wait3A_870, %dma_wait3A_871] : memref<2x16384x128xf32, #tpu.memory_space<hbm>> -> memref<1x16384x128xf32, #tpu.memory_space<hbm>>
      %dma_wait3A_873 = tpu.memref_squeeze %dma_wait3A_872 : memref<1x16384x128xf32, #tpu.memory_space<hbm>> -> memref<16384x128xf32, #tpu.memory_space<hbm>>
      %dma_wait3A_874 = arith.constant 0 : i32
      %dma_wait3A_875 = tpu.memref_slice %dma_wait3A_873[%add3A_401, %dma_wait3A_874] : memref<16384x128xf32, #tpu.memory_space<hbm>> -> memref<64x128xf32, #tpu.memory_space<hbm>>
      %dma_wait3A_876 = arith.constant 0 : i32
      %dma_wait3A_877 = arith.constant 0 : i32
      %dma_wait3A_878 = tpu.memref_slice %arg5[%dma_wait3A_865, %dma_wait3A_876, %dma_wait3A_877] : memref<2x16384x128xf32, #tpu.memory_space<hbm>> -> memref<1x16384x128xf32, #tpu.memory_space<hbm>>
      %dma_wait3A_879 = tpu.memref_squeeze %dma_wait3A_878 : memref<1x16384x128xf32, #tpu.memory_space<hbm>> -> memref<16384x128xf32, #tpu.memory_space<hbm>>
      %dma_wait3A_880 = arith.constant 0 : i32
      %dma_wait3A_881 = tpu.memref_slice %dma_wait3A_879[%add3A_401, %dma_wait3A_880] : memref<16384x128xf32, #tpu.memory_space<hbm>> -> memref<64x128xf32, #tpu.memory_space<hbm>>
      %dma_wait3A_882 = arith.constant 0 : i32
      %dma_wait3A_883 = arith.constant 0 : i32
      %dma_wait3A_884 = tpu.memref_slice %arg7[%dma_wait3A_864, %dma_wait3A_882, %dma_wait3A_883] : memref<14x64x128xf32, #tpu.memory_space<vmem>> -> memref<1x64x128xf32, #tpu.memory_space<vmem>>
      %dma_wait3A_885 = tpu.memref_squeeze %dma_wait3A_884 : memref<1x64x128xf32, #tpu.memory_space<vmem>> -> memref<64x128xf32, #tpu.memory_space<vmem>>
      tpu.wait_dma2 semaphore(%arg12 : memref<!tpu.dma_semaphore, #tpu.memory_space<semaphore_mem>>) src(%dma_wait3A_885 : memref<64x128xf32, #tpu.memory_space<vmem>>) dst(%dma_wait3A_881 : memref<64x128xf32, #tpu.memory_space<hbm>>)
      %dma_wait3A_886 = arith.constant 5 : i32
      %dma_wait3A_887 = arith.constant 0 : i32
      %dma_wait3A_888 = arith.constant 0 : i32
      %dma_wait3A_889 = arith.constant 0 : i32
      %dma_wait3A_890 = tpu.memref_slice %arg7[%dma_wait3A_886, %dma_wait3A_888, %dma_wait3A_889] : memref<14x64x128xf32, #tpu.memory_space<vmem>> -> memref<1x64x128xf32, #tpu.memory_space<vmem>>
      %dma_wait3A_891 = tpu.memref_squeeze %dma_wait3A_890 : memref<1x64x128xf32, #tpu.memory_space<vmem>> -> memref<64x128xf32, #tpu.memory_space<vmem>>
      %dma_wait3A_892 = arith.constant 0 : i32
      %dma_wait3A_893 = arith.constant 0 : i32
      %dma_wait3A_894 = tpu.memref_slice %arg5[%dma_wait3A_887, %dma_wait3A_892, %dma_wait3A_893] : memref<2x16384x128xf32, #tpu.memory_space<hbm>> -> memref<1x16384x128xf32, #tpu.memory_space<hbm>>
      %dma_wait3A_895 = tpu.memref_squeeze %dma_wait3A_894 : memref<1x16384x128xf32, #tpu.memory_space<hbm>> -> memref<16384x128xf32, #tpu.memory_space<hbm>>
      %dma_wait3A_896 = arith.constant 0 : i32
      %dma_wait3A_897 = tpu.memref_slice %dma_wait3A_895[%add3A_437, %dma_wait3A_896] : memref<16384x128xf32, #tpu.memory_space<hbm>> -> memref<64x128xf32, #tpu.memory_space<hbm>>
      %dma_wait3A_898 = arith.constant 0 : i32
      %dma_wait3A_899 = arith.constant 0 : i32
      %dma_wait3A_900 = tpu.memref_slice %arg5[%dma_wait3A_887, %dma_wait3A_898, %dma_wait3A_899] : memref<2x16384x128xf32, #tpu.memory_space<hbm>> -> memref<1x16384x128xf32, #tpu.memory_space<hbm>>
      %dma_wait3A_901 = tpu.memref_squeeze %dma_wait3A_900 : memref<1x16384x128xf32, #tpu.memory_space<hbm>> -> memref<16384x128xf32, #tpu.memory_space<hbm>>
      %dma_wait3A_902 = arith.constant 0 : i32
      %dma_wait3A_903 = tpu.memref_slice %dma_wait3A_901[%add3A_437, %dma_wait3A_902] : memref<16384x128xf32, #tpu.memory_space<hbm>> -> memref<64x128xf32, #tpu.memory_space<hbm>>
      %dma_wait3A_904 = arith.constant 0 : i32
      %dma_wait3A_905 = arith.constant 0 : i32
      %dma_wait3A_906 = tpu.memref_slice %arg7[%dma_wait3A_886, %dma_wait3A_904, %dma_wait3A_905] : memref<14x64x128xf32, #tpu.memory_space<vmem>> -> memref<1x64x128xf32, #tpu.memory_space<vmem>>
      %dma_wait3A_907 = tpu.memref_squeeze %dma_wait3A_906 : memref<1x64x128xf32, #tpu.memory_space<vmem>> -> memref<64x128xf32, #tpu.memory_space<vmem>>
      tpu.wait_dma2 semaphore(%arg13 : memref<!tpu.dma_semaphore, #tpu.memory_space<semaphore_mem>>) src(%dma_wait3A_907 : memref<64x128xf32, #tpu.memory_space<vmem>>) dst(%dma_wait3A_903 : memref<64x128xf32, #tpu.memory_space<hbm>>)
      %dma_wait3A_908 = arith.constant 6 : i32
      %dma_wait3A_909 = arith.constant 0 : i32
      %dma_wait3A_910 = arith.constant 0 : i32
      %dma_wait3A_911 = arith.constant 0 : i32
      %dma_wait3A_912 = tpu.memref_slice %arg7[%dma_wait3A_908, %dma_wait3A_910, %dma_wait3A_911] : memref<14x64x128xf32, #tpu.memory_space<vmem>> -> memref<1x64x128xf32, #tpu.memory_space<vmem>>
      %dma_wait3A_913 = tpu.memref_squeeze %dma_wait3A_912 : memref<1x64x128xf32, #tpu.memory_space<vmem>> -> memref<64x128xf32, #tpu.memory_space<vmem>>
      %dma_wait3A_914 = arith.constant 0 : i32
      %dma_wait3A_915 = arith.constant 0 : i32
      %dma_wait3A_916 = tpu.memref_slice %arg5[%dma_wait3A_909, %dma_wait3A_914, %dma_wait3A_915] : memref<2x16384x128xf32, #tpu.memory_space<hbm>> -> memref<1x16384x128xf32, #tpu.memory_space<hbm>>
      %dma_wait3A_917 = tpu.memref_squeeze %dma_wait3A_916 : memref<1x16384x128xf32, #tpu.memory_space<hbm>> -> memref<16384x128xf32, #tpu.memory_space<hbm>>
      %dma_wait3A_918 = arith.constant 0 : i32
      %dma_wait3A_919 = tpu.memref_slice %dma_wait3A_917[%add3A_473, %dma_wait3A_918] : memref<16384x128xf32, #tpu.memory_space<hbm>> -> memref<64x128xf32, #tpu.memory_space<hbm>>
      %dma_wait3A_920 = arith.constant 0 : i32
      %dma_wait3A_921 = arith.constant 0 : i32
      %dma_wait3A_922 = tpu.memref_slice %arg5[%dma_wait3A_909, %dma_wait3A_920, %dma_wait3A_921] : memref<2x16384x128xf32, #tpu.memory_space<hbm>> -> memref<1x16384x128xf32, #tpu.memory_space<hbm>>
      %dma_wait3A_923 = tpu.memref_squeeze %dma_wait3A_922 : memref<1x16384x128xf32, #tpu.memory_space<hbm>> -> memref<16384x128xf32, #tpu.memory_space<hbm>>
      %dma_wait3A_924 = arith.constant 0 : i32
      %dma_wait3A_925 = tpu.memref_slice %dma_wait3A_923[%add3A_473, %dma_wait3A_924] : memref<16384x128xf32, #tpu.memory_space<hbm>> -> memref<64x128xf32, #tpu.memory_space<hbm>>
      %dma_wait3A_926 = arith.constant 0 : i32
      %dma_wait3A_927 = arith.constant 0 : i32
      %dma_wait3A_928 = tpu.memref_slice %arg7[%dma_wait3A_908, %dma_wait3A_926, %dma_wait3A_927] : memref<14x64x128xf32, #tpu.memory_space<vmem>> -> memref<1x64x128xf32, #tpu.memory_space<vmem>>
      %dma_wait3A_929 = tpu.memref_squeeze %dma_wait3A_928 : memref<1x64x128xf32, #tpu.memory_space<vmem>> -> memref<64x128xf32, #tpu.memory_space<vmem>>
      tpu.wait_dma2 semaphore(%arg14 : memref<!tpu.dma_semaphore, #tpu.memory_space<semaphore_mem>>) src(%dma_wait3A_929 : memref<64x128xf32, #tpu.memory_space<vmem>>) dst(%dma_wait3A_925 : memref<64x128xf32, #tpu.memory_space<hbm>>)
      %dma_wait3A_930 = arith.constant 7 : i32
      %dma_wait3A_931 = arith.constant 0 : i32
      %dma_wait3A_932 = arith.constant 0 : i32
      %dma_wait3A_933 = arith.constant 0 : i32
      %dma_wait3A_934 = tpu.memref_slice %arg7[%dma_wait3A_930, %dma_wait3A_932, %dma_wait3A_933] : memref<14x64x128xf32, #tpu.memory_space<vmem>> -> memref<1x64x128xf32, #tpu.memory_space<vmem>>
      %dma_wait3A_935 = tpu.memref_squeeze %dma_wait3A_934 : memref<1x64x128xf32, #tpu.memory_space<vmem>> -> memref<64x128xf32, #tpu.memory_space<vmem>>
      %dma_wait3A_936 = arith.constant 0 : i32
      %dma_wait3A_937 = arith.constant 0 : i32
      %dma_wait3A_938 = tpu.memref_slice %arg5[%dma_wait3A_931, %dma_wait3A_936, %dma_wait3A_937] : memref<2x16384x128xf32, #tpu.memory_space<hbm>> -> memref<1x16384x128xf32, #tpu.memory_space<hbm>>
      %dma_wait3A_939 = tpu.memref_squeeze %dma_wait3A_938 : memref<1x16384x128xf32, #tpu.memory_space<hbm>> -> memref<16384x128xf32, #tpu.memory_space<hbm>>
      %dma_wait3A_940 = arith.constant 0 : i32
      %dma_wait3A_941 = tpu.memref_slice %dma_wait3A_939[%add3A_509, %dma_wait3A_940] : memref<16384x128xf32, #tpu.memory_space<hbm>> -> memref<64x128xf32, #tpu.memory_space<hbm>>
      %dma_wait3A_942 = arith.constant 0 : i32
      %dma_wait3A_943 = arith.constant 0 : i32
      %dma_wait3A_944 = tpu.memref_slice %arg5[%dma_wait3A_931, %dma_wait3A_942, %dma_wait3A_943] : memref<2x16384x128xf32, #tpu.memory_space<hbm>> -> memref<1x16384x128xf32, #tpu.memory_space<hbm>>
      %dma_wait3A_945 = tpu.memref_squeeze %dma_wait3A_944 : memref<1x16384x128xf32, #tpu.memory_space<hbm>> -> memref<16384x128xf32, #tpu.memory_space<hbm>>
      %dma_wait3A_946 = arith.constant 0 : i32
      %dma_wait3A_947 = tpu.memref_slice %dma_wait3A_945[%add3A_509, %dma_wait3A_946] : memref<16384x128xf32, #tpu.memory_space<hbm>> -> memref<64x128xf32, #tpu.memory_space<hbm>>
      %dma_wait3A_948 = arith.constant 0 : i32
      %dma_wait3A_949 = arith.constant 0 : i32
      %dma_wait3A_950 = tpu.memref_slice %arg7[%dma_wait3A_930, %dma_wait3A_948, %dma_wait3A_949] : memref<14x64x128xf32, #tpu.memory_space<vmem>> -> memref<1x64x128xf32, #tpu.memory_space<vmem>>
      %dma_wait3A_951 = tpu.memref_squeeze %dma_wait3A_950 : memref<1x64x128xf32, #tpu.memory_space<vmem>> -> memref<64x128xf32, #tpu.memory_space<vmem>>
      tpu.wait_dma2 semaphore(%arg15 : memref<!tpu.dma_semaphore, #tpu.memory_space<semaphore_mem>>) src(%dma_wait3A_951 : memref<64x128xf32, #tpu.memory_space<vmem>>) dst(%dma_wait3A_947 : memref<64x128xf32, #tpu.memory_space<hbm>>)
      %dma_wait3A_952 = arith.constant 8 : i32
      %dma_wait3A_953 = arith.constant 0 : i32
      %dma_wait3A_954 = arith.constant 0 : i32
      %dma_wait3A_955 = arith.constant 0 : i32
      %dma_wait3A_956 = tpu.memref_slice %arg7[%dma_wait3A_952, %dma_wait3A_954, %dma_wait3A_955] : memref<14x64x128xf32, #tpu.memory_space<vmem>> -> memref<1x64x128xf32, #tpu.memory_space<vmem>>
      %dma_wait3A_957 = tpu.memref_squeeze %dma_wait3A_956 : memref<1x64x128xf32, #tpu.memory_space<vmem>> -> memref<64x128xf32, #tpu.memory_space<vmem>>
      %dma_wait3A_958 = arith.constant 0 : i32
      %dma_wait3A_959 = arith.constant 0 : i32
      %dma_wait3A_960 = tpu.memref_slice %arg5[%dma_wait3A_953, %dma_wait3A_958, %dma_wait3A_959] : memref<2x16384x128xf32, #tpu.memory_space<hbm>> -> memref<1x16384x128xf32, #tpu.memory_space<hbm>>
      %dma_wait3A_961 = tpu.memref_squeeze %dma_wait3A_960 : memref<1x16384x128xf32, #tpu.memory_space<hbm>> -> memref<16384x128xf32, #tpu.memory_space<hbm>>
      %dma_wait3A_962 = arith.constant 0 : i32
      %dma_wait3A_963 = tpu.memref_slice %dma_wait3A_961[%add3A_545, %dma_wait3A_962] : memref<16384x128xf32, #tpu.memory_space<hbm>> -> memref<64x128xf32, #tpu.memory_space<hbm>>
      %dma_wait3A_964 = arith.constant 0 : i32
      %dma_wait3A_965 = arith.constant 0 : i32
      %dma_wait3A_966 = tpu.memref_slice %arg5[%dma_wait3A_953, %dma_wait3A_964, %dma_wait3A_965] : memref<2x16384x128xf32, #tpu.memory_space<hbm>> -> memref<1x16384x128xf32, #tpu.memory_space<hbm>>
      %dma_wait3A_967 = tpu.memref_squeeze %dma_wait3A_966 : memref<1x16384x128xf32, #tpu.memory_space<hbm>> -> memref<16384x128xf32, #tpu.memory_space<hbm>>
      %dma_wait3A_968 = arith.constant 0 : i32
      %dma_wait3A_969 = tpu.memref_slice %dma_wait3A_967[%add3A_545, %dma_wait3A_968] : memref<16384x128xf32, #tpu.memory_space<hbm>> -> memref<64x128xf32, #tpu.memory_space<hbm>>
      %dma_wait3A_970 = arith.constant 0 : i32
      %dma_wait3A_971 = arith.constant 0 : i32
      %dma_wait3A_972 = tpu.memref_slice %arg7[%dma_wait3A_952, %dma_wait3A_970, %dma_wait3A_971] : memref<14x64x128xf32, #tpu.memory_space<vmem>> -> memref<1x64x128xf32, #tpu.memory_space<vmem>>
      %dma_wait3A_973 = tpu.memref_squeeze %dma_wait3A_972 : memref<1x64x128xf32, #tpu.memory_space<vmem>> -> memref<64x128xf32, #tpu.memory_space<vmem>>
      tpu.wait_dma2 semaphore(%arg16 : memref<!tpu.dma_semaphore, #tpu.memory_space<semaphore_mem>>) src(%dma_wait3A_973 : memref<64x128xf32, #tpu.memory_space<vmem>>) dst(%dma_wait3A_969 : memref<64x128xf32, #tpu.memory_space<hbm>>)
      %dma_wait3A_974 = arith.constant 9 : i32
      %dma_wait3A_975 = arith.constant 0 : i32
      %dma_wait3A_976 = arith.constant 0 : i32
      %dma_wait3A_977 = arith.constant 0 : i32
      %dma_wait3A_978 = tpu.memref_slice %arg7[%dma_wait3A_974, %dma_wait3A_976, %dma_wait3A_977] : memref<14x64x128xf32, #tpu.memory_space<vmem>> -> memref<1x64x128xf32, #tpu.memory_space<vmem>>
      %dma_wait3A_979 = tpu.memref_squeeze %dma_wait3A_978 : memref<1x64x128xf32, #tpu.memory_space<vmem>> -> memref<64x128xf32, #tpu.memory_space<vmem>>
      %dma_wait3A_980 = arith.constant 0 : i32
      %dma_wait3A_981 = arith.constant 0 : i32
      %dma_wait3A_982 = tpu.memref_slice %arg5[%dma_wait3A_975, %dma_wait3A_980, %dma_wait3A_981] : memref<2x16384x128xf32, #tpu.memory_space<hbm>> -> memref<1x16384x128xf32, #tpu.memory_space<hbm>>
      %dma_wait3A_983 = tpu.memref_squeeze %dma_wait3A_982 : memref<1x16384x128xf32, #tpu.memory_space<hbm>> -> memref<16384x128xf32, #tpu.memory_space<hbm>>
      %dma_wait3A_984 = arith.constant 0 : i32
      %dma_wait3A_985 = tpu.memref_slice %dma_wait3A_983[%add3A_581, %dma_wait3A_984] : memref<16384x128xf32, #tpu.memory_space<hbm>> -> memref<64x128xf32, #tpu.memory_space<hbm>>
      %dma_wait3A_986 = arith.constant 0 : i32
      %dma_wait3A_987 = arith.constant 0 : i32
      %dma_wait3A_988 = tpu.memref_slice %arg5[%dma_wait3A_975, %dma_wait3A_986, %dma_wait3A_987] : memref<2x16384x128xf32, #tpu.memory_space<hbm>> -> memref<1x16384x128xf32, #tpu.memory_space<hbm>>
      %dma_wait3A_989 = tpu.memref_squeeze %dma_wait3A_988 : memref<1x16384x128xf32, #tpu.memory_space<hbm>> -> memref<16384x128xf32, #tpu.memory_space<hbm>>
      %dma_wait3A_990 = arith.constant 0 : i32
      %dma_wait3A_991 = tpu.memref_slice %dma_wait3A_989[%add3A_581, %dma_wait3A_990] : memref<16384x128xf32, #tpu.memory_space<hbm>> -> memref<64x128xf32, #tpu.memory_space<hbm>>
      %dma_wait3A_992 = arith.constant 0 : i32
      %dma_wait3A_993 = arith.constant 0 : i32
      %dma_wait3A_994 = tpu.memref_slice %arg7[%dma_wait3A_974, %dma_wait3A_992, %dma_wait3A_993] : memref<14x64x128xf32, #tpu.memory_space<vmem>> -> memref<1x64x128xf32, #tpu.memory_space<vmem>>
      %dma_wait3A_995 = tpu.memref_squeeze %dma_wait3A_994 : memref<1x64x128xf32, #tpu.memory_space<vmem>> -> memref<64x128xf32, #tpu.memory_space<vmem>>
      tpu.wait_dma2 semaphore(%arg17 : memref<!tpu.dma_semaphore, #tpu.memory_space<semaphore_mem>>) src(%dma_wait3A_995 : memref<64x128xf32, #tpu.memory_space<vmem>>) dst(%dma_wait3A_991 : memref<64x128xf32, #tpu.memory_space<hbm>>)
      %dma_wait3A_996 = arith.constant 10 : i32
      %dma_wait3A_997 = arith.constant 0 : i32
      %dma_wait3A_998 = arith.constant 0 : i32
      %dma_wait3A_999 = arith.constant 0 : i32
      %dma_wait3A_1000 = tpu.memref_slice %arg7[%dma_wait3A_996, %dma_wait3A_998, %dma_wait3A_999] : memref<14x64x128xf32, #tpu.memory_space<vmem>> -> memref<1x64x128xf32, #tpu.memory_space<vmem>>
      %dma_wait3A_1001 = tpu.memref_squeeze %dma_wait3A_1000 : memref<1x64x128xf32, #tpu.memory_space<vmem>> -> memref<64x128xf32, #tpu.memory_space<vmem>>
      %dma_wait3A_1002 = arith.constant 0 : i32
      %dma_wait3A_1003 = arith.constant 0 : i32
      %dma_wait3A_1004 = tpu.memref_slice %arg5[%dma_wait3A_997, %dma_wait3A_1002, %dma_wait3A_1003] : memref<2x16384x128xf32, #tpu.memory_space<hbm>> -> memref<1x16384x128xf32, #tpu.memory_space<hbm>>
      %dma_wait3A_1005 = tpu.memref_squeeze %dma_wait3A_1004 : memref<1x16384x128xf32, #tpu.memory_space<hbm>> -> memref<16384x128xf32, #tpu.memory_space<hbm>>
      %dma_wait3A_1006 = arith.constant 0 : i32
      %dma_wait3A_1007 = tpu.memref_slice %dma_wait3A_1005[%add3A_617, %dma_wait3A_1006] : memref<16384x128xf32, #tpu.memory_space<hbm>> -> memref<64x128xf32, #tpu.memory_space<hbm>>
      %dma_wait3A_1008 = arith.constant 0 : i32
      %dma_wait3A_1009 = arith.constant 0 : i32
      %dma_wait3A_1010 = tpu.memref_slice %arg5[%dma_wait3A_997, %dma_wait3A_1008, %dma_wait3A_1009] : memref<2x16384x128xf32, #tpu.memory_space<hbm>> -> memref<1x16384x128xf32, #tpu.memory_space<hbm>>
      %dma_wait3A_1011 = tpu.memref_squeeze %dma_wait3A_1010 : memref<1x16384x128xf32, #tpu.memory_space<hbm>> -> memref<16384x128xf32, #tpu.memory_space<hbm>>
      %dma_wait3A_1012 = arith.constant 0 : i32
      %dma_wait3A_1013 = tpu.memref_slice %dma_wait3A_1011[%add3A_617, %dma_wait3A_1012] : memref<16384x128xf32, #tpu.memory_space<hbm>> -> memref<64x128xf32, #tpu.memory_space<hbm>>
      %dma_wait3A_1014 = arith.constant 0 : i32
      %dma_wait3A_1015 = arith.constant 0 : i32
      %dma_wait3A_1016 = tpu.memref_slice %arg7[%dma_wait3A_996, %dma_wait3A_1014, %dma_wait3A_1015] : memref<14x64x128xf32, #tpu.memory_space<vmem>> -> memref<1x64x128xf32, #tpu.memory_space<vmem>>
      %dma_wait3A_1017 = tpu.memref_squeeze %dma_wait3A_1016 : memref<1x64x128xf32, #tpu.memory_space<vmem>> -> memref<64x128xf32, #tpu.memory_space<vmem>>
      tpu.wait_dma2 semaphore(%arg18 : memref<!tpu.dma_semaphore, #tpu.memory_space<semaphore_mem>>) src(%dma_wait3A_1017 : memref<64x128xf32, #tpu.memory_space<vmem>>) dst(%dma_wait3A_1013 : memref<64x128xf32, #tpu.memory_space<hbm>>)
      %dma_wait3A_1018 = arith.constant 11 : i32
      %dma_wait3A_1019 = arith.constant 0 : i32
      %dma_wait3A_1020 = arith.constant 0 : i32
      %dma_wait3A_1021 = arith.constant 0 : i32
      %dma_wait3A_1022 = tpu.memref_slice %arg7[%dma_wait3A_1018, %dma_wait3A_1020, %dma_wait3A_1021] : memref<14x64x128xf32, #tpu.memory_space<vmem>> -> memref<1x64x128xf32, #tpu.memory_space<vmem>>
      %dma_wait3A_1023 = tpu.memref_squeeze %dma_wait3A_1022 : memref<1x64x128xf32, #tpu.memory_space<vmem>> -> memref<64x128xf32, #tpu.memory_space<vmem>>
      %dma_wait3A_1024 = arith.constant 0 : i32
      %dma_wait3A_1025 = arith.constant 0 : i32
      %dma_wait3A_1026 = tpu.memref_slice %arg5[%dma_wait3A_1019, %dma_wait3A_1024, %dma_wait3A_1025] : memref<2x16384x128xf32, #tpu.memory_space<hbm>> -> memref<1x16384x128xf32, #tpu.memory_space<hbm>>
      %dma_wait3A_1027 = tpu.memref_squeeze %dma_wait3A_1026 : memref<1x16384x128xf32, #tpu.memory_space<hbm>> -> memref<16384x128xf32, #tpu.memory_space<hbm>>
      %dma_wait3A_1028 = arith.constant 0 : i32
      %dma_wait3A_1029 = tpu.memref_slice %dma_wait3A_1027[%add3A_653, %dma_wait3A_1028] : memref<16384x128xf32, #tpu.memory_space<hbm>> -> memref<64x128xf32, #tpu.memory_space<hbm>>
      %dma_wait3A_1030 = arith.constant 0 : i32
      %dma_wait3A_1031 = arith.constant 0 : i32
      %dma_wait3A_1032 = tpu.memref_slice %arg5[%dma_wait3A_1019, %dma_wait3A_1030, %dma_wait3A_1031] : memref<2x16384x128xf32, #tpu.memory_space<hbm>> -> memref<1x16384x128xf32, #tpu.memory_space<hbm>>
      %dma_wait3A_1033 = tpu.memref_squeeze %dma_wait3A_1032 : memref<1x16384x128xf32, #tpu.memory_space<hbm>> -> memref<16384x128xf32, #tpu.memory_space<hbm>>
      %dma_wait3A_1034 = arith.constant 0 : i32
      %dma_wait3A_1035 = tpu.memref_slice %dma_wait3A_1033[%add3A_653, %dma_wait3A_1034] : memref<16384x128xf32, #tpu.memory_space<hbm>> -> memref<64x128xf32, #tpu.memory_space<hbm>>
      %dma_wait3A_1036 = arith.constant 0 : i32
      %dma_wait3A_1037 = arith.constant 0 : i32
      %dma_wait3A_1038 = tpu.memref_slice %arg7[%dma_wait3A_1018, %dma_wait3A_1036, %dma_wait3A_1037] : memref<14x64x128xf32, #tpu.memory_space<vmem>> -> memref<1x64x128xf32, #tpu.memory_space<vmem>>
      %dma_wait3A_1039 = tpu.memref_squeeze %dma_wait3A_1038 : memref<1x64x128xf32, #tpu.memory_space<vmem>> -> memref<64x128xf32, #tpu.memory_space<vmem>>
      tpu.wait_dma2 semaphore(%arg19 : memref<!tpu.dma_semaphore, #tpu.memory_space<semaphore_mem>>) src(%dma_wait3A_1039 : memref<64x128xf32, #tpu.memory_space<vmem>>) dst(%dma_wait3A_1035 : memref<64x128xf32, #tpu.memory_space<hbm>>)
      %dma_wait3A_1040 = arith.constant 12 : i32
      %dma_wait3A_1041 = arith.constant 0 : i32
      %dma_wait3A_1042 = arith.constant 0 : i32
      %dma_wait3A_1043 = arith.constant 0 : i32
      %dma_wait3A_1044 = tpu.memref_slice %arg7[%dma_wait3A_1040, %dma_wait3A_1042, %dma_wait3A_1043] : memref<14x64x128xf32, #tpu.memory_space<vmem>> -> memref<1x64x128xf32, #tpu.memory_space<vmem>>
      %dma_wait3A_1045 = tpu.memref_squeeze %dma_wait3A_1044 : memref<1x64x128xf32, #tpu.memory_space<vmem>> -> memref<64x128xf32, #tpu.memory_space<vmem>>
      %dma_wait3A_1046 = arith.constant 0 : i32
      %dma_wait3A_1047 = arith.constant 0 : i32
      %dma_wait3A_1048 = tpu.memref_slice %arg5[%dma_wait3A_1041, %dma_wait3A_1046, %dma_wait3A_1047] : memref<2x16384x128xf32, #tpu.memory_space<hbm>> -> memref<1x16384x128xf32, #tpu.memory_space<hbm>>
      %dma_wait3A_1049 = tpu.memref_squeeze %dma_wait3A_1048 : memref<1x16384x128xf32, #tpu.memory_space<hbm>> -> memref<16384x128xf32, #tpu.memory_space<hbm>>
      %dma_wait3A_1050 = arith.constant 0 : i32
      %dma_wait3A_1051 = tpu.memref_slice %dma_wait3A_1049[%add3A_689, %dma_wait3A_1050] : memref<16384x128xf32, #tpu.memory_space<hbm>> -> memref<64x128xf32, #tpu.memory_space<hbm>>
      %dma_wait3A_1052 = arith.constant 0 : i32
      %dma_wait3A_1053 = arith.constant 0 : i32
      %dma_wait3A_1054 = tpu.memref_slice %arg5[%dma_wait3A_1041, %dma_wait3A_1052, %dma_wait3A_1053] : memref<2x16384x128xf32, #tpu.memory_space<hbm>> -> memref<1x16384x128xf32, #tpu.memory_space<hbm>>
      %dma_wait3A_1055 = tpu.memref_squeeze %dma_wait3A_1054 : memref<1x16384x128xf32, #tpu.memory_space<hbm>> -> memref<16384x128xf32, #tpu.memory_space<hbm>>
      %dma_wait3A_1056 = arith.constant 0 : i32
      %dma_wait3A_1057 = tpu.memref_slice %dma_wait3A_1055[%add3A_689, %dma_wait3A_1056] : memref<16384x128xf32, #tpu.memory_space<hbm>> -> memref<64x128xf32, #tpu.memory_space<hbm>>
      %dma_wait3A_1058 = arith.constant 0 : i32
      %dma_wait3A_1059 = arith.constant 0 : i32
      %dma_wait3A_1060 = tpu.memref_slice %arg7[%dma_wait3A_1040, %dma_wait3A_1058, %dma_wait3A_1059] : memref<14x64x128xf32, #tpu.memory_space<vmem>> -> memref<1x64x128xf32, #tpu.memory_space<vmem>>
      %dma_wait3A_1061 = tpu.memref_squeeze %dma_wait3A_1060 : memref<1x64x128xf32, #tpu.memory_space<vmem>> -> memref<64x128xf32, #tpu.memory_space<vmem>>
      tpu.wait_dma2 semaphore(%arg20 : memref<!tpu.dma_semaphore, #tpu.memory_space<semaphore_mem>>) src(%dma_wait3A_1061 : memref<64x128xf32, #tpu.memory_space<vmem>>) dst(%dma_wait3A_1057 : memref<64x128xf32, #tpu.memory_space<hbm>>)
      %dma_wait3A_1062 = arith.constant 13 : i32
      %dma_wait3A_1063 = arith.constant 0 : i32
      %dma_wait3A_1064 = arith.constant 0 : i32
      %dma_wait3A_1065 = arith.constant 0 : i32
      %dma_wait3A_1066 = tpu.memref_slice %arg7[%dma_wait3A_1062, %dma_wait3A_1064, %dma_wait3A_1065] : memref<14x64x128xf32, #tpu.memory_space<vmem>> -> memref<1x64x128xf32, #tpu.memory_space<vmem>>
      %dma_wait3A_1067 = tpu.memref_squeeze %dma_wait3A_1066 : memref<1x64x128xf32, #tpu.memory_space<vmem>> -> memref<64x128xf32, #tpu.memory_space<vmem>>
      %dma_wait3A_1068 = arith.constant 0 : i32
      %dma_wait3A_1069 = arith.constant 0 : i32
      %dma_wait3A_1070 = tpu.memref_slice %arg5[%dma_wait3A_1063, %dma_wait3A_1068, %dma_wait3A_1069] : memref<2x16384x128xf32, #tpu.memory_space<hbm>> -> memref<1x16384x128xf32, #tpu.memory_space<hbm>>
      %dma_wait3A_1071 = tpu.memref_squeeze %dma_wait3A_1070 : memref<1x16384x128xf32, #tpu.memory_space<hbm>> -> memref<16384x128xf32, #tpu.memory_space<hbm>>
      %dma_wait3A_1072 = arith.constant 0 : i32
      %dma_wait3A_1073 = tpu.memref_slice %dma_wait3A_1071[%add3A_725, %dma_wait3A_1072] : memref<16384x128xf32, #tpu.memory_space<hbm>> -> memref<64x128xf32, #tpu.memory_space<hbm>>
      %dma_wait3A_1074 = arith.constant 0 : i32
      %dma_wait3A_1075 = arith.constant 0 : i32
      %dma_wait3A_1076 = tpu.memref_slice %arg5[%dma_wait3A_1063, %dma_wait3A_1074, %dma_wait3A_1075] : memref<2x16384x128xf32, #tpu.memory_space<hbm>> -> memref<1x16384x128xf32, #tpu.memory_space<hbm>>
      %dma_wait3A_1077 = tpu.memref_squeeze %dma_wait3A_1076 : memref<1x16384x128xf32, #tpu.memory_space<hbm>> -> memref<16384x128xf32, #tpu.memory_space<hbm>>
      %dma_wait3A_1078 = arith.constant 0 : i32
      %dma_wait3A_1079 = tpu.memref_slice %dma_wait3A_1077[%add3A_725, %dma_wait3A_1078] : memref<16384x128xf32, #tpu.memory_space<hbm>> -> memref<64x128xf32, #tpu.memory_space<hbm>>
      %dma_wait3A_1080 = arith.constant 0 : i32
      %dma_wait3A_1081 = arith.constant 0 : i32
      %dma_wait3A_1082 = tpu.memref_slice %arg7[%dma_wait3A_1062, %dma_wait3A_1080, %dma_wait3A_1081] : memref<14x64x128xf32, #tpu.memory_space<vmem>> -> memref<1x64x128xf32, #tpu.memory_space<vmem>>
      %dma_wait3A_1083 = tpu.memref_squeeze %dma_wait3A_1082 : memref<1x64x128xf32, #tpu.memory_space<vmem>> -> memref<64x128xf32, #tpu.memory_space<vmem>>
      tpu.wait_dma2 semaphore(%arg21 : memref<!tpu.dma_semaphore, #tpu.memory_space<semaphore_mem>>) src(%dma_wait3A_1083 : memref<64x128xf32, #tpu.memory_space<vmem>>) dst(%dma_wait3A_1079 : memref<64x128xf32, #tpu.memory_space<hbm>>)
      %dma_wait3A_1084 = arith.constant 0 : i32
      %dma_wait3A_1085 = arith.constant 0 : i32
      %dma_wait3A_1086 = arith.constant 0 : i32
      %dma_wait3A_1087 = arith.constant 0 : i32
      %dma_wait3A_1088 = tpu.memref_slice %arg7[%dma_wait3A_1084, %dma_wait3A_1086, %dma_wait3A_1087] : memref<14x64x128xf32, #tpu.memory_space<vmem>> -> memref<1x64x128xf32, #tpu.memory_space<vmem>>
      %dma_wait3A_1089 = tpu.memref_squeeze %dma_wait3A_1088 : memref<1x64x128xf32, #tpu.memory_space<vmem>> -> memref<64x128xf32, #tpu.memory_space<vmem>>
      %dma_wait3A_1090 = arith.constant 0 : i32
      %dma_wait3A_1091 = arith.constant 0 : i32
      %dma_wait3A_1092 = tpu.memref_slice %arg5[%dma_wait3A_1085, %dma_wait3A_1090, %dma_wait3A_1091] : memref<2x16384x128xf32, #tpu.memory_space<hbm>> -> memref<1x16384x128xf32, #tpu.memory_space<hbm>>
      %dma_wait3A_1093 = tpu.memref_squeeze %dma_wait3A_1092 : memref<1x16384x128xf32, #tpu.memory_space<hbm>> -> memref<16384x128xf32, #tpu.memory_space<hbm>>
      %dma_wait3A_1094 = arith.constant 0 : i32
      %dma_wait3A_1095 = tpu.memref_slice %dma_wait3A_1093[%add3A_761, %dma_wait3A_1094] : memref<16384x128xf32, #tpu.memory_space<hbm>> -> memref<64x128xf32, #tpu.memory_space<hbm>>
      %dma_wait3A_1096 = arith.constant 0 : i32
      %dma_wait3A_1097 = arith.constant 0 : i32
      %dma_wait3A_1098 = tpu.memref_slice %arg5[%dma_wait3A_1085, %dma_wait3A_1096, %dma_wait3A_1097] : memref<2x16384x128xf32, #tpu.memory_space<hbm>> -> memref<1x16384x128xf32, #tpu.memory_space<hbm>>
      %dma_wait3A_1099 = tpu.memref_squeeze %dma_wait3A_1098 : memref<1x16384x128xf32, #tpu.memory_space<hbm>> -> memref<16384x128xf32, #tpu.memory_space<hbm>>
      %dma_wait3A_1100 = arith.constant 0 : i32
      %dma_wait3A_1101 = tpu.memref_slice %dma_wait3A_1099[%add3A_761, %dma_wait3A_1100] : memref<16384x128xf32, #tpu.memory_space<hbm>> -> memref<64x128xf32, #tpu.memory_space<hbm>>
      %dma_wait3A_1102 = arith.constant 0 : i32
      %dma_wait3A_1103 = arith.constant 0 : i32
      %dma_wait3A_1104 = tpu.memref_slice %arg7[%dma_wait3A_1084, %dma_wait3A_1102, %dma_wait3A_1103] : memref<14x64x128xf32, #tpu.memory_space<vmem>> -> memref<1x64x128xf32, #tpu.memory_space<vmem>>
      %dma_wait3A_1105 = tpu.memref_squeeze %dma_wait3A_1104 : memref<1x64x128xf32, #tpu.memory_space<vmem>> -> memref<64x128xf32, #tpu.memory_space<vmem>>
      tpu.wait_dma2 semaphore(%arg8 : memref<!tpu.dma_semaphore, #tpu.memory_space<semaphore_mem>>) src(%dma_wait3A_1105 : memref<64x128xf32, #tpu.memory_space<vmem>>) dst(%dma_wait3A_1101 : memref<64x128xf32, #tpu.memory_space<hbm>>)
      %dma_wait3A_1106 = arith.constant 1 : i32
      %dma_wait3A_1107 = arith.constant 0 : i32
      %dma_wait3A_1108 = arith.constant 0 : i32
      %dma_wait3A_1109 = arith.constant 0 : i32
      %dma_wait3A_1110 = tpu.memref_slice %arg7[%dma_wait3A_1106, %dma_wait3A_1108, %dma_wait3A_1109] : memref<14x64x128xf32, #tpu.memory_space<vmem>> -> memref<1x64x128xf32, #tpu.memory_space<vmem>>
      %dma_wait3A_1111 = tpu.memref_squeeze %dma_wait3A_1110 : memref<1x64x128xf32, #tpu.memory_space<vmem>> -> memref<64x128xf32, #tpu.memory_space<vmem>>
      %dma_wait3A_1112 = arith.constant 0 : i32
      %dma_wait3A_1113 = arith.constant 0 : i32
      %dma_wait3A_1114 = tpu.memref_slice %arg5[%dma_wait3A_1107, %dma_wait3A_1112, %dma_wait3A_1113] : memref<2x16384x128xf32, #tpu.memory_space<hbm>> -> memref<1x16384x128xf32, #tpu.memory_space<hbm>>
      %dma_wait3A_1115 = tpu.memref_squeeze %dma_wait3A_1114 : memref<1x16384x128xf32, #tpu.memory_space<hbm>> -> memref<16384x128xf32, #tpu.memory_space<hbm>>
      %dma_wait3A_1116 = arith.constant 0 : i32
      %dma_wait3A_1117 = tpu.memref_slice %dma_wait3A_1115[%add3A_797, %dma_wait3A_1116] : memref<16384x128xf32, #tpu.memory_space<hbm>> -> memref<64x128xf32, #tpu.memory_space<hbm>>
      %dma_wait3A_1118 = arith.constant 0 : i32
      %dma_wait3A_1119 = arith.constant 0 : i32
      %dma_wait3A_1120 = tpu.memref_slice %arg5[%dma_wait3A_1107, %dma_wait3A_1118, %dma_wait3A_1119] : memref<2x16384x128xf32, #tpu.memory_space<hbm>> -> memref<1x16384x128xf32, #tpu.memory_space<hbm>>
      %dma_wait3A_1121 = tpu.memref_squeeze %dma_wait3A_1120 : memref<1x16384x128xf32, #tpu.memory_space<hbm>> -> memref<16384x128xf32, #tpu.memory_space<hbm>>
      %dma_wait3A_1122 = arith.constant 0 : i32
      %dma_wait3A_1123 = tpu.memref_slice %dma_wait3A_1121[%add3A_797, %dma_wait3A_1122] : memref<16384x128xf32, #tpu.memory_space<hbm>> -> memref<64x128xf32, #tpu.memory_space<hbm>>
      %dma_wait3A_1124 = arith.constant 0 : i32
      %dma_wait3A_1125 = arith.constant 0 : i32
      %dma_wait3A_1126 = tpu.memref_slice %arg7[%dma_wait3A_1106, %dma_wait3A_1124, %dma_wait3A_1125] : memref<14x64x128xf32, #tpu.memory_space<vmem>> -> memref<1x64x128xf32, #tpu.memory_space<vmem>>
      %dma_wait3A_1127 = tpu.memref_squeeze %dma_wait3A_1126 : memref<1x64x128xf32, #tpu.memory_space<vmem>> -> memref<64x128xf32, #tpu.memory_space<vmem>>
      tpu.wait_dma2 semaphore(%arg9 : memref<!tpu.dma_semaphore, #tpu.memory_space<semaphore_mem>>) src(%dma_wait3A_1127 : memref<64x128xf32, #tpu.memory_space<vmem>>) dst(%dma_wait3A_1123 : memref<64x128xf32, #tpu.memory_space<hbm>>)
    } else {
    }
    %ge3A = arith.constant 16 : i32
    %ge3A_4 = arith.cmpi sge, %add3A, %ge3A : i32
    %convert_element_type3A_5 = arith.extui %ge3A_4 : i1 to i32
    %cond3A_6 = arith.constant 0 : i32
    %cond3A_7 = arith.cmpi ne, %convert_element_type3A_5, %cond3A_6 : i32
    scf.if %cond3A_7 {
      %mul3A_8 = arith.constant 1024 : i32
      %mul3A_9 = arith.muli %rem3A_1, %mul3A_8 : i32
      "tpu.region"() ({
        %run_scoped3A = tpu.sem_alloc : memref<!tpu.dma_semaphore, #tpu.memory_space<semaphore_mem>>
        %dma_start3A_1128 = arith.constant 0 : i32
        %dma_start3A_1129 = arith.constant 0 : i32
        %dma_start3A_1130 = tpu.memref_slice %arg4[%rem3A_1, %dma_start3A_1128, %dma_start3A_1129] : memref<16x16x64xi32, #tpu.memory_space<hbm>> -> memref<1x16x64xi32, #tpu.memory_space<hbm>>
        %dma_start3A_1131 = tpu.memref_squeeze %dma_start3A_1130 : memref<1x16x64xi32, #tpu.memory_space<hbm>> -> memref<16x64xi32, #tpu.memory_space<hbm>>
        %dma_start3A_1132 = arith.constant 0 : i32
        %dma_start3A_1133 = arith.constant 0 : i32
        %dma_start3A_1134 = tpu.memref_slice %arg4[%rem3A_1, %dma_start3A_1132, %dma_start3A_1133] : memref<16x16x64xi32, #tpu.memory_space<hbm>> -> memref<1x16x64xi32, #tpu.memory_space<hbm>>
        %dma_start3A_1135 = tpu.memref_squeeze %dma_start3A_1134 : memref<1x16x64xi32, #tpu.memory_space<hbm>> -> memref<16x64xi32, #tpu.memory_space<hbm>>
        tpu.enqueue_dma source(%dma_start3A_1135 : memref<16x64xi32, #tpu.memory_space<hbm>>) target(%arg6 : memref<16x64xi32, #tpu.memory_space<vmem>>) target_semaphore(%run_scoped3A : memref<!tpu.dma_semaphore, #tpu.memory_space<semaphore_mem>>)
        %dma_wait3A_1136 = arith.constant 0 : i32
        %dma_wait3A_1137 = arith.constant 0 : i32
        %dma_wait3A_1138 = tpu.memref_slice %arg4[%rem3A_1, %dma_wait3A_1136, %dma_wait3A_1137] : memref<16x16x64xi32, #tpu.memory_space<hbm>> -> memref<1x16x64xi32, #tpu.memory_space<hbm>>
        %dma_wait3A_1139 = tpu.memref_squeeze %dma_wait3A_1138 : memref<1x16x64xi32, #tpu.memory_space<hbm>> -> memref<16x64xi32, #tpu.memory_space<hbm>>
        %dma_wait3A_1140 = arith.constant 0 : i32
        %dma_wait3A_1141 = arith.constant 0 : i32
        %dma_wait3A_1142 = tpu.memref_slice %arg4[%rem3A_1, %dma_wait3A_1140, %dma_wait3A_1141] : memref<16x16x64xi32, #tpu.memory_space<hbm>> -> memref<1x16x64xi32, #tpu.memory_space<hbm>>
        %dma_wait3A_1143 = tpu.memref_squeeze %dma_wait3A_1142 : memref<1x16x64xi32, #tpu.memory_space<hbm>> -> memref<16x64xi32, #tpu.memory_space<hbm>>
        tpu.wait_dma2 semaphore(%run_scoped3A : memref<!tpu.dma_semaphore, #tpu.memory_space<semaphore_mem>>) src(%dma_wait3A_1143 : memref<16x64xi32, #tpu.memory_space<hbm>>) dst(%arg6 : memref<16x64xi32, #tpu.memory_space<vmem>>)
        tpu.yield
      }) : () -> ()
      %dma_start3A = arith.constant 0 : i32
      %dma_start3A_10 = arith.constant 0 : i32
      %dma_start3A_11 = arith.constant 0 : i32
      %dma_start3A_12 = arith.constant 0 : i32
      %dma_start3A_13 = tpu.memref_slice %arg7[%dma_start3A_10, %dma_start3A_11, %dma_start3A_12] : memref<14x64x128xf32, #tpu.memory_space<vmem>> -> memref<1x64x128xf32, #tpu.memory_space<vmem>>
      %dma_start3A_14 = tpu.memref_squeeze %dma_start3A_13 : memref<1x64x128xf32, #tpu.memory_space<vmem>> -> memref<64x128xf32, #tpu.memory_space<vmem>>
      %dma_start3A_15 = arith.constant 0 : i32
      %dma_start3A_16 = tpu.memref_slice %arg6[%dma_start3A, %dma_start3A_15] : memref<16x64xi32, #tpu.memory_space<vmem>> -> memref<1x64xi32, #tpu.memory_space<vmem>>
      %dma_start3A_17 = tpu.memref_squeeze %dma_start3A_16 : memref<1x64xi32, #tpu.memory_space<vmem>> -> memref<64xi32, #tpu.memory_space<vmem>>
      %dma_start3A_18 = arith.constant 0 : i32
      %dma_start3A_19 = arith.constant 0 : i32
      %dma_start3A_20 = tpu.memref_slice %arg2[%dma_start3A_18, %dma_start3A_19] : memref<100000x128xf32, #tpu.memory_space<hbm>> -> memref<100000x128xf32, #tpu.memory_space<hbm>>
      tpu.enqueue_indirect_dma source(%dma_start3A_20 : memref<100000x128xf32, #tpu.memory_space<hbm>>) target(%dma_start3A_14 : memref<64x128xf32, #tpu.memory_space<vmem>>) offsets(%dma_start3A_17 : memref<64xi32, #tpu.memory_space<vmem>>) semaphore(%arg8 : memref<!tpu.dma_semaphore, #tpu.memory_space<semaphore_mem>>)
      %dma_start3A_21 = arith.constant 1 : i32
      %dma_start3A_22 = arith.constant 1 : i32
      %dma_start3A_23 = arith.constant 0 : i32
      %dma_start3A_24 = arith.constant 0 : i32
      %dma_start3A_25 = tpu.memref_slice %arg7[%dma_start3A_22, %dma_start3A_23, %dma_start3A_24] : memref<14x64x128xf32, #tpu.memory_space<vmem>> -> memref<1x64x128xf32, #tpu.memory_space<vmem>>
      %dma_start3A_26 = tpu.memref_squeeze %dma_start3A_25 : memref<1x64x128xf32, #tpu.memory_space<vmem>> -> memref<64x128xf32, #tpu.memory_space<vmem>>
      %dma_start3A_27 = arith.constant 0 : i32
      %dma_start3A_28 = tpu.memref_slice %arg6[%dma_start3A_21, %dma_start3A_27] : memref<16x64xi32, #tpu.memory_space<vmem>> -> memref<1x64xi32, #tpu.memory_space<vmem>>
      %dma_start3A_29 = tpu.memref_squeeze %dma_start3A_28 : memref<1x64xi32, #tpu.memory_space<vmem>> -> memref<64xi32, #tpu.memory_space<vmem>>
      %dma_start3A_30 = arith.constant 0 : i32
      %dma_start3A_31 = arith.constant 0 : i32
      %dma_start3A_32 = tpu.memref_slice %arg2[%dma_start3A_30, %dma_start3A_31] : memref<100000x128xf32, #tpu.memory_space<hbm>> -> memref<100000x128xf32, #tpu.memory_space<hbm>>
      tpu.enqueue_indirect_dma source(%dma_start3A_32 : memref<100000x128xf32, #tpu.memory_space<hbm>>) target(%dma_start3A_26 : memref<64x128xf32, #tpu.memory_space<vmem>>) offsets(%dma_start3A_29 : memref<64xi32, #tpu.memory_space<vmem>>) semaphore(%arg9 : memref<!tpu.dma_semaphore, #tpu.memory_space<semaphore_mem>>)
      %dma_start3A_33 = arith.constant 2 : i32
      %dma_start3A_34 = arith.constant 2 : i32
      %dma_start3A_35 = arith.constant 0 : i32
      %dma_start3A_36 = arith.constant 0 : i32
      %dma_start3A_37 = tpu.memref_slice %arg7[%dma_start3A_34, %dma_start3A_35, %dma_start3A_36] : memref<14x64x128xf32, #tpu.memory_space<vmem>> -> memref<1x64x128xf32, #tpu.memory_space<vmem>>
      %dma_start3A_38 = tpu.memref_squeeze %dma_start3A_37 : memref<1x64x128xf32, #tpu.memory_space<vmem>> -> memref<64x128xf32, #tpu.memory_space<vmem>>
      %dma_start3A_39 = arith.constant 0 : i32
      %dma_start3A_40 = tpu.memref_slice %arg6[%dma_start3A_33, %dma_start3A_39] : memref<16x64xi32, #tpu.memory_space<vmem>> -> memref<1x64xi32, #tpu.memory_space<vmem>>
      %dma_start3A_41 = tpu.memref_squeeze %dma_start3A_40 : memref<1x64xi32, #tpu.memory_space<vmem>> -> memref<64xi32, #tpu.memory_space<vmem>>
      %dma_start3A_42 = arith.constant 0 : i32
      %dma_start3A_43 = arith.constant 0 : i32
      %dma_start3A_44 = tpu.memref_slice %arg2[%dma_start3A_42, %dma_start3A_43] : memref<100000x128xf32, #tpu.memory_space<hbm>> -> memref<100000x128xf32, #tpu.memory_space<hbm>>
      tpu.enqueue_indirect_dma source(%dma_start3A_44 : memref<100000x128xf32, #tpu.memory_space<hbm>>) target(%dma_start3A_38 : memref<64x128xf32, #tpu.memory_space<vmem>>) offsets(%dma_start3A_41 : memref<64xi32, #tpu.memory_space<vmem>>) semaphore(%arg10 : memref<!tpu.dma_semaphore, #tpu.memory_space<semaphore_mem>>)
      %dma_start3A_45 = arith.constant 3 : i32
      %dma_start3A_46 = arith.constant 3 : i32
      %dma_start3A_47 = arith.constant 0 : i32
      %dma_start3A_48 = arith.constant 0 : i32
      %dma_start3A_49 = tpu.memref_slice %arg7[%dma_start3A_46, %dma_start3A_47, %dma_start3A_48] : memref<14x64x128xf32, #tpu.memory_space<vmem>> -> memref<1x64x128xf32, #tpu.memory_space<vmem>>
      %dma_start3A_50 = tpu.memref_squeeze %dma_start3A_49 : memref<1x64x128xf32, #tpu.memory_space<vmem>> -> memref<64x128xf32, #tpu.memory_space<vmem>>
      %dma_start3A_51 = arith.constant 0 : i32
      %dma_start3A_52 = tpu.memref_slice %arg6[%dma_start3A_45, %dma_start3A_51] : memref<16x64xi32, #tpu.memory_space<vmem>> -> memref<1x64xi32, #tpu.memory_space<vmem>>
      %dma_start3A_53 = tpu.memref_squeeze %dma_start3A_52 : memref<1x64xi32, #tpu.memory_space<vmem>> -> memref<64xi32, #tpu.memory_space<vmem>>
      %dma_start3A_54 = arith.constant 0 : i32
      %dma_start3A_55 = arith.constant 0 : i32
      %dma_start3A_56 = tpu.memref_slice %arg2[%dma_start3A_54, %dma_start3A_55] : memref<100000x128xf32, #tpu.memory_space<hbm>> -> memref<100000x128xf32, #tpu.memory_space<hbm>>
      tpu.enqueue_indirect_dma source(%dma_start3A_56 : memref<100000x128xf32, #tpu.memory_space<hbm>>) target(%dma_start3A_50 : memref<64x128xf32, #tpu.memory_space<vmem>>) offsets(%dma_start3A_53 : memref<64xi32, #tpu.memory_space<vmem>>) semaphore(%arg11 : memref<!tpu.dma_semaphore, #tpu.memory_space<semaphore_mem>>)
      %dma_start3A_57 = arith.constant 4 : i32
      %dma_start3A_58 = arith.constant 4 : i32
      %dma_start3A_59 = arith.constant 0 : i32
      %dma_start3A_60 = arith.constant 0 : i32
      %dma_start3A_61 = tpu.memref_slice %arg7[%dma_start3A_58, %dma_start3A_59, %dma_start3A_60] : memref<14x64x128xf32, #tpu.memory_space<vmem>> -> memref<1x64x128xf32, #tpu.memory_space<vmem>>
      %dma_start3A_62 = tpu.memref_squeeze %dma_start3A_61 : memref<1x64x128xf32, #tpu.memory_space<vmem>> -> memref<64x128xf32, #tpu.memory_space<vmem>>
      %dma_start3A_63 = arith.constant 0 : i32
      %dma_start3A_64 = tpu.memref_slice %arg6[%dma_start3A_57, %dma_start3A_63] : memref<16x64xi32, #tpu.memory_space<vmem>> -> memref<1x64xi32, #tpu.memory_space<vmem>>
      %dma_start3A_65 = tpu.memref_squeeze %dma_start3A_64 : memref<1x64xi32, #tpu.memory_space<vmem>> -> memref<64xi32, #tpu.memory_space<vmem>>
      %dma_start3A_66 = arith.constant 0 : i32
      %dma_start3A_67 = arith.constant 0 : i32
      %dma_start3A_68 = tpu.memref_slice %arg2[%dma_start3A_66, %dma_start3A_67] : memref<100000x128xf32, #tpu.memory_space<hbm>> -> memref<100000x128xf32, #tpu.memory_space<hbm>>
      tpu.enqueue_indirect_dma source(%dma_start3A_68 : memref<100000x128xf32, #tpu.memory_space<hbm>>) target(%dma_start3A_62 : memref<64x128xf32, #tpu.memory_space<vmem>>) offsets(%dma_start3A_65 : memref<64xi32, #tpu.memory_space<vmem>>) semaphore(%arg12 : memref<!tpu.dma_semaphore, #tpu.memory_space<semaphore_mem>>)
      %dma_start3A_69 = arith.constant 5 : i32
      %dma_start3A_70 = arith.constant 5 : i32
      %dma_start3A_71 = arith.constant 0 : i32
      %dma_start3A_72 = arith.constant 0 : i32
      %dma_start3A_73 = tpu.memref_slice %arg7[%dma_start3A_70, %dma_start3A_71, %dma_start3A_72] : memref<14x64x128xf32, #tpu.memory_space<vmem>> -> memref<1x64x128xf32, #tpu.memory_space<vmem>>
      %dma_start3A_74 = tpu.memref_squeeze %dma_start3A_73 : memref<1x64x128xf32, #tpu.memory_space<vmem>> -> memref<64x128xf32, #tpu.memory_space<vmem>>
      %dma_start3A_75 = arith.constant 0 : i32
      %dma_start3A_76 = tpu.memref_slice %arg6[%dma_start3A_69, %dma_start3A_75] : memref<16x64xi32, #tpu.memory_space<vmem>> -> memref<1x64xi32, #tpu.memory_space<vmem>>
      %dma_start3A_77 = tpu.memref_squeeze %dma_start3A_76 : memref<1x64xi32, #tpu.memory_space<vmem>> -> memref<64xi32, #tpu.memory_space<vmem>>
      %dma_start3A_78 = arith.constant 0 : i32
      %dma_start3A_79 = arith.constant 0 : i32
      %dma_start3A_80 = tpu.memref_slice %arg2[%dma_start3A_78, %dma_start3A_79] : memref<100000x128xf32, #tpu.memory_space<hbm>> -> memref<100000x128xf32, #tpu.memory_space<hbm>>
      tpu.enqueue_indirect_dma source(%dma_start3A_80 : memref<100000x128xf32, #tpu.memory_space<hbm>>) target(%dma_start3A_74 : memref<64x128xf32, #tpu.memory_space<vmem>>) offsets(%dma_start3A_77 : memref<64xi32, #tpu.memory_space<vmem>>) semaphore(%arg13 : memref<!tpu.dma_semaphore, #tpu.memory_space<semaphore_mem>>)
      %dma_start3A_81 = arith.constant 6 : i32
      %dma_start3A_82 = arith.constant 6 : i32
      %dma_start3A_83 = arith.constant 0 : i32
      %dma_start3A_84 = arith.constant 0 : i32
      %dma_start3A_85 = tpu.memref_slice %arg7[%dma_start3A_82, %dma_start3A_83, %dma_start3A_84] : memref<14x64x128xf32, #tpu.memory_space<vmem>> -> memref<1x64x128xf32, #tpu.memory_space<vmem>>
      %dma_start3A_86 = tpu.memref_squeeze %dma_start3A_85 : memref<1x64x128xf32, #tpu.memory_space<vmem>> -> memref<64x128xf32, #tpu.memory_space<vmem>>
      %dma_start3A_87 = arith.constant 0 : i32
      %dma_start3A_88 = tpu.memref_slice %arg6[%dma_start3A_81, %dma_start3A_87] : memref<16x64xi32, #tpu.memory_space<vmem>> -> memref<1x64xi32, #tpu.memory_space<vmem>>
      %dma_start3A_89 = tpu.memref_squeeze %dma_start3A_88 : memref<1x64xi32, #tpu.memory_space<vmem>> -> memref<64xi32, #tpu.memory_space<vmem>>
      %dma_start3A_90 = arith.constant 0 : i32
      %dma_start3A_91 = arith.constant 0 : i32
      %dma_start3A_92 = tpu.memref_slice %arg2[%dma_start3A_90, %dma_start3A_91] : memref<100000x128xf32, #tpu.memory_space<hbm>> -> memref<100000x128xf32, #tpu.memory_space<hbm>>
      tpu.enqueue_indirect_dma source(%dma_start3A_92 : memref<100000x128xf32, #tpu.memory_space<hbm>>) target(%dma_start3A_86 : memref<64x128xf32, #tpu.memory_space<vmem>>) offsets(%dma_start3A_89 : memref<64xi32, #tpu.memory_space<vmem>>) semaphore(%arg14 : memref<!tpu.dma_semaphore, #tpu.memory_space<semaphore_mem>>)
      %dma_start3A_93 = arith.constant 7 : i32
      %dma_start3A_94 = arith.constant 7 : i32
      %dma_start3A_95 = arith.constant 0 : i32
      %dma_start3A_96 = arith.constant 0 : i32
      %dma_start3A_97 = tpu.memref_slice %arg7[%dma_start3A_94, %dma_start3A_95, %dma_start3A_96] : memref<14x64x128xf32, #tpu.memory_space<vmem>> -> memref<1x64x128xf32, #tpu.memory_space<vmem>>
      %dma_start3A_98 = tpu.memref_squeeze %dma_start3A_97 : memref<1x64x128xf32, #tpu.memory_space<vmem>> -> memref<64x128xf32, #tpu.memory_space<vmem>>
      %dma_start3A_99 = arith.constant 0 : i32
      %dma_start3A_100 = tpu.memref_slice %arg6[%dma_start3A_93, %dma_start3A_99] : memref<16x64xi32, #tpu.memory_space<vmem>> -> memref<1x64xi32, #tpu.memory_space<vmem>>
      %dma_start3A_101 = tpu.memref_squeeze %dma_start3A_100 : memref<1x64xi32, #tpu.memory_space<vmem>> -> memref<64xi32, #tpu.memory_space<vmem>>
      %dma_start3A_102 = arith.constant 0 : i32
      %dma_start3A_103 = arith.constant 0 : i32
      %dma_start3A_104 = tpu.memref_slice %arg2[%dma_start3A_102, %dma_start3A_103] : memref<100000x128xf32, #tpu.memory_space<hbm>> -> memref<100000x128xf32, #tpu.memory_space<hbm>>
      tpu.enqueue_indirect_dma source(%dma_start3A_104 : memref<100000x128xf32, #tpu.memory_space<hbm>>) target(%dma_start3A_98 : memref<64x128xf32, #tpu.memory_space<vmem>>) offsets(%dma_start3A_101 : memref<64xi32, #tpu.memory_space<vmem>>) semaphore(%arg15 : memref<!tpu.dma_semaphore, #tpu.memory_space<semaphore_mem>>)
      %dma_start3A_105 = arith.constant 8 : i32
      %dma_start3A_106 = arith.constant 8 : i32
      %dma_start3A_107 = arith.constant 0 : i32
      %dma_start3A_108 = arith.constant 0 : i32
      %dma_start3A_109 = tpu.memref_slice %arg7[%dma_start3A_106, %dma_start3A_107, %dma_start3A_108] : memref<14x64x128xf32, #tpu.memory_space<vmem>> -> memref<1x64x128xf32, #tpu.memory_space<vmem>>
      %dma_start3A_110 = tpu.memref_squeeze %dma_start3A_109 : memref<1x64x128xf32, #tpu.memory_space<vmem>> -> memref<64x128xf32, #tpu.memory_space<vmem>>
      %dma_start3A_111 = arith.constant 0 : i32
      %dma_start3A_112 = tpu.memref_slice %arg6[%dma_start3A_105, %dma_start3A_111] : memref<16x64xi32, #tpu.memory_space<vmem>> -> memref<1x64xi32, #tpu.memory_space<vmem>>
      %dma_start3A_113 = tpu.memref_squeeze %dma_start3A_112 : memref<1x64xi32, #tpu.memory_space<vmem>> -> memref<64xi32, #tpu.memory_space<vmem>>
      %dma_start3A_114 = arith.constant 0 : i32
      %dma_start3A_115 = arith.constant 0 : i32
      %dma_start3A_116 = tpu.memref_slice %arg2[%dma_start3A_114, %dma_start3A_115] : memref<100000x128xf32, #tpu.memory_space<hbm>> -> memref<100000x128xf32, #tpu.memory_space<hbm>>
      tpu.enqueue_indirect_dma source(%dma_start3A_116 : memref<100000x128xf32, #tpu.memory_space<hbm>>) target(%dma_start3A_110 : memref<64x128xf32, #tpu.memory_space<vmem>>) offsets(%dma_start3A_113 : memref<64xi32, #tpu.memory_space<vmem>>) semaphore(%arg16 : memref<!tpu.dma_semaphore, #tpu.memory_space<semaphore_mem>>)
      %dma_start3A_117 = arith.constant 9 : i32
      %dma_start3A_118 = arith.constant 9 : i32
      %dma_start3A_119 = arith.constant 0 : i32
      %dma_start3A_120 = arith.constant 0 : i32
      %dma_start3A_121 = tpu.memref_slice %arg7[%dma_start3A_118, %dma_start3A_119, %dma_start3A_120] : memref<14x64x128xf32, #tpu.memory_space<vmem>> -> memref<1x64x128xf32, #tpu.memory_space<vmem>>
      %dma_start3A_122 = tpu.memref_squeeze %dma_start3A_121 : memref<1x64x128xf32, #tpu.memory_space<vmem>> -> memref<64x128xf32, #tpu.memory_space<vmem>>
      %dma_start3A_123 = arith.constant 0 : i32
      %dma_start3A_124 = tpu.memref_slice %arg6[%dma_start3A_117, %dma_start3A_123] : memref<16x64xi32, #tpu.memory_space<vmem>> -> memref<1x64xi32, #tpu.memory_space<vmem>>
      %dma_start3A_125 = tpu.memref_squeeze %dma_start3A_124 : memref<1x64xi32, #tpu.memory_space<vmem>> -> memref<64xi32, #tpu.memory_space<vmem>>
      %dma_start3A_126 = arith.constant 0 : i32
      %dma_start3A_127 = arith.constant 0 : i32
      %dma_start3A_128 = tpu.memref_slice %arg2[%dma_start3A_126, %dma_start3A_127] : memref<100000x128xf32, #tpu.memory_space<hbm>> -> memref<100000x128xf32, #tpu.memory_space<hbm>>
      tpu.enqueue_indirect_dma source(%dma_start3A_128 : memref<100000x128xf32, #tpu.memory_space<hbm>>) target(%dma_start3A_122 : memref<64x128xf32, #tpu.memory_space<vmem>>) offsets(%dma_start3A_125 : memref<64xi32, #tpu.memory_space<vmem>>) semaphore(%arg17 : memref<!tpu.dma_semaphore, #tpu.memory_space<semaphore_mem>>)
      %dma_start3A_129 = arith.constant 10 : i32
      %dma_start3A_130 = arith.constant 10 : i32
      %dma_start3A_131 = arith.constant 0 : i32
      %dma_start3A_132 = arith.constant 0 : i32
      %dma_start3A_133 = tpu.memref_slice %arg7[%dma_start3A_130, %dma_start3A_131, %dma_start3A_132] : memref<14x64x128xf32, #tpu.memory_space<vmem>> -> memref<1x64x128xf32, #tpu.memory_space<vmem>>
      %dma_start3A_134 = tpu.memref_squeeze %dma_start3A_133 : memref<1x64x128xf32, #tpu.memory_space<vmem>> -> memref<64x128xf32, #tpu.memory_space<vmem>>
      %dma_start3A_135 = arith.constant 0 : i32
      %dma_start3A_136 = tpu.memref_slice %arg6[%dma_start3A_129, %dma_start3A_135] : memref<16x64xi32, #tpu.memory_space<vmem>> -> memref<1x64xi32, #tpu.memory_space<vmem>>
      %dma_start3A_137 = tpu.memref_squeeze %dma_start3A_136 : memref<1x64xi32, #tpu.memory_space<vmem>> -> memref<64xi32, #tpu.memory_space<vmem>>
      %dma_start3A_138 = arith.constant 0 : i32
      %dma_start3A_139 = arith.constant 0 : i32
      %dma_start3A_140 = tpu.memref_slice %arg2[%dma_start3A_138, %dma_start3A_139] : memref<100000x128xf32, #tpu.memory_space<hbm>> -> memref<100000x128xf32, #tpu.memory_space<hbm>>
      tpu.enqueue_indirect_dma source(%dma_start3A_140 : memref<100000x128xf32, #tpu.memory_space<hbm>>) target(%dma_start3A_134 : memref<64x128xf32, #tpu.memory_space<vmem>>) offsets(%dma_start3A_137 : memref<64xi32, #tpu.memory_space<vmem>>) semaphore(%arg18 : memref<!tpu.dma_semaphore, #tpu.memory_space<semaphore_mem>>)
      %dma_start3A_141 = arith.constant 11 : i32
      %dma_start3A_142 = arith.constant 11 : i32
      %dma_start3A_143 = arith.constant 0 : i32
      %dma_start3A_144 = arith.constant 0 : i32
      %dma_start3A_145 = tpu.memref_slice %arg7[%dma_start3A_142, %dma_start3A_143, %dma_start3A_144] : memref<14x64x128xf32, #tpu.memory_space<vmem>> -> memref<1x64x128xf32, #tpu.memory_space<vmem>>
      %dma_start3A_146 = tpu.memref_squeeze %dma_start3A_145 : memref<1x64x128xf32, #tpu.memory_space<vmem>> -> memref<64x128xf32, #tpu.memory_space<vmem>>
      %dma_start3A_147 = arith.constant 0 : i32
      %dma_start3A_148 = tpu.memref_slice %arg6[%dma_start3A_141, %dma_start3A_147] : memref<16x64xi32, #tpu.memory_space<vmem>> -> memref<1x64xi32, #tpu.memory_space<vmem>>
      %dma_start3A_149 = tpu.memref_squeeze %dma_start3A_148 : memref<1x64xi32, #tpu.memory_space<vmem>> -> memref<64xi32, #tpu.memory_space<vmem>>
      %dma_start3A_150 = arith.constant 0 : i32
      %dma_start3A_151 = arith.constant 0 : i32
      %dma_start3A_152 = tpu.memref_slice %arg2[%dma_start3A_150, %dma_start3A_151] : memref<100000x128xf32, #tpu.memory_space<hbm>> -> memref<100000x128xf32, #tpu.memory_space<hbm>>
      tpu.enqueue_indirect_dma source(%dma_start3A_152 : memref<100000x128xf32, #tpu.memory_space<hbm>>) target(%dma_start3A_146 : memref<64x128xf32, #tpu.memory_space<vmem>>) offsets(%dma_start3A_149 : memref<64xi32, #tpu.memory_space<vmem>>) semaphore(%arg19 : memref<!tpu.dma_semaphore, #tpu.memory_space<semaphore_mem>>)
      %dma_start3A_153 = arith.constant 12 : i32
      %dma_start3A_154 = arith.constant 12 : i32
      %dma_start3A_155 = arith.constant 0 : i32
      %dma_start3A_156 = arith.constant 0 : i32
      %dma_start3A_157 = tpu.memref_slice %arg7[%dma_start3A_154, %dma_start3A_155, %dma_start3A_156] : memref<14x64x128xf32, #tpu.memory_space<vmem>> -> memref<1x64x128xf32, #tpu.memory_space<vmem>>
      %dma_start3A_158 = tpu.memref_squeeze %dma_start3A_157 : memref<1x64x128xf32, #tpu.memory_space<vmem>> -> memref<64x128xf32, #tpu.memory_space<vmem>>
      %dma_start3A_159 = arith.constant 0 : i32
      %dma_start3A_160 = tpu.memref_slice %arg6[%dma_start3A_153, %dma_start3A_159] : memref<16x64xi32, #tpu.memory_space<vmem>> -> memref<1x64xi32, #tpu.memory_space<vmem>>
      %dma_start3A_161 = tpu.memref_squeeze %dma_start3A_160 : memref<1x64xi32, #tpu.memory_space<vmem>> -> memref<64xi32, #tpu.memory_space<vmem>>
      %dma_start3A_162 = arith.constant 0 : i32
      %dma_start3A_163 = arith.constant 0 : i32
      %dma_start3A_164 = tpu.memref_slice %arg2[%dma_start3A_162, %dma_start3A_163] : memref<100000x128xf32, #tpu.memory_space<hbm>> -> memref<100000x128xf32, #tpu.memory_space<hbm>>
      tpu.enqueue_indirect_dma source(%dma_start3A_164 : memref<100000x128xf32, #tpu.memory_space<hbm>>) target(%dma_start3A_158 : memref<64x128xf32, #tpu.memory_space<vmem>>) offsets(%dma_start3A_161 : memref<64xi32, #tpu.memory_space<vmem>>) semaphore(%arg20 : memref<!tpu.dma_semaphore, #tpu.memory_space<semaphore_mem>>)
      %dma_start3A_165 = arith.constant 13 : i32
      %dma_start3A_166 = arith.constant 13 : i32
      %dma_start3A_167 = arith.constant 0 : i32
      %dma_start3A_168 = arith.constant 0 : i32
      %dma_start3A_169 = tpu.memref_slice %arg7[%dma_start3A_166, %dma_start3A_167, %dma_start3A_168] : memref<14x64x128xf32, #tpu.memory_space<vmem>> -> memref<1x64x128xf32, #tpu.memory_space<vmem>>
      %dma_start3A_170 = tpu.memref_squeeze %dma_start3A_169 : memref<1x64x128xf32, #tpu.memory_space<vmem>> -> memref<64x128xf32, #tpu.memory_space<vmem>>
      %dma_start3A_171 = arith.constant 0 : i32
      %dma_start3A_172 = tpu.memref_slice %arg6[%dma_start3A_165, %dma_start3A_171] : memref<16x64xi32, #tpu.memory_space<vmem>> -> memref<1x64xi32, #tpu.memory_space<vmem>>
      %dma_start3A_173 = tpu.memref_squeeze %dma_start3A_172 : memref<1x64xi32, #tpu.memory_space<vmem>> -> memref<64xi32, #tpu.memory_space<vmem>>
      %dma_start3A_174 = arith.constant 0 : i32
      %dma_start3A_175 = arith.constant 0 : i32
      %dma_start3A_176 = tpu.memref_slice %arg2[%dma_start3A_174, %dma_start3A_175] : memref<100000x128xf32, #tpu.memory_space<hbm>> -> memref<100000x128xf32, #tpu.memory_space<hbm>>
      tpu.enqueue_indirect_dma source(%dma_start3A_176 : memref<100000x128xf32, #tpu.memory_space<hbm>>) target(%dma_start3A_170 : memref<64x128xf32, #tpu.memory_space<vmem>>) offsets(%dma_start3A_173 : memref<64xi32, #tpu.memory_space<vmem>>) semaphore(%arg21 : memref<!tpu.dma_semaphore, #tpu.memory_space<semaphore_mem>>)
      %dma_wait3A = arith.constant 0 : i32
      %dma_wait3A_177 = arith.constant 0 : i32
      %dma_wait3A_178 = arith.constant 0 : i32
      %dma_wait3A_179 = arith.constant 0 : i32
      %dma_wait3A_180 = tpu.memref_slice %arg7[%dma_wait3A_177, %dma_wait3A_178, %dma_wait3A_179] : memref<14x64x128xf32, #tpu.memory_space<vmem>> -> memref<1x64x128xf32, #tpu.memory_space<vmem>>
      %dma_wait3A_181 = tpu.memref_squeeze %dma_wait3A_180 : memref<1x64x128xf32, #tpu.memory_space<vmem>> -> memref<64x128xf32, #tpu.memory_space<vmem>>
      %dma_wait3A_182 = arith.constant 0 : i32
      %dma_wait3A_183 = tpu.memref_slice %arg6[%dma_wait3A, %dma_wait3A_182] : memref<16x64xi32, #tpu.memory_space<vmem>> -> memref<1x64xi32, #tpu.memory_space<vmem>>
      %dma_wait3A_184 = tpu.memref_squeeze %dma_wait3A_183 : memref<1x64xi32, #tpu.memory_space<vmem>> -> memref<64xi32, #tpu.memory_space<vmem>>
      %dma_wait3A_185 = arith.constant 0 : i32
      %dma_wait3A_186 = arith.constant 0 : i32
      %dma_wait3A_187 = tpu.memref_slice %arg2[%dma_wait3A_185, %dma_wait3A_186] : memref<100000x128xf32, #tpu.memory_space<hbm>> -> memref<100000x128xf32, #tpu.memory_space<hbm>>
      tpu.wait_indirect_dma semaphore(%arg8 : memref<!tpu.dma_semaphore, #tpu.memory_space<semaphore_mem>>) src(%dma_wait3A_187 : memref<100000x128xf32, #tpu.memory_space<hbm>>) dst(%dma_wait3A_181 : memref<64x128xf32, #tpu.memory_space<vmem>>)
      %add3A_188 = arith.constant 0 : i32
      %add3A_189 = arith.addi %mul3A_9, %add3A_188 : i32
      %dma_start3A_190 = arith.constant 0 : i32
      %dma_start3A_191 = arith.constant 1 : i32
      %dma_start3A_192 = arith.constant 0 : i32
      %dma_start3A_193 = arith.constant 0 : i32
      %dma_start3A_194 = tpu.memref_slice %arg7[%dma_start3A_190, %dma_start3A_192, %dma_start3A_193] : memref<14x64x128xf32, #tpu.memory_space<vmem>> -> memref<1x64x128xf32, #tpu.memory_space<vmem>>
      %dma_start3A_195 = tpu.memref_squeeze %dma_start3A_194 : memref<1x64x128xf32, #tpu.memory_space<vmem>> -> memref<64x128xf32, #tpu.memory_space<vmem>>
      %dma_start3A_196 = arith.constant 0 : i32
      %dma_start3A_197 = arith.constant 0 : i32
      %dma_start3A_198 = tpu.memref_slice %arg5[%dma_start3A_191, %dma_start3A_196, %dma_start3A_197] : memref<2x16384x128xf32, #tpu.memory_space<hbm>> -> memref<1x16384x128xf32, #tpu.memory_space<hbm>>
      %dma_start3A_199 = tpu.memref_squeeze %dma_start3A_198 : memref<1x16384x128xf32, #tpu.memory_space<hbm>> -> memref<16384x128xf32, #tpu.memory_space<hbm>>
      %dma_start3A_200 = arith.constant 0 : i32
      %dma_start3A_201 = tpu.memref_slice %dma_start3A_199[%add3A_189, %dma_start3A_200] : memref<16384x128xf32, #tpu.memory_space<hbm>> -> memref<64x128xf32, #tpu.memory_space<hbm>>
      %dma_start3A_202 = arith.constant 0 : i32
      %dma_start3A_203 = arith.constant 0 : i32
      %dma_start3A_204 = tpu.memref_slice %arg5[%dma_start3A_191, %dma_start3A_202, %dma_start3A_203] : memref<2x16384x128xf32, #tpu.memory_space<hbm>> -> memref<1x16384x128xf32, #tpu.memory_space<hbm>>
      %dma_start3A_205 = tpu.memref_squeeze %dma_start3A_204 : memref<1x16384x128xf32, #tpu.memory_space<hbm>> -> memref<16384x128xf32, #tpu.memory_space<hbm>>
      %dma_start3A_206 = arith.constant 0 : i32
      %dma_start3A_207 = tpu.memref_slice %dma_start3A_205[%add3A_189, %dma_start3A_206] : memref<16384x128xf32, #tpu.memory_space<hbm>> -> memref<64x128xf32, #tpu.memory_space<hbm>>
      %dma_start3A_208 = arith.constant 0 : i32
      %dma_start3A_209 = arith.constant 0 : i32
      %dma_start3A_210 = tpu.memref_slice %arg7[%dma_start3A_190, %dma_start3A_208, %dma_start3A_209] : memref<14x64x128xf32, #tpu.memory_space<vmem>> -> memref<1x64x128xf32, #tpu.memory_space<vmem>>
      %dma_start3A_211 = tpu.memref_squeeze %dma_start3A_210 : memref<1x64x128xf32, #tpu.memory_space<vmem>> -> memref<64x128xf32, #tpu.memory_space<vmem>>
      tpu.enqueue_dma source(%dma_start3A_211 : memref<64x128xf32, #tpu.memory_space<vmem>>) target(%dma_start3A_207 : memref<64x128xf32, #tpu.memory_space<hbm>>) target_semaphore(%arg8 : memref<!tpu.dma_semaphore, #tpu.memory_space<semaphore_mem>>)
      %dma_wait3A_212 = arith.constant 1 : i32
      %dma_wait3A_213 = arith.constant 1 : i32
      %dma_wait3A_214 = arith.constant 0 : i32
      %dma_wait3A_215 = arith.constant 0 : i32
      %dma_wait3A_216 = tpu.memref_slice %arg7[%dma_wait3A_213, %dma_wait3A_214, %dma_wait3A_215] : memref<14x64x128xf32, #tpu.memory_space<vmem>> -> memref<1x64x128xf32, #tpu.memory_space<vmem>>
      %dma_wait3A_217 = tpu.memref_squeeze %dma_wait3A_216 : memref<1x64x128xf32, #tpu.memory_space<vmem>> -> memref<64x128xf32, #tpu.memory_space<vmem>>
      %dma_wait3A_218 = arith.constant 0 : i32
      %dma_wait3A_219 = tpu.memref_slice %arg6[%dma_wait3A_212, %dma_wait3A_218] : memref<16x64xi32, #tpu.memory_space<vmem>> -> memref<1x64xi32, #tpu.memory_space<vmem>>
      %dma_wait3A_220 = tpu.memref_squeeze %dma_wait3A_219 : memref<1x64xi32, #tpu.memory_space<vmem>> -> memref<64xi32, #tpu.memory_space<vmem>>
      %dma_wait3A_221 = arith.constant 0 : i32
      %dma_wait3A_222 = arith.constant 0 : i32
      %dma_wait3A_223 = tpu.memref_slice %arg2[%dma_wait3A_221, %dma_wait3A_222] : memref<100000x128xf32, #tpu.memory_space<hbm>> -> memref<100000x128xf32, #tpu.memory_space<hbm>>
      tpu.wait_indirect_dma semaphore(%arg9 : memref<!tpu.dma_semaphore, #tpu.memory_space<semaphore_mem>>) src(%dma_wait3A_223 : memref<100000x128xf32, #tpu.memory_space<hbm>>) dst(%dma_wait3A_217 : memref<64x128xf32, #tpu.memory_space<vmem>>)
      %add3A_224 = arith.constant 64 : i32
      %add3A_225 = arith.addi %mul3A_9, %add3A_224 : i32
      %dma_start3A_226 = arith.constant 1 : i32
      %dma_start3A_227 = arith.constant 1 : i32
      %dma_start3A_228 = arith.constant 0 : i32
      %dma_start3A_229 = arith.constant 0 : i32
      %dma_start3A_230 = tpu.memref_slice %arg7[%dma_start3A_226, %dma_start3A_228, %dma_start3A_229] : memref<14x64x128xf32, #tpu.memory_space<vmem>> -> memref<1x64x128xf32, #tpu.memory_space<vmem>>
      %dma_start3A_231 = tpu.memref_squeeze %dma_start3A_230 : memref<1x64x128xf32, #tpu.memory_space<vmem>> -> memref<64x128xf32, #tpu.memory_space<vmem>>
      %dma_start3A_232 = arith.constant 0 : i32
      %dma_start3A_233 = arith.constant 0 : i32
      %dma_start3A_234 = tpu.memref_slice %arg5[%dma_start3A_227, %dma_start3A_232, %dma_start3A_233] : memref<2x16384x128xf32, #tpu.memory_space<hbm>> -> memref<1x16384x128xf32, #tpu.memory_space<hbm>>
      %dma_start3A_235 = tpu.memref_squeeze %dma_start3A_234 : memref<1x16384x128xf32, #tpu.memory_space<hbm>> -> memref<16384x128xf32, #tpu.memory_space<hbm>>
      %dma_start3A_236 = arith.constant 0 : i32
      %dma_start3A_237 = tpu.memref_slice %dma_start3A_235[%add3A_225, %dma_start3A_236] : memref<16384x128xf32, #tpu.memory_space<hbm>> -> memref<64x128xf32, #tpu.memory_space<hbm>>
      %dma_start3A_238 = arith.constant 0 : i32
      %dma_start3A_239 = arith.constant 0 : i32
      %dma_start3A_240 = tpu.memref_slice %arg5[%dma_start3A_227, %dma_start3A_238, %dma_start3A_239] : memref<2x16384x128xf32, #tpu.memory_space<hbm>> -> memref<1x16384x128xf32, #tpu.memory_space<hbm>>
      %dma_start3A_241 = tpu.memref_squeeze %dma_start3A_240 : memref<1x16384x128xf32, #tpu.memory_space<hbm>> -> memref<16384x128xf32, #tpu.memory_space<hbm>>
      %dma_start3A_242 = arith.constant 0 : i32
      %dma_start3A_243 = tpu.memref_slice %dma_start3A_241[%add3A_225, %dma_start3A_242] : memref<16384x128xf32, #tpu.memory_space<hbm>> -> memref<64x128xf32, #tpu.memory_space<hbm>>
      %dma_start3A_244 = arith.constant 0 : i32
      %dma_start3A_245 = arith.constant 0 : i32
      %dma_start3A_246 = tpu.memref_slice %arg7[%dma_start3A_226, %dma_start3A_244, %dma_start3A_245] : memref<14x64x128xf32, #tpu.memory_space<vmem>> -> memref<1x64x128xf32, #tpu.memory_space<vmem>>
      %dma_start3A_247 = tpu.memref_squeeze %dma_start3A_246 : memref<1x64x128xf32, #tpu.memory_space<vmem>> -> memref<64x128xf32, #tpu.memory_space<vmem>>
      tpu.enqueue_dma source(%dma_start3A_247 : memref<64x128xf32, #tpu.memory_space<vmem>>) target(%dma_start3A_243 : memref<64x128xf32, #tpu.memory_space<hbm>>) target_semaphore(%arg9 : memref<!tpu.dma_semaphore, #tpu.memory_space<semaphore_mem>>)
      %dma_wait3A_248 = arith.constant 0 : i32
      %dma_wait3A_249 = arith.constant 1 : i32
      %dma_wait3A_250 = arith.constant 0 : i32
      %dma_wait3A_251 = arith.constant 0 : i32
      %dma_wait3A_252 = tpu.memref_slice %arg7[%dma_wait3A_248, %dma_wait3A_250, %dma_wait3A_251] : memref<14x64x128xf32, #tpu.memory_space<vmem>> -> memref<1x64x128xf32, #tpu.memory_space<vmem>>
      %dma_wait3A_253 = tpu.memref_squeeze %dma_wait3A_252 : memref<1x64x128xf32, #tpu.memory_space<vmem>> -> memref<64x128xf32, #tpu.memory_space<vmem>>
      %dma_wait3A_254 = arith.constant 0 : i32
      %dma_wait3A_255 = arith.constant 0 : i32
      %dma_wait3A_256 = tpu.memref_slice %arg5[%dma_wait3A_249, %dma_wait3A_254, %dma_wait3A_255] : memref<2x16384x128xf32, #tpu.memory_space<hbm>> -> memref<1x16384x128xf32, #tpu.memory_space<hbm>>
      %dma_wait3A_257 = tpu.memref_squeeze %dma_wait3A_256 : memref<1x16384x128xf32, #tpu.memory_space<hbm>> -> memref<16384x128xf32, #tpu.memory_space<hbm>>
      %dma_wait3A_258 = arith.constant 0 : i32
      %dma_wait3A_259 = tpu.memref_slice %dma_wait3A_257[%add3A_189, %dma_wait3A_258] : memref<16384x128xf32, #tpu.memory_space<hbm>> -> memref<64x128xf32, #tpu.memory_space<hbm>>
      %dma_wait3A_260 = arith.constant 0 : i32
      %dma_wait3A_261 = arith.constant 0 : i32
      %dma_wait3A_262 = tpu.memref_slice %arg5[%dma_wait3A_249, %dma_wait3A_260, %dma_wait3A_261] : memref<2x16384x128xf32, #tpu.memory_space<hbm>> -> memref<1x16384x128xf32, #tpu.memory_space<hbm>>
      %dma_wait3A_263 = tpu.memref_squeeze %dma_wait3A_262 : memref<1x16384x128xf32, #tpu.memory_space<hbm>> -> memref<16384x128xf32, #tpu.memory_space<hbm>>
      %dma_wait3A_264 = arith.constant 0 : i32
      %dma_wait3A_265 = tpu.memref_slice %dma_wait3A_263[%add3A_189, %dma_wait3A_264] : memref<16384x128xf32, #tpu.memory_space<hbm>> -> memref<64x128xf32, #tpu.memory_space<hbm>>
      %dma_wait3A_266 = arith.constant 0 : i32
      %dma_wait3A_267 = arith.constant 0 : i32
      %dma_wait3A_268 = tpu.memref_slice %arg7[%dma_wait3A_248, %dma_wait3A_266, %dma_wait3A_267] : memref<14x64x128xf32, #tpu.memory_space<vmem>> -> memref<1x64x128xf32, #tpu.memory_space<vmem>>
      %dma_wait3A_269 = tpu.memref_squeeze %dma_wait3A_268 : memref<1x64x128xf32, #tpu.memory_space<vmem>> -> memref<64x128xf32, #tpu.memory_space<vmem>>
      tpu.wait_dma2 semaphore(%arg8 : memref<!tpu.dma_semaphore, #tpu.memory_space<semaphore_mem>>) src(%dma_wait3A_269 : memref<64x128xf32, #tpu.memory_space<vmem>>) dst(%dma_wait3A_265 : memref<64x128xf32, #tpu.memory_space<hbm>>)
      %dma_start3A_270 = arith.constant 14 : i32
      %dma_start3A_271 = arith.constant 0 : i32
      %dma_start3A_272 = arith.constant 0 : i32
      %dma_start3A_273 = arith.constant 0 : i32
      %dma_start3A_274 = tpu.memref_slice %arg7[%dma_start3A_271, %dma_start3A_272, %dma_start3A_273] : memref<14x64x128xf32, #tpu.memory_space<vmem>> -> memref<1x64x128xf32, #tpu.memory_space<vmem>>
      %dma_start3A_275 = tpu.memref_squeeze %dma_start3A_274 : memref<1x64x128xf32, #tpu.memory_space<vmem>> -> memref<64x128xf32, #tpu.memory_space<vmem>>
      %dma_start3A_276 = arith.constant 0 : i32
      %dma_start3A_277 = tpu.memref_slice %arg6[%dma_start3A_270, %dma_start3A_276] : memref<16x64xi32, #tpu.memory_space<vmem>> -> memref<1x64xi32, #tpu.memory_space<vmem>>
      %dma_start3A_278 = tpu.memref_squeeze %dma_start3A_277 : memref<1x64xi32, #tpu.memory_space<vmem>> -> memref<64xi32, #tpu.memory_space<vmem>>
      %dma_start3A_279 = arith.constant 0 : i32
      %dma_start3A_280 = arith.constant 0 : i32
      %dma_start3A_281 = tpu.memref_slice %arg2[%dma_start3A_279, %dma_start3A_280] : memref<100000x128xf32, #tpu.memory_space<hbm>> -> memref<100000x128xf32, #tpu.memory_space<hbm>>
      tpu.enqueue_indirect_dma source(%dma_start3A_281 : memref<100000x128xf32, #tpu.memory_space<hbm>>) target(%dma_start3A_275 : memref<64x128xf32, #tpu.memory_space<vmem>>) offsets(%dma_start3A_278 : memref<64xi32, #tpu.memory_space<vmem>>) semaphore(%arg8 : memref<!tpu.dma_semaphore, #tpu.memory_space<semaphore_mem>>)
      %dma_wait3A_282 = arith.constant 2 : i32
      %dma_wait3A_283 = arith.constant 2 : i32
      %dma_wait3A_284 = arith.constant 0 : i32
      %dma_wait3A_285 = arith.constant 0 : i32
      %dma_wait3A_286 = tpu.memref_slice %arg7[%dma_wait3A_283, %dma_wait3A_284, %dma_wait3A_285] : memref<14x64x128xf32, #tpu.memory_space<vmem>> -> memref<1x64x128xf32, #tpu.memory_space<vmem>>
      %dma_wait3A_287 = tpu.memref_squeeze %dma_wait3A_286 : memref<1x64x128xf32, #tpu.memory_space<vmem>> -> memref<64x128xf32, #tpu.memory_space<vmem>>
      %dma_wait3A_288 = arith.constant 0 : i32
      %dma_wait3A_289 = tpu.memref_slice %arg6[%dma_wait3A_282, %dma_wait3A_288] : memref<16x64xi32, #tpu.memory_space<vmem>> -> memref<1x64xi32, #tpu.memory_space<vmem>>
      %dma_wait3A_290 = tpu.memref_squeeze %dma_wait3A_289 : memref<1x64xi32, #tpu.memory_space<vmem>> -> memref<64xi32, #tpu.memory_space<vmem>>
      %dma_wait3A_291 = arith.constant 0 : i32
      %dma_wait3A_292 = arith.constant 0 : i32
      %dma_wait3A_293 = tpu.memref_slice %arg2[%dma_wait3A_291, %dma_wait3A_292] : memref<100000x128xf32, #tpu.memory_space<hbm>> -> memref<100000x128xf32, #tpu.memory_space<hbm>>
      tpu.wait_indirect_dma semaphore(%arg10 : memref<!tpu.dma_semaphore, #tpu.memory_space<semaphore_mem>>) src(%dma_wait3A_293 : memref<100000x128xf32, #tpu.memory_space<hbm>>) dst(%dma_wait3A_287 : memref<64x128xf32, #tpu.memory_space<vmem>>)
      %add3A_294 = arith.constant 128 : i32
      %add3A_295 = arith.addi %mul3A_9, %add3A_294 : i32
      %dma_start3A_296 = arith.constant 2 : i32
      %dma_start3A_297 = arith.constant 1 : i32
      %dma_start3A_298 = arith.constant 0 : i32
      %dma_start3A_299 = arith.constant 0 : i32
      %dma_start3A_300 = tpu.memref_slice %arg7[%dma_start3A_296, %dma_start3A_298, %dma_start3A_299] : memref<14x64x128xf32, #tpu.memory_space<vmem>> -> memref<1x64x128xf32, #tpu.memory_space<vmem>>
      %dma_start3A_301 = tpu.memref_squeeze %dma_start3A_300 : memref<1x64x128xf32, #tpu.memory_space<vmem>> -> memref<64x128xf32, #tpu.memory_space<vmem>>
      %dma_start3A_302 = arith.constant 0 : i32
      %dma_start3A_303 = arith.constant 0 : i32
      %dma_start3A_304 = tpu.memref_slice %arg5[%dma_start3A_297, %dma_start3A_302, %dma_start3A_303] : memref<2x16384x128xf32, #tpu.memory_space<hbm>> -> memref<1x16384x128xf32, #tpu.memory_space<hbm>>
      %dma_start3A_305 = tpu.memref_squeeze %dma_start3A_304 : memref<1x16384x128xf32, #tpu.memory_space<hbm>> -> memref<16384x128xf32, #tpu.memory_space<hbm>>
      %dma_start3A_306 = arith.constant 0 : i32
      %dma_start3A_307 = tpu.memref_slice %dma_start3A_305[%add3A_295, %dma_start3A_306] : memref<16384x128xf32, #tpu.memory_space<hbm>> -> memref<64x128xf32, #tpu.memory_space<hbm>>
      %dma_start3A_308 = arith.constant 0 : i32
      %dma_start3A_309 = arith.constant 0 : i32
      %dma_start3A_310 = tpu.memref_slice %arg5[%dma_start3A_297, %dma_start3A_308, %dma_start3A_309] : memref<2x16384x128xf32, #tpu.memory_space<hbm>> -> memref<1x16384x128xf32, #tpu.memory_space<hbm>>
      %dma_start3A_311 = tpu.memref_squeeze %dma_start3A_310 : memref<1x16384x128xf32, #tpu.memory_space<hbm>> -> memref<16384x128xf32, #tpu.memory_space<hbm>>
      %dma_start3A_312 = arith.constant 0 : i32
      %dma_start3A_313 = tpu.memref_slice %dma_start3A_311[%add3A_295, %dma_start3A_312] : memref<16384x128xf32, #tpu.memory_space<hbm>> -> memref<64x128xf32, #tpu.memory_space<hbm>>
      %dma_start3A_314 = arith.constant 0 : i32
      %dma_start3A_315 = arith.constant 0 : i32
      %dma_start3A_316 = tpu.memref_slice %arg7[%dma_start3A_296, %dma_start3A_314, %dma_start3A_315] : memref<14x64x128xf32, #tpu.memory_space<vmem>> -> memref<1x64x128xf32, #tpu.memory_space<vmem>>
      %dma_start3A_317 = tpu.memref_squeeze %dma_start3A_316 : memref<1x64x128xf32, #tpu.memory_space<vmem>> -> memref<64x128xf32, #tpu.memory_space<vmem>>
      tpu.enqueue_dma source(%dma_start3A_317 : memref<64x128xf32, #tpu.memory_space<vmem>>) target(%dma_start3A_313 : memref<64x128xf32, #tpu.memory_space<hbm>>) target_semaphore(%arg10 : memref<!tpu.dma_semaphore, #tpu.memory_space<semaphore_mem>>)
      %dma_wait3A_318 = arith.constant 1 : i32
      %dma_wait3A_319 = arith.constant 1 : i32
      %dma_wait3A_320 = arith.constant 0 : i32
      %dma_wait3A_321 = arith.constant 0 : i32
      %dma_wait3A_322 = tpu.memref_slice %arg7[%dma_wait3A_318, %dma_wait3A_320, %dma_wait3A_321] : memref<14x64x128xf32, #tpu.memory_space<vmem>> -> memref<1x64x128xf32, #tpu.memory_space<vmem>>
      %dma_wait3A_323 = tpu.memref_squeeze %dma_wait3A_322 : memref<1x64x128xf32, #tpu.memory_space<vmem>> -> memref<64x128xf32, #tpu.memory_space<vmem>>
      %dma_wait3A_324 = arith.constant 0 : i32
      %dma_wait3A_325 = arith.constant 0 : i32
      %dma_wait3A_326 = tpu.memref_slice %arg5[%dma_wait3A_319, %dma_wait3A_324, %dma_wait3A_325] : memref<2x16384x128xf32, #tpu.memory_space<hbm>> -> memref<1x16384x128xf32, #tpu.memory_space<hbm>>
      %dma_wait3A_327 = tpu.memref_squeeze %dma_wait3A_326 : memref<1x16384x128xf32, #tpu.memory_space<hbm>> -> memref<16384x128xf32, #tpu.memory_space<hbm>>
      %dma_wait3A_328 = arith.constant 0 : i32
      %dma_wait3A_329 = tpu.memref_slice %dma_wait3A_327[%add3A_225, %dma_wait3A_328] : memref<16384x128xf32, #tpu.memory_space<hbm>> -> memref<64x128xf32, #tpu.memory_space<hbm>>
      %dma_wait3A_330 = arith.constant 0 : i32
      %dma_wait3A_331 = arith.constant 0 : i32
      %dma_wait3A_332 = tpu.memref_slice %arg5[%dma_wait3A_319, %dma_wait3A_330, %dma_wait3A_331] : memref<2x16384x128xf32, #tpu.memory_space<hbm>> -> memref<1x16384x128xf32, #tpu.memory_space<hbm>>
      %dma_wait3A_333 = tpu.memref_squeeze %dma_wait3A_332 : memref<1x16384x128xf32, #tpu.memory_space<hbm>> -> memref<16384x128xf32, #tpu.memory_space<hbm>>
      %dma_wait3A_334 = arith.constant 0 : i32
      %dma_wait3A_335 = tpu.memref_slice %dma_wait3A_333[%add3A_225, %dma_wait3A_334] : memref<16384x128xf32, #tpu.memory_space<hbm>> -> memref<64x128xf32, #tpu.memory_space<hbm>>
      %dma_wait3A_336 = arith.constant 0 : i32
      %dma_wait3A_337 = arith.constant 0 : i32
      %dma_wait3A_338 = tpu.memref_slice %arg7[%dma_wait3A_318, %dma_wait3A_336, %dma_wait3A_337] : memref<14x64x128xf32, #tpu.memory_space<vmem>> -> memref<1x64x128xf32, #tpu.memory_space<vmem>>
      %dma_wait3A_339 = tpu.memref_squeeze %dma_wait3A_338 : memref<1x64x128xf32, #tpu.memory_space<vmem>> -> memref<64x128xf32, #tpu.memory_space<vmem>>
      tpu.wait_dma2 semaphore(%arg9 : memref<!tpu.dma_semaphore, #tpu.memory_space<semaphore_mem>>) src(%dma_wait3A_339 : memref<64x128xf32, #tpu.memory_space<vmem>>) dst(%dma_wait3A_335 : memref<64x128xf32, #tpu.memory_space<hbm>>)
      %dma_start3A_340 = arith.constant 15 : i32
      %dma_start3A_341 = arith.constant 1 : i32
      %dma_start3A_342 = arith.constant 0 : i32
      %dma_start3A_343 = arith.constant 0 : i32
      %dma_start3A_344 = tpu.memref_slice %arg7[%dma_start3A_341, %dma_start3A_342, %dma_start3A_343] : memref<14x64x128xf32, #tpu.memory_space<vmem>> -> memref<1x64x128xf32, #tpu.memory_space<vmem>>
      %dma_start3A_345 = tpu.memref_squeeze %dma_start3A_344 : memref<1x64x128xf32, #tpu.memory_space<vmem>> -> memref<64x128xf32, #tpu.memory_space<vmem>>
      %dma_start3A_346 = arith.constant 0 : i32
      %dma_start3A_347 = tpu.memref_slice %arg6[%dma_start3A_340, %dma_start3A_346] : memref<16x64xi32, #tpu.memory_space<vmem>> -> memref<1x64xi32, #tpu.memory_space<vmem>>
      %dma_start3A_348 = tpu.memref_squeeze %dma_start3A_347 : memref<1x64xi32, #tpu.memory_space<vmem>> -> memref<64xi32, #tpu.memory_space<vmem>>
      %dma_start3A_349 = arith.constant 0 : i32
      %dma_start3A_350 = arith.constant 0 : i32
      %dma_start3A_351 = tpu.memref_slice %arg2[%dma_start3A_349, %dma_start3A_350] : memref<100000x128xf32, #tpu.memory_space<hbm>> -> memref<100000x128xf32, #tpu.memory_space<hbm>>
      tpu.enqueue_indirect_dma source(%dma_start3A_351 : memref<100000x128xf32, #tpu.memory_space<hbm>>) target(%dma_start3A_345 : memref<64x128xf32, #tpu.memory_space<vmem>>) offsets(%dma_start3A_348 : memref<64xi32, #tpu.memory_space<vmem>>) semaphore(%arg9 : memref<!tpu.dma_semaphore, #tpu.memory_space<semaphore_mem>>)
      %dma_wait3A_352 = arith.constant 3 : i32
      %dma_wait3A_353 = arith.constant 3 : i32
      %dma_wait3A_354 = arith.constant 0 : i32
      %dma_wait3A_355 = arith.constant 0 : i32
      %dma_wait3A_356 = tpu.memref_slice %arg7[%dma_wait3A_353, %dma_wait3A_354, %dma_wait3A_355] : memref<14x64x128xf32, #tpu.memory_space<vmem>> -> memref<1x64x128xf32, #tpu.memory_space<vmem>>
      %dma_wait3A_357 = tpu.memref_squeeze %dma_wait3A_356 : memref<1x64x128xf32, #tpu.memory_space<vmem>> -> memref<64x128xf32, #tpu.memory_space<vmem>>
      %dma_wait3A_358 = arith.constant 0 : i32
      %dma_wait3A_359 = tpu.memref_slice %arg6[%dma_wait3A_352, %dma_wait3A_358] : memref<16x64xi32, #tpu.memory_space<vmem>> -> memref<1x64xi32, #tpu.memory_space<vmem>>
      %dma_wait3A_360 = tpu.memref_squeeze %dma_wait3A_359 : memref<1x64xi32, #tpu.memory_space<vmem>> -> memref<64xi32, #tpu.memory_space<vmem>>
      %dma_wait3A_361 = arith.constant 0 : i32
      %dma_wait3A_362 = arith.constant 0 : i32
      %dma_wait3A_363 = tpu.memref_slice %arg2[%dma_wait3A_361, %dma_wait3A_362] : memref<100000x128xf32, #tpu.memory_space<hbm>> -> memref<100000x128xf32, #tpu.memory_space<hbm>>
      tpu.wait_indirect_dma semaphore(%arg11 : memref<!tpu.dma_semaphore, #tpu.memory_space<semaphore_mem>>) src(%dma_wait3A_363 : memref<100000x128xf32, #tpu.memory_space<hbm>>) dst(%dma_wait3A_357 : memref<64x128xf32, #tpu.memory_space<vmem>>)
      %add3A_364 = arith.constant 192 : i32
      %add3A_365 = arith.addi %mul3A_9, %add3A_364 : i32
      %dma_start3A_366 = arith.constant 3 : i32
      %dma_start3A_367 = arith.constant 1 : i32
      %dma_start3A_368 = arith.constant 0 : i32
      %dma_start3A_369 = arith.constant 0 : i32
      %dma_start3A_370 = tpu.memref_slice %arg7[%dma_start3A_366, %dma_start3A_368, %dma_start3A_369] : memref<14x64x128xf32, #tpu.memory_space<vmem>> -> memref<1x64x128xf32, #tpu.memory_space<vmem>>
      %dma_start3A_371 = tpu.memref_squeeze %dma_start3A_370 : memref<1x64x128xf32, #tpu.memory_space<vmem>> -> memref<64x128xf32, #tpu.memory_space<vmem>>
      %dma_start3A_372 = arith.constant 0 : i32
      %dma_start3A_373 = arith.constant 0 : i32
      %dma_start3A_374 = tpu.memref_slice %arg5[%dma_start3A_367, %dma_start3A_372, %dma_start3A_373] : memref<2x16384x128xf32, #tpu.memory_space<hbm>> -> memref<1x16384x128xf32, #tpu.memory_space<hbm>>
      %dma_start3A_375 = tpu.memref_squeeze %dma_start3A_374 : memref<1x16384x128xf32, #tpu.memory_space<hbm>> -> memref<16384x128xf32, #tpu.memory_space<hbm>>
      %dma_start3A_376 = arith.constant 0 : i32
      %dma_start3A_377 = tpu.memref_slice %dma_start3A_375[%add3A_365, %dma_start3A_376] : memref<16384x128xf32, #tpu.memory_space<hbm>> -> memref<64x128xf32, #tpu.memory_space<hbm>>
      %dma_start3A_378 = arith.constant 0 : i32
      %dma_start3A_379 = arith.constant 0 : i32
      %dma_start3A_380 = tpu.memref_slice %arg5[%dma_start3A_367, %dma_start3A_378, %dma_start3A_379] : memref<2x16384x128xf32, #tpu.memory_space<hbm>> -> memref<1x16384x128xf32, #tpu.memory_space<hbm>>
      %dma_start3A_381 = tpu.memref_squeeze %dma_start3A_380 : memref<1x16384x128xf32, #tpu.memory_space<hbm>> -> memref<16384x128xf32, #tpu.memory_space<hbm>>
      %dma_start3A_382 = arith.constant 0 : i32
      %dma_start3A_383 = tpu.memref_slice %dma_start3A_381[%add3A_365, %dma_start3A_382] : memref<16384x128xf32, #tpu.memory_space<hbm>> -> memref<64x128xf32, #tpu.memory_space<hbm>>
      %dma_start3A_384 = arith.constant 0 : i32
      %dma_start3A_385 = arith.constant 0 : i32
      %dma_start3A_386 = tpu.memref_slice %arg7[%dma_start3A_366, %dma_start3A_384, %dma_start3A_385] : memref<14x64x128xf32, #tpu.memory_space<vmem>> -> memref<1x64x128xf32, #tpu.memory_space<vmem>>
      %dma_start3A_387 = tpu.memref_squeeze %dma_start3A_386 : memref<1x64x128xf32, #tpu.memory_space<vmem>> -> memref<64x128xf32, #tpu.memory_space<vmem>>
      tpu.enqueue_dma source(%dma_start3A_387 : memref<64x128xf32, #tpu.memory_space<vmem>>) target(%dma_start3A_383 : memref<64x128xf32, #tpu.memory_space<hbm>>) target_semaphore(%arg11 : memref<!tpu.dma_semaphore, #tpu.memory_space<semaphore_mem>>)
      %dma_wait3A_388 = arith.constant 4 : i32
      %dma_wait3A_389 = arith.constant 4 : i32
      %dma_wait3A_390 = arith.constant 0 : i32
      %dma_wait3A_391 = arith.constant 0 : i32
      %dma_wait3A_392 = tpu.memref_slice %arg7[%dma_wait3A_389, %dma_wait3A_390, %dma_wait3A_391] : memref<14x64x128xf32, #tpu.memory_space<vmem>> -> memref<1x64x128xf32, #tpu.memory_space<vmem>>
      %dma_wait3A_393 = tpu.memref_squeeze %dma_wait3A_392 : memref<1x64x128xf32, #tpu.memory_space<vmem>> -> memref<64x128xf32, #tpu.memory_space<vmem>>
      %dma_wait3A_394 = arith.constant 0 : i32
      %dma_wait3A_395 = tpu.memref_slice %arg6[%dma_wait3A_388, %dma_wait3A_394] : memref<16x64xi32, #tpu.memory_space<vmem>> -> memref<1x64xi32, #tpu.memory_space<vmem>>
      %dma_wait3A_396 = tpu.memref_squeeze %dma_wait3A_395 : memref<1x64xi32, #tpu.memory_space<vmem>> -> memref<64xi32, #tpu.memory_space<vmem>>
      %dma_wait3A_397 = arith.constant 0 : i32
      %dma_wait3A_398 = arith.constant 0 : i32
      %dma_wait3A_399 = tpu.memref_slice %arg2[%dma_wait3A_397, %dma_wait3A_398] : memref<100000x128xf32, #tpu.memory_space<hbm>> -> memref<100000x128xf32, #tpu.memory_space<hbm>>
      tpu.wait_indirect_dma semaphore(%arg12 : memref<!tpu.dma_semaphore, #tpu.memory_space<semaphore_mem>>) src(%dma_wait3A_399 : memref<100000x128xf32, #tpu.memory_space<hbm>>) dst(%dma_wait3A_393 : memref<64x128xf32, #tpu.memory_space<vmem>>)
      %add3A_400 = arith.constant 256 : i32
      %add3A_401 = arith.addi %mul3A_9, %add3A_400 : i32
      %dma_start3A_402 = arith.constant 4 : i32
      %dma_start3A_403 = arith.constant 1 : i32
      %dma_start3A_404 = arith.constant 0 : i32
      %dma_start3A_405 = arith.constant 0 : i32
      %dma_start3A_406 = tpu.memref_slice %arg7[%dma_start3A_402, %dma_start3A_404, %dma_start3A_405] : memref<14x64x128xf32, #tpu.memory_space<vmem>> -> memref<1x64x128xf32, #tpu.memory_space<vmem>>
      %dma_start3A_407 = tpu.memref_squeeze %dma_start3A_406 : memref<1x64x128xf32, #tpu.memory_space<vmem>> -> memref<64x128xf32, #tpu.memory_space<vmem>>
      %dma_start3A_408 = arith.constant 0 : i32
      %dma_start3A_409 = arith.constant 0 : i32
      %dma_start3A_410 = tpu.memref_slice %arg5[%dma_start3A_403, %dma_start3A_408, %dma_start3A_409] : memref<2x16384x128xf32, #tpu.memory_space<hbm>> -> memref<1x16384x128xf32, #tpu.memory_space<hbm>>
      %dma_start3A_411 = tpu.memref_squeeze %dma_start3A_410 : memref<1x16384x128xf32, #tpu.memory_space<hbm>> -> memref<16384x128xf32, #tpu.memory_space<hbm>>
      %dma_start3A_412 = arith.constant 0 : i32
      %dma_start3A_413 = tpu.memref_slice %dma_start3A_411[%add3A_401, %dma_start3A_412] : memref<16384x128xf32, #tpu.memory_space<hbm>> -> memref<64x128xf32, #tpu.memory_space<hbm>>
      %dma_start3A_414 = arith.constant 0 : i32
      %dma_start3A_415 = arith.constant 0 : i32
      %dma_start3A_416 = tpu.memref_slice %arg5[%dma_start3A_403, %dma_start3A_414, %dma_start3A_415] : memref<2x16384x128xf32, #tpu.memory_space<hbm>> -> memref<1x16384x128xf32, #tpu.memory_space<hbm>>
      %dma_start3A_417 = tpu.memref_squeeze %dma_start3A_416 : memref<1x16384x128xf32, #tpu.memory_space<hbm>> -> memref<16384x128xf32, #tpu.memory_space<hbm>>
      %dma_start3A_418 = arith.constant 0 : i32
      %dma_start3A_419 = tpu.memref_slice %dma_start3A_417[%add3A_401, %dma_start3A_418] : memref<16384x128xf32, #tpu.memory_space<hbm>> -> memref<64x128xf32, #tpu.memory_space<hbm>>
      %dma_start3A_420 = arith.constant 0 : i32
      %dma_start3A_421 = arith.constant 0 : i32
      %dma_start3A_422 = tpu.memref_slice %arg7[%dma_start3A_402, %dma_start3A_420, %dma_start3A_421] : memref<14x64x128xf32, #tpu.memory_space<vmem>> -> memref<1x64x128xf32, #tpu.memory_space<vmem>>
      %dma_start3A_423 = tpu.memref_squeeze %dma_start3A_422 : memref<1x64x128xf32, #tpu.memory_space<vmem>> -> memref<64x128xf32, #tpu.memory_space<vmem>>
      tpu.enqueue_dma source(%dma_start3A_423 : memref<64x128xf32, #tpu.memory_space<vmem>>) target(%dma_start3A_419 : memref<64x128xf32, #tpu.memory_space<hbm>>) target_semaphore(%arg12 : memref<!tpu.dma_semaphore, #tpu.memory_space<semaphore_mem>>)
      %dma_wait3A_424 = arith.constant 5 : i32
      %dma_wait3A_425 = arith.constant 5 : i32
      %dma_wait3A_426 = arith.constant 0 : i32
      %dma_wait3A_427 = arith.constant 0 : i32
      %dma_wait3A_428 = tpu.memref_slice %arg7[%dma_wait3A_425, %dma_wait3A_426, %dma_wait3A_427] : memref<14x64x128xf32, #tpu.memory_space<vmem>> -> memref<1x64x128xf32, #tpu.memory_space<vmem>>
      %dma_wait3A_429 = tpu.memref_squeeze %dma_wait3A_428 : memref<1x64x128xf32, #tpu.memory_space<vmem>> -> memref<64x128xf32, #tpu.memory_space<vmem>>
      %dma_wait3A_430 = arith.constant 0 : i32
      %dma_wait3A_431 = tpu.memref_slice %arg6[%dma_wait3A_424, %dma_wait3A_430] : memref<16x64xi32, #tpu.memory_space<vmem>> -> memref<1x64xi32, #tpu.memory_space<vmem>>
      %dma_wait3A_432 = tpu.memref_squeeze %dma_wait3A_431 : memref<1x64xi32, #tpu.memory_space<vmem>> -> memref<64xi32, #tpu.memory_space<vmem>>
      %dma_wait3A_433 = arith.constant 0 : i32
      %dma_wait3A_434 = arith.constant 0 : i32
      %dma_wait3A_435 = tpu.memref_slice %arg2[%dma_wait3A_433, %dma_wait3A_434] : memref<100000x128xf32, #tpu.memory_space<hbm>> -> memref<100000x128xf32, #tpu.memory_space<hbm>>
      tpu.wait_indirect_dma semaphore(%arg13 : memref<!tpu.dma_semaphore, #tpu.memory_space<semaphore_mem>>) src(%dma_wait3A_435 : memref<100000x128xf32, #tpu.memory_space<hbm>>) dst(%dma_wait3A_429 : memref<64x128xf32, #tpu.memory_space<vmem>>)
      %add3A_436 = arith.constant 320 : i32
      %add3A_437 = arith.addi %mul3A_9, %add3A_436 : i32
      %dma_start3A_438 = arith.constant 5 : i32
      %dma_start3A_439 = arith.constant 1 : i32
      %dma_start3A_440 = arith.constant 0 : i32
      %dma_start3A_441 = arith.constant 0 : i32
      %dma_start3A_442 = tpu.memref_slice %arg7[%dma_start3A_438, %dma_start3A_440, %dma_start3A_441] : memref<14x64x128xf32, #tpu.memory_space<vmem>> -> memref<1x64x128xf32, #tpu.memory_space<vmem>>
      %dma_start3A_443 = tpu.memref_squeeze %dma_start3A_442 : memref<1x64x128xf32, #tpu.memory_space<vmem>> -> memref<64x128xf32, #tpu.memory_space<vmem>>
      %dma_start3A_444 = arith.constant 0 : i32
      %dma_start3A_445 = arith.constant 0 : i32
      %dma_start3A_446 = tpu.memref_slice %arg5[%dma_start3A_439, %dma_start3A_444, %dma_start3A_445] : memref<2x16384x128xf32, #tpu.memory_space<hbm>> -> memref<1x16384x128xf32, #tpu.memory_space<hbm>>
      %dma_start3A_447 = tpu.memref_squeeze %dma_start3A_446 : memref<1x16384x128xf32, #tpu.memory_space<hbm>> -> memref<16384x128xf32, #tpu.memory_space<hbm>>
      %dma_start3A_448 = arith.constant 0 : i32
      %dma_start3A_449 = tpu.memref_slice %dma_start3A_447[%add3A_437, %dma_start3A_448] : memref<16384x128xf32, #tpu.memory_space<hbm>> -> memref<64x128xf32, #tpu.memory_space<hbm>>
      %dma_start3A_450 = arith.constant 0 : i32
      %dma_start3A_451 = arith.constant 0 : i32
      %dma_start3A_452 = tpu.memref_slice %arg5[%dma_start3A_439, %dma_start3A_450, %dma_start3A_451] : memref<2x16384x128xf32, #tpu.memory_space<hbm>> -> memref<1x16384x128xf32, #tpu.memory_space<hbm>>
      %dma_start3A_453 = tpu.memref_squeeze %dma_start3A_452 : memref<1x16384x128xf32, #tpu.memory_space<hbm>> -> memref<16384x128xf32, #tpu.memory_space<hbm>>
      %dma_start3A_454 = arith.constant 0 : i32
      %dma_start3A_455 = tpu.memref_slice %dma_start3A_453[%add3A_437, %dma_start3A_454] : memref<16384x128xf32, #tpu.memory_space<hbm>> -> memref<64x128xf32, #tpu.memory_space<hbm>>
      %dma_start3A_456 = arith.constant 0 : i32
      %dma_start3A_457 = arith.constant 0 : i32
      %dma_start3A_458 = tpu.memref_slice %arg7[%dma_start3A_438, %dma_start3A_456, %dma_start3A_457] : memref<14x64x128xf32, #tpu.memory_space<vmem>> -> memref<1x64x128xf32, #tpu.memory_space<vmem>>
      %dma_start3A_459 = tpu.memref_squeeze %dma_start3A_458 : memref<1x64x128xf32, #tpu.memory_space<vmem>> -> memref<64x128xf32, #tpu.memory_space<vmem>>
      tpu.enqueue_dma source(%dma_start3A_459 : memref<64x128xf32, #tpu.memory_space<vmem>>) target(%dma_start3A_455 : memref<64x128xf32, #tpu.memory_space<hbm>>) target_semaphore(%arg13 : memref<!tpu.dma_semaphore, #tpu.memory_space<semaphore_mem>>)
      %dma_wait3A_460 = arith.constant 6 : i32
      %dma_wait3A_461 = arith.constant 6 : i32
      %dma_wait3A_462 = arith.constant 0 : i32
      %dma_wait3A_463 = arith.constant 0 : i32
      %dma_wait3A_464 = tpu.memref_slice %arg7[%dma_wait3A_461, %dma_wait3A_462, %dma_wait3A_463] : memref<14x64x128xf32, #tpu.memory_space<vmem>> -> memref<1x64x128xf32, #tpu.memory_space<vmem>>
      %dma_wait3A_465 = tpu.memref_squeeze %dma_wait3A_464 : memref<1x64x128xf32, #tpu.memory_space<vmem>> -> memref<64x128xf32, #tpu.memory_space<vmem>>
      %dma_wait3A_466 = arith.constant 0 : i32
      %dma_wait3A_467 = tpu.memref_slice %arg6[%dma_wait3A_460, %dma_wait3A_466] : memref<16x64xi32, #tpu.memory_space<vmem>> -> memref<1x64xi32, #tpu.memory_space<vmem>>
      %dma_wait3A_468 = tpu.memref_squeeze %dma_wait3A_467 : memref<1x64xi32, #tpu.memory_space<vmem>> -> memref<64xi32, #tpu.memory_space<vmem>>
      %dma_wait3A_469 = arith.constant 0 : i32
      %dma_wait3A_470 = arith.constant 0 : i32
      %dma_wait3A_471 = tpu.memref_slice %arg2[%dma_wait3A_469, %dma_wait3A_470] : memref<100000x128xf32, #tpu.memory_space<hbm>> -> memref<100000x128xf32, #tpu.memory_space<hbm>>
      tpu.wait_indirect_dma semaphore(%arg14 : memref<!tpu.dma_semaphore, #tpu.memory_space<semaphore_mem>>) src(%dma_wait3A_471 : memref<100000x128xf32, #tpu.memory_space<hbm>>) dst(%dma_wait3A_465 : memref<64x128xf32, #tpu.memory_space<vmem>>)
      %add3A_472 = arith.constant 384 : i32
      %add3A_473 = arith.addi %mul3A_9, %add3A_472 : i32
      %dma_start3A_474 = arith.constant 6 : i32
      %dma_start3A_475 = arith.constant 1 : i32
      %dma_start3A_476 = arith.constant 0 : i32
      %dma_start3A_477 = arith.constant 0 : i32
      %dma_start3A_478 = tpu.memref_slice %arg7[%dma_start3A_474, %dma_start3A_476, %dma_start3A_477] : memref<14x64x128xf32, #tpu.memory_space<vmem>> -> memref<1x64x128xf32, #tpu.memory_space<vmem>>
      %dma_start3A_479 = tpu.memref_squeeze %dma_start3A_478 : memref<1x64x128xf32, #tpu.memory_space<vmem>> -> memref<64x128xf32, #tpu.memory_space<vmem>>
      %dma_start3A_480 = arith.constant 0 : i32
      %dma_start3A_481 = arith.constant 0 : i32
      %dma_start3A_482 = tpu.memref_slice %arg5[%dma_start3A_475, %dma_start3A_480, %dma_start3A_481] : memref<2x16384x128xf32, #tpu.memory_space<hbm>> -> memref<1x16384x128xf32, #tpu.memory_space<hbm>>
      %dma_start3A_483 = tpu.memref_squeeze %dma_start3A_482 : memref<1x16384x128xf32, #tpu.memory_space<hbm>> -> memref<16384x128xf32, #tpu.memory_space<hbm>>
      %dma_start3A_484 = arith.constant 0 : i32
      %dma_start3A_485 = tpu.memref_slice %dma_start3A_483[%add3A_473, %dma_start3A_484] : memref<16384x128xf32, #tpu.memory_space<hbm>> -> memref<64x128xf32, #tpu.memory_space<hbm>>
      %dma_start3A_486 = arith.constant 0 : i32
      %dma_start3A_487 = arith.constant 0 : i32
      %dma_start3A_488 = tpu.memref_slice %arg5[%dma_start3A_475, %dma_start3A_486, %dma_start3A_487] : memref<2x16384x128xf32, #tpu.memory_space<hbm>> -> memref<1x16384x128xf32, #tpu.memory_space<hbm>>
      %dma_start3A_489 = tpu.memref_squeeze %dma_start3A_488 : memref<1x16384x128xf32, #tpu.memory_space<hbm>> -> memref<16384x128xf32, #tpu.memory_space<hbm>>
      %dma_start3A_490 = arith.constant 0 : i32
      %dma_start3A_491 = tpu.memref_slice %dma_start3A_489[%add3A_473, %dma_start3A_490] : memref<16384x128xf32, #tpu.memory_space<hbm>> -> memref<64x128xf32, #tpu.memory_space<hbm>>
      %dma_start3A_492 = arith.constant 0 : i32
      %dma_start3A_493 = arith.constant 0 : i32
      %dma_start3A_494 = tpu.memref_slice %arg7[%dma_start3A_474, %dma_start3A_492, %dma_start3A_493] : memref<14x64x128xf32, #tpu.memory_space<vmem>> -> memref<1x64x128xf32, #tpu.memory_space<vmem>>
      %dma_start3A_495 = tpu.memref_squeeze %dma_start3A_494 : memref<1x64x128xf32, #tpu.memory_space<vmem>> -> memref<64x128xf32, #tpu.memory_space<vmem>>
      tpu.enqueue_dma source(%dma_start3A_495 : memref<64x128xf32, #tpu.memory_space<vmem>>) target(%dma_start3A_491 : memref<64x128xf32, #tpu.memory_space<hbm>>) target_semaphore(%arg14 : memref<!tpu.dma_semaphore, #tpu.memory_space<semaphore_mem>>)
      %dma_wait3A_496 = arith.constant 7 : i32
      %dma_wait3A_497 = arith.constant 7 : i32
      %dma_wait3A_498 = arith.constant 0 : i32
      %dma_wait3A_499 = arith.constant 0 : i32
      %dma_wait3A_500 = tpu.memref_slice %arg7[%dma_wait3A_497, %dma_wait3A_498, %dma_wait3A_499] : memref<14x64x128xf32, #tpu.memory_space<vmem>> -> memref<1x64x128xf32, #tpu.memory_space<vmem>>
      %dma_wait3A_501 = tpu.memref_squeeze %dma_wait3A_500 : memref<1x64x128xf32, #tpu.memory_space<vmem>> -> memref<64x128xf32, #tpu.memory_space<vmem>>
      %dma_wait3A_502 = arith.constant 0 : i32
      %dma_wait3A_503 = tpu.memref_slice %arg6[%dma_wait3A_496, %dma_wait3A_502] : memref<16x64xi32, #tpu.memory_space<vmem>> -> memref<1x64xi32, #tpu.memory_space<vmem>>
      %dma_wait3A_504 = tpu.memref_squeeze %dma_wait3A_503 : memref<1x64xi32, #tpu.memory_space<vmem>> -> memref<64xi32, #tpu.memory_space<vmem>>
      %dma_wait3A_505 = arith.constant 0 : i32
      %dma_wait3A_506 = arith.constant 0 : i32
      %dma_wait3A_507 = tpu.memref_slice %arg2[%dma_wait3A_505, %dma_wait3A_506] : memref<100000x128xf32, #tpu.memory_space<hbm>> -> memref<100000x128xf32, #tpu.memory_space<hbm>>
      tpu.wait_indirect_dma semaphore(%arg15 : memref<!tpu.dma_semaphore, #tpu.memory_space<semaphore_mem>>) src(%dma_wait3A_507 : memref<100000x128xf32, #tpu.memory_space<hbm>>) dst(%dma_wait3A_501 : memref<64x128xf32, #tpu.memory_space<vmem>>)
      %add3A_508 = arith.constant 448 : i32
      %add3A_509 = arith.addi %mul3A_9, %add3A_508 : i32
      %dma_start3A_510 = arith.constant 7 : i32
      %dma_start3A_511 = arith.constant 1 : i32
      %dma_start3A_512 = arith.constant 0 : i32
      %dma_start3A_513 = arith.constant 0 : i32
      %dma_start3A_514 = tpu.memref_slice %arg7[%dma_start3A_510, %dma_start3A_512, %dma_start3A_513] : memref<14x64x128xf32, #tpu.memory_space<vmem>> -> memref<1x64x128xf32, #tpu.memory_space<vmem>>
      %dma_start3A_515 = tpu.memref_squeeze %dma_start3A_514 : memref<1x64x128xf32, #tpu.memory_space<vmem>> -> memref<64x128xf32, #tpu.memory_space<vmem>>
      %dma_start3A_516 = arith.constant 0 : i32
      %dma_start3A_517 = arith.constant 0 : i32
      %dma_start3A_518 = tpu.memref_slice %arg5[%dma_start3A_511, %dma_start3A_516, %dma_start3A_517] : memref<2x16384x128xf32, #tpu.memory_space<hbm>> -> memref<1x16384x128xf32, #tpu.memory_space<hbm>>
      %dma_start3A_519 = tpu.memref_squeeze %dma_start3A_518 : memref<1x16384x128xf32, #tpu.memory_space<hbm>> -> memref<16384x128xf32, #tpu.memory_space<hbm>>
      %dma_start3A_520 = arith.constant 0 : i32
      %dma_start3A_521 = tpu.memref_slice %dma_start3A_519[%add3A_509, %dma_start3A_520] : memref<16384x128xf32, #tpu.memory_space<hbm>> -> memref<64x128xf32, #tpu.memory_space<hbm>>
      %dma_start3A_522 = arith.constant 0 : i32
      %dma_start3A_523 = arith.constant 0 : i32
      %dma_start3A_524 = tpu.memref_slice %arg5[%dma_start3A_511, %dma_start3A_522, %dma_start3A_523] : memref<2x16384x128xf32, #tpu.memory_space<hbm>> -> memref<1x16384x128xf32, #tpu.memory_space<hbm>>
      %dma_start3A_525 = tpu.memref_squeeze %dma_start3A_524 : memref<1x16384x128xf32, #tpu.memory_space<hbm>> -> memref<16384x128xf32, #tpu.memory_space<hbm>>
      %dma_start3A_526 = arith.constant 0 : i32
      %dma_start3A_527 = tpu.memref_slice %dma_start3A_525[%add3A_509, %dma_start3A_526] : memref<16384x128xf32, #tpu.memory_space<hbm>> -> memref<64x128xf32, #tpu.memory_space<hbm>>
      %dma_start3A_528 = arith.constant 0 : i32
      %dma_start3A_529 = arith.constant 0 : i32
      %dma_start3A_530 = tpu.memref_slice %arg7[%dma_start3A_510, %dma_start3A_528, %dma_start3A_529] : memref<14x64x128xf32, #tpu.memory_space<vmem>> -> memref<1x64x128xf32, #tpu.memory_space<vmem>>
      %dma_start3A_531 = tpu.memref_squeeze %dma_start3A_530 : memref<1x64x128xf32, #tpu.memory_space<vmem>> -> memref<64x128xf32, #tpu.memory_space<vmem>>
      tpu.enqueue_dma source(%dma_start3A_531 : memref<64x128xf32, #tpu.memory_space<vmem>>) target(%dma_start3A_527 : memref<64x128xf32, #tpu.memory_space<hbm>>) target_semaphore(%arg15 : memref<!tpu.dma_semaphore, #tpu.memory_space<semaphore_mem>>)
      %dma_wait3A_532 = arith.constant 8 : i32
      %dma_wait3A_533 = arith.constant 8 : i32
      %dma_wait3A_534 = arith.constant 0 : i32
      %dma_wait3A_535 = arith.constant 0 : i32
      %dma_wait3A_536 = tpu.memref_slice %arg7[%dma_wait3A_533, %dma_wait3A_534, %dma_wait3A_535] : memref<14x64x128xf32, #tpu.memory_space<vmem>> -> memref<1x64x128xf32, #tpu.memory_space<vmem>>
      %dma_wait3A_537 = tpu.memref_squeeze %dma_wait3A_536 : memref<1x64x128xf32, #tpu.memory_space<vmem>> -> memref<64x128xf32, #tpu.memory_space<vmem>>
      %dma_wait3A_538 = arith.constant 0 : i32
      %dma_wait3A_539 = tpu.memref_slice %arg6[%dma_wait3A_532, %dma_wait3A_538] : memref<16x64xi32, #tpu.memory_space<vmem>> -> memref<1x64xi32, #tpu.memory_space<vmem>>
      %dma_wait3A_540 = tpu.memref_squeeze %dma_wait3A_539 : memref<1x64xi32, #tpu.memory_space<vmem>> -> memref<64xi32, #tpu.memory_space<vmem>>
      %dma_wait3A_541 = arith.constant 0 : i32
      %dma_wait3A_542 = arith.constant 0 : i32
      %dma_wait3A_543 = tpu.memref_slice %arg2[%dma_wait3A_541, %dma_wait3A_542] : memref<100000x128xf32, #tpu.memory_space<hbm>> -> memref<100000x128xf32, #tpu.memory_space<hbm>>
      tpu.wait_indirect_dma semaphore(%arg16 : memref<!tpu.dma_semaphore, #tpu.memory_space<semaphore_mem>>) src(%dma_wait3A_543 : memref<100000x128xf32, #tpu.memory_space<hbm>>) dst(%dma_wait3A_537 : memref<64x128xf32, #tpu.memory_space<vmem>>)
      %add3A_544 = arith.constant 512 : i32
      %add3A_545 = arith.addi %mul3A_9, %add3A_544 : i32
      %dma_start3A_546 = arith.constant 8 : i32
      %dma_start3A_547 = arith.constant 1 : i32
      %dma_start3A_548 = arith.constant 0 : i32
      %dma_start3A_549 = arith.constant 0 : i32
      %dma_start3A_550 = tpu.memref_slice %arg7[%dma_start3A_546, %dma_start3A_548, %dma_start3A_549] : memref<14x64x128xf32, #tpu.memory_space<vmem>> -> memref<1x64x128xf32, #tpu.memory_space<vmem>>
      %dma_start3A_551 = tpu.memref_squeeze %dma_start3A_550 : memref<1x64x128xf32, #tpu.memory_space<vmem>> -> memref<64x128xf32, #tpu.memory_space<vmem>>
      %dma_start3A_552 = arith.constant 0 : i32
      %dma_start3A_553 = arith.constant 0 : i32
      %dma_start3A_554 = tpu.memref_slice %arg5[%dma_start3A_547, %dma_start3A_552, %dma_start3A_553] : memref<2x16384x128xf32, #tpu.memory_space<hbm>> -> memref<1x16384x128xf32, #tpu.memory_space<hbm>>
      %dma_start3A_555 = tpu.memref_squeeze %dma_start3A_554 : memref<1x16384x128xf32, #tpu.memory_space<hbm>> -> memref<16384x128xf32, #tpu.memory_space<hbm>>
      %dma_start3A_556 = arith.constant 0 : i32
      %dma_start3A_557 = tpu.memref_slice %dma_start3A_555[%add3A_545, %dma_start3A_556] : memref<16384x128xf32, #tpu.memory_space<hbm>> -> memref<64x128xf32, #tpu.memory_space<hbm>>
      %dma_start3A_558 = arith.constant 0 : i32
      %dma_start3A_559 = arith.constant 0 : i32
      %dma_start3A_560 = tpu.memref_slice %arg5[%dma_start3A_547, %dma_start3A_558, %dma_start3A_559] : memref<2x16384x128xf32, #tpu.memory_space<hbm>> -> memref<1x16384x128xf32, #tpu.memory_space<hbm>>
      %dma_start3A_561 = tpu.memref_squeeze %dma_start3A_560 : memref<1x16384x128xf32, #tpu.memory_space<hbm>> -> memref<16384x128xf32, #tpu.memory_space<hbm>>
      %dma_start3A_562 = arith.constant 0 : i32
      %dma_start3A_563 = tpu.memref_slice %dma_start3A_561[%add3A_545, %dma_start3A_562] : memref<16384x128xf32, #tpu.memory_space<hbm>> -> memref<64x128xf32, #tpu.memory_space<hbm>>
      %dma_start3A_564 = arith.constant 0 : i32
      %dma_start3A_565 = arith.constant 0 : i32
      %dma_start3A_566 = tpu.memref_slice %arg7[%dma_start3A_546, %dma_start3A_564, %dma_start3A_565] : memref<14x64x128xf32, #tpu.memory_space<vmem>> -> memref<1x64x128xf32, #tpu.memory_space<vmem>>
      %dma_start3A_567 = tpu.memref_squeeze %dma_start3A_566 : memref<1x64x128xf32, #tpu.memory_space<vmem>> -> memref<64x128xf32, #tpu.memory_space<vmem>>
      tpu.enqueue_dma source(%dma_start3A_567 : memref<64x128xf32, #tpu.memory_space<vmem>>) target(%dma_start3A_563 : memref<64x128xf32, #tpu.memory_space<hbm>>) target_semaphore(%arg16 : memref<!tpu.dma_semaphore, #tpu.memory_space<semaphore_mem>>)
      %dma_wait3A_568 = arith.constant 9 : i32
      %dma_wait3A_569 = arith.constant 9 : i32
      %dma_wait3A_570 = arith.constant 0 : i32
      %dma_wait3A_571 = arith.constant 0 : i32
      %dma_wait3A_572 = tpu.memref_slice %arg7[%dma_wait3A_569, %dma_wait3A_570, %dma_wait3A_571] : memref<14x64x128xf32, #tpu.memory_space<vmem>> -> memref<1x64x128xf32, #tpu.memory_space<vmem>>
      %dma_wait3A_573 = tpu.memref_squeeze %dma_wait3A_572 : memref<1x64x128xf32, #tpu.memory_space<vmem>> -> memref<64x128xf32, #tpu.memory_space<vmem>>
      %dma_wait3A_574 = arith.constant 0 : i32
      %dma_wait3A_575 = tpu.memref_slice %arg6[%dma_wait3A_568, %dma_wait3A_574] : memref<16x64xi32, #tpu.memory_space<vmem>> -> memref<1x64xi32, #tpu.memory_space<vmem>>
      %dma_wait3A_576 = tpu.memref_squeeze %dma_wait3A_575 : memref<1x64xi32, #tpu.memory_space<vmem>> -> memref<64xi32, #tpu.memory_space<vmem>>
      %dma_wait3A_577 = arith.constant 0 : i32
      %dma_wait3A_578 = arith.constant 0 : i32
      %dma_wait3A_579 = tpu.memref_slice %arg2[%dma_wait3A_577, %dma_wait3A_578] : memref<100000x128xf32, #tpu.memory_space<hbm>> -> memref<100000x128xf32, #tpu.memory_space<hbm>>
      tpu.wait_indirect_dma semaphore(%arg17 : memref<!tpu.dma_semaphore, #tpu.memory_space<semaphore_mem>>) src(%dma_wait3A_579 : memref<100000x128xf32, #tpu.memory_space<hbm>>) dst(%dma_wait3A_573 : memref<64x128xf32, #tpu.memory_space<vmem>>)
      %add3A_580 = arith.constant 576 : i32
      %add3A_581 = arith.addi %mul3A_9, %add3A_580 : i32
      %dma_start3A_582 = arith.constant 9 : i32
      %dma_start3A_583 = arith.constant 1 : i32
      %dma_start3A_584 = arith.constant 0 : i32
      %dma_start3A_585 = arith.constant 0 : i32
      %dma_start3A_586 = tpu.memref_slice %arg7[%dma_start3A_582, %dma_start3A_584, %dma_start3A_585] : memref<14x64x128xf32, #tpu.memory_space<vmem>> -> memref<1x64x128xf32, #tpu.memory_space<vmem>>
      %dma_start3A_587 = tpu.memref_squeeze %dma_start3A_586 : memref<1x64x128xf32, #tpu.memory_space<vmem>> -> memref<64x128xf32, #tpu.memory_space<vmem>>
      %dma_start3A_588 = arith.constant 0 : i32
      %dma_start3A_589 = arith.constant 0 : i32
      %dma_start3A_590 = tpu.memref_slice %arg5[%dma_start3A_583, %dma_start3A_588, %dma_start3A_589] : memref<2x16384x128xf32, #tpu.memory_space<hbm>> -> memref<1x16384x128xf32, #tpu.memory_space<hbm>>
      %dma_start3A_591 = tpu.memref_squeeze %dma_start3A_590 : memref<1x16384x128xf32, #tpu.memory_space<hbm>> -> memref<16384x128xf32, #tpu.memory_space<hbm>>
      %dma_start3A_592 = arith.constant 0 : i32
      %dma_start3A_593 = tpu.memref_slice %dma_start3A_591[%add3A_581, %dma_start3A_592] : memref<16384x128xf32, #tpu.memory_space<hbm>> -> memref<64x128xf32, #tpu.memory_space<hbm>>
      %dma_start3A_594 = arith.constant 0 : i32
      %dma_start3A_595 = arith.constant 0 : i32
      %dma_start3A_596 = tpu.memref_slice %arg5[%dma_start3A_583, %dma_start3A_594, %dma_start3A_595] : memref<2x16384x128xf32, #tpu.memory_space<hbm>> -> memref<1x16384x128xf32, #tpu.memory_space<hbm>>
      %dma_start3A_597 = tpu.memref_squeeze %dma_start3A_596 : memref<1x16384x128xf32, #tpu.memory_space<hbm>> -> memref<16384x128xf32, #tpu.memory_space<hbm>>
      %dma_start3A_598 = arith.constant 0 : i32
      %dma_start3A_599 = tpu.memref_slice %dma_start3A_597[%add3A_581, %dma_start3A_598] : memref<16384x128xf32, #tpu.memory_space<hbm>> -> memref<64x128xf32, #tpu.memory_space<hbm>>
      %dma_start3A_600 = arith.constant 0 : i32
      %dma_start3A_601 = arith.constant 0 : i32
      %dma_start3A_602 = tpu.memref_slice %arg7[%dma_start3A_582, %dma_start3A_600, %dma_start3A_601] : memref<14x64x128xf32, #tpu.memory_space<vmem>> -> memref<1x64x128xf32, #tpu.memory_space<vmem>>
      %dma_start3A_603 = tpu.memref_squeeze %dma_start3A_602 : memref<1x64x128xf32, #tpu.memory_space<vmem>> -> memref<64x128xf32, #tpu.memory_space<vmem>>
      tpu.enqueue_dma source(%dma_start3A_603 : memref<64x128xf32, #tpu.memory_space<vmem>>) target(%dma_start3A_599 : memref<64x128xf32, #tpu.memory_space<hbm>>) target_semaphore(%arg17 : memref<!tpu.dma_semaphore, #tpu.memory_space<semaphore_mem>>)
      %dma_wait3A_604 = arith.constant 10 : i32
      %dma_wait3A_605 = arith.constant 10 : i32
      %dma_wait3A_606 = arith.constant 0 : i32
      %dma_wait3A_607 = arith.constant 0 : i32
      %dma_wait3A_608 = tpu.memref_slice %arg7[%dma_wait3A_605, %dma_wait3A_606, %dma_wait3A_607] : memref<14x64x128xf32, #tpu.memory_space<vmem>> -> memref<1x64x128xf32, #tpu.memory_space<vmem>>
      %dma_wait3A_609 = tpu.memref_squeeze %dma_wait3A_608 : memref<1x64x128xf32, #tpu.memory_space<vmem>> -> memref<64x128xf32, #tpu.memory_space<vmem>>
      %dma_wait3A_610 = arith.constant 0 : i32
      %dma_wait3A_611 = tpu.memref_slice %arg6[%dma_wait3A_604, %dma_wait3A_610] : memref<16x64xi32, #tpu.memory_space<vmem>> -> memref<1x64xi32, #tpu.memory_space<vmem>>
      %dma_wait3A_612 = tpu.memref_squeeze %dma_wait3A_611 : memref<1x64xi32, #tpu.memory_space<vmem>> -> memref<64xi32, #tpu.memory_space<vmem>>
      %dma_wait3A_613 = arith.constant 0 : i32
      %dma_wait3A_614 = arith.constant 0 : i32
      %dma_wait3A_615 = tpu.memref_slice %arg2[%dma_wait3A_613, %dma_wait3A_614] : memref<100000x128xf32, #tpu.memory_space<hbm>> -> memref<100000x128xf32, #tpu.memory_space<hbm>>
      tpu.wait_indirect_dma semaphore(%arg18 : memref<!tpu.dma_semaphore, #tpu.memory_space<semaphore_mem>>) src(%dma_wait3A_615 : memref<100000x128xf32, #tpu.memory_space<hbm>>) dst(%dma_wait3A_609 : memref<64x128xf32, #tpu.memory_space<vmem>>)
      %add3A_616 = arith.constant 640 : i32
      %add3A_617 = arith.addi %mul3A_9, %add3A_616 : i32
      %dma_start3A_618 = arith.constant 10 : i32
      %dma_start3A_619 = arith.constant 1 : i32
      %dma_start3A_620 = arith.constant 0 : i32
      %dma_start3A_621 = arith.constant 0 : i32
      %dma_start3A_622 = tpu.memref_slice %arg7[%dma_start3A_618, %dma_start3A_620, %dma_start3A_621] : memref<14x64x128xf32, #tpu.memory_space<vmem>> -> memref<1x64x128xf32, #tpu.memory_space<vmem>>
      %dma_start3A_623 = tpu.memref_squeeze %dma_start3A_622 : memref<1x64x128xf32, #tpu.memory_space<vmem>> -> memref<64x128xf32, #tpu.memory_space<vmem>>
      %dma_start3A_624 = arith.constant 0 : i32
      %dma_start3A_625 = arith.constant 0 : i32
      %dma_start3A_626 = tpu.memref_slice %arg5[%dma_start3A_619, %dma_start3A_624, %dma_start3A_625] : memref<2x16384x128xf32, #tpu.memory_space<hbm>> -> memref<1x16384x128xf32, #tpu.memory_space<hbm>>
      %dma_start3A_627 = tpu.memref_squeeze %dma_start3A_626 : memref<1x16384x128xf32, #tpu.memory_space<hbm>> -> memref<16384x128xf32, #tpu.memory_space<hbm>>
      %dma_start3A_628 = arith.constant 0 : i32
      %dma_start3A_629 = tpu.memref_slice %dma_start3A_627[%add3A_617, %dma_start3A_628] : memref<16384x128xf32, #tpu.memory_space<hbm>> -> memref<64x128xf32, #tpu.memory_space<hbm>>
      %dma_start3A_630 = arith.constant 0 : i32
      %dma_start3A_631 = arith.constant 0 : i32
      %dma_start3A_632 = tpu.memref_slice %arg5[%dma_start3A_619, %dma_start3A_630, %dma_start3A_631] : memref<2x16384x128xf32, #tpu.memory_space<hbm>> -> memref<1x16384x128xf32, #tpu.memory_space<hbm>>
      %dma_start3A_633 = tpu.memref_squeeze %dma_start3A_632 : memref<1x16384x128xf32, #tpu.memory_space<hbm>> -> memref<16384x128xf32, #tpu.memory_space<hbm>>
      %dma_start3A_634 = arith.constant 0 : i32
      %dma_start3A_635 = tpu.memref_slice %dma_start3A_633[%add3A_617, %dma_start3A_634] : memref<16384x128xf32, #tpu.memory_space<hbm>> -> memref<64x128xf32, #tpu.memory_space<hbm>>
      %dma_start3A_636 = arith.constant 0 : i32
      %dma_start3A_637 = arith.constant 0 : i32
      %dma_start3A_638 = tpu.memref_slice %arg7[%dma_start3A_618, %dma_start3A_636, %dma_start3A_637] : memref<14x64x128xf32, #tpu.memory_space<vmem>> -> memref<1x64x128xf32, #tpu.memory_space<vmem>>
      %dma_start3A_639 = tpu.memref_squeeze %dma_start3A_638 : memref<1x64x128xf32, #tpu.memory_space<vmem>> -> memref<64x128xf32, #tpu.memory_space<vmem>>
      tpu.enqueue_dma source(%dma_start3A_639 : memref<64x128xf32, #tpu.memory_space<vmem>>) target(%dma_start3A_635 : memref<64x128xf32, #tpu.memory_space<hbm>>) target_semaphore(%arg18 : memref<!tpu.dma_semaphore, #tpu.memory_space<semaphore_mem>>)
      %dma_wait3A_640 = arith.constant 11 : i32
      %dma_wait3A_641 = arith.constant 11 : i32
      %dma_wait3A_642 = arith.constant 0 : i32
      %dma_wait3A_643 = arith.constant 0 : i32
      %dma_wait3A_644 = tpu.memref_slice %arg7[%dma_wait3A_641, %dma_wait3A_642, %dma_wait3A_643] : memref<14x64x128xf32, #tpu.memory_space<vmem>> -> memref<1x64x128xf32, #tpu.memory_space<vmem>>
      %dma_wait3A_645 = tpu.memref_squeeze %dma_wait3A_644 : memref<1x64x128xf32, #tpu.memory_space<vmem>> -> memref<64x128xf32, #tpu.memory_space<vmem>>
      %dma_wait3A_646 = arith.constant 0 : i32
      %dma_wait3A_647 = tpu.memref_slice %arg6[%dma_wait3A_640, %dma_wait3A_646] : memref<16x64xi32, #tpu.memory_space<vmem>> -> memref<1x64xi32, #tpu.memory_space<vmem>>
      %dma_wait3A_648 = tpu.memref_squeeze %dma_wait3A_647 : memref<1x64xi32, #tpu.memory_space<vmem>> -> memref<64xi32, #tpu.memory_space<vmem>>
      %dma_wait3A_649 = arith.constant 0 : i32
      %dma_wait3A_650 = arith.constant 0 : i32
      %dma_wait3A_651 = tpu.memref_slice %arg2[%dma_wait3A_649, %dma_wait3A_650] : memref<100000x128xf32, #tpu.memory_space<hbm>> -> memref<100000x128xf32, #tpu.memory_space<hbm>>
      tpu.wait_indirect_dma semaphore(%arg19 : memref<!tpu.dma_semaphore, #tpu.memory_space<semaphore_mem>>) src(%dma_wait3A_651 : memref<100000x128xf32, #tpu.memory_space<hbm>>) dst(%dma_wait3A_645 : memref<64x128xf32, #tpu.memory_space<vmem>>)
      %add3A_652 = arith.constant 704 : i32
      %add3A_653 = arith.addi %mul3A_9, %add3A_652 : i32
      %dma_start3A_654 = arith.constant 11 : i32
      %dma_start3A_655 = arith.constant 1 : i32
      %dma_start3A_656 = arith.constant 0 : i32
      %dma_start3A_657 = arith.constant 0 : i32
      %dma_start3A_658 = tpu.memref_slice %arg7[%dma_start3A_654, %dma_start3A_656, %dma_start3A_657] : memref<14x64x128xf32, #tpu.memory_space<vmem>> -> memref<1x64x128xf32, #tpu.memory_space<vmem>>
      %dma_start3A_659 = tpu.memref_squeeze %dma_start3A_658 : memref<1x64x128xf32, #tpu.memory_space<vmem>> -> memref<64x128xf32, #tpu.memory_space<vmem>>
      %dma_start3A_660 = arith.constant 0 : i32
      %dma_start3A_661 = arith.constant 0 : i32
      %dma_start3A_662 = tpu.memref_slice %arg5[%dma_start3A_655, %dma_start3A_660, %dma_start3A_661] : memref<2x16384x128xf32, #tpu.memory_space<hbm>> -> memref<1x16384x128xf32, #tpu.memory_space<hbm>>
      %dma_start3A_663 = tpu.memref_squeeze %dma_start3A_662 : memref<1x16384x128xf32, #tpu.memory_space<hbm>> -> memref<16384x128xf32, #tpu.memory_space<hbm>>
      %dma_start3A_664 = arith.constant 0 : i32
      %dma_start3A_665 = tpu.memref_slice %dma_start3A_663[%add3A_653, %dma_start3A_664] : memref<16384x128xf32, #tpu.memory_space<hbm>> -> memref<64x128xf32, #tpu.memory_space<hbm>>
      %dma_start3A_666 = arith.constant 0 : i32
      %dma_start3A_667 = arith.constant 0 : i32
      %dma_start3A_668 = tpu.memref_slice %arg5[%dma_start3A_655, %dma_start3A_666, %dma_start3A_667] : memref<2x16384x128xf32, #tpu.memory_space<hbm>> -> memref<1x16384x128xf32, #tpu.memory_space<hbm>>
      %dma_start3A_669 = tpu.memref_squeeze %dma_start3A_668 : memref<1x16384x128xf32, #tpu.memory_space<hbm>> -> memref<16384x128xf32, #tpu.memory_space<hbm>>
      %dma_start3A_670 = arith.constant 0 : i32
      %dma_start3A_671 = tpu.memref_slice %dma_start3A_669[%add3A_653, %dma_start3A_670] : memref<16384x128xf32, #tpu.memory_space<hbm>> -> memref<64x128xf32, #tpu.memory_space<hbm>>
      %dma_start3A_672 = arith.constant 0 : i32
      %dma_start3A_673 = arith.constant 0 : i32
      %dma_start3A_674 = tpu.memref_slice %arg7[%dma_start3A_654, %dma_start3A_672, %dma_start3A_673] : memref<14x64x128xf32, #tpu.memory_space<vmem>> -> memref<1x64x128xf32, #tpu.memory_space<vmem>>
      %dma_start3A_675 = tpu.memref_squeeze %dma_start3A_674 : memref<1x64x128xf32, #tpu.memory_space<vmem>> -> memref<64x128xf32, #tpu.memory_space<vmem>>
      tpu.enqueue_dma source(%dma_start3A_675 : memref<64x128xf32, #tpu.memory_space<vmem>>) target(%dma_start3A_671 : memref<64x128xf32, #tpu.memory_space<hbm>>) target_semaphore(%arg19 : memref<!tpu.dma_semaphore, #tpu.memory_space<semaphore_mem>>)
      %dma_wait3A_676 = arith.constant 12 : i32
      %dma_wait3A_677 = arith.constant 12 : i32
      %dma_wait3A_678 = arith.constant 0 : i32
      %dma_wait3A_679 = arith.constant 0 : i32
      %dma_wait3A_680 = tpu.memref_slice %arg7[%dma_wait3A_677, %dma_wait3A_678, %dma_wait3A_679] : memref<14x64x128xf32, #tpu.memory_space<vmem>> -> memref<1x64x128xf32, #tpu.memory_space<vmem>>
      %dma_wait3A_681 = tpu.memref_squeeze %dma_wait3A_680 : memref<1x64x128xf32, #tpu.memory_space<vmem>> -> memref<64x128xf32, #tpu.memory_space<vmem>>
      %dma_wait3A_682 = arith.constant 0 : i32
      %dma_wait3A_683 = tpu.memref_slice %arg6[%dma_wait3A_676, %dma_wait3A_682] : memref<16x64xi32, #tpu.memory_space<vmem>> -> memref<1x64xi32, #tpu.memory_space<vmem>>
      %dma_wait3A_684 = tpu.memref_squeeze %dma_wait3A_683 : memref<1x64xi32, #tpu.memory_space<vmem>> -> memref<64xi32, #tpu.memory_space<vmem>>
      %dma_wait3A_685 = arith.constant 0 : i32
      %dma_wait3A_686 = arith.constant 0 : i32
      %dma_wait3A_687 = tpu.memref_slice %arg2[%dma_wait3A_685, %dma_wait3A_686] : memref<100000x128xf32, #tpu.memory_space<hbm>> -> memref<100000x128xf32, #tpu.memory_space<hbm>>
      tpu.wait_indirect_dma semaphore(%arg20 : memref<!tpu.dma_semaphore, #tpu.memory_space<semaphore_mem>>) src(%dma_wait3A_687 : memref<100000x128xf32, #tpu.memory_space<hbm>>) dst(%dma_wait3A_681 : memref<64x128xf32, #tpu.memory_space<vmem>>)
      %add3A_688 = arith.constant 768 : i32
      %add3A_689 = arith.addi %mul3A_9, %add3A_688 : i32
      %dma_start3A_690 = arith.constant 12 : i32
      %dma_start3A_691 = arith.constant 1 : i32
      %dma_start3A_692 = arith.constant 0 : i32
      %dma_start3A_693 = arith.constant 0 : i32
      %dma_start3A_694 = tpu.memref_slice %arg7[%dma_start3A_690, %dma_start3A_692, %dma_start3A_693] : memref<14x64x128xf32, #tpu.memory_space<vmem>> -> memref<1x64x128xf32, #tpu.memory_space<vmem>>
      %dma_start3A_695 = tpu.memref_squeeze %dma_start3A_694 : memref<1x64x128xf32, #tpu.memory_space<vmem>> -> memref<64x128xf32, #tpu.memory_space<vmem>>
      %dma_start3A_696 = arith.constant 0 : i32
      %dma_start3A_697 = arith.constant 0 : i32
      %dma_start3A_698 = tpu.memref_slice %arg5[%dma_start3A_691, %dma_start3A_696, %dma_start3A_697] : memref<2x16384x128xf32, #tpu.memory_space<hbm>> -> memref<1x16384x128xf32, #tpu.memory_space<hbm>>
      %dma_start3A_699 = tpu.memref_squeeze %dma_start3A_698 : memref<1x16384x128xf32, #tpu.memory_space<hbm>> -> memref<16384x128xf32, #tpu.memory_space<hbm>>
      %dma_start3A_700 = arith.constant 0 : i32
      %dma_start3A_701 = tpu.memref_slice %dma_start3A_699[%add3A_689, %dma_start3A_700] : memref<16384x128xf32, #tpu.memory_space<hbm>> -> memref<64x128xf32, #tpu.memory_space<hbm>>
      %dma_start3A_702 = arith.constant 0 : i32
      %dma_start3A_703 = arith.constant 0 : i32
      %dma_start3A_704 = tpu.memref_slice %arg5[%dma_start3A_691, %dma_start3A_702, %dma_start3A_703] : memref<2x16384x128xf32, #tpu.memory_space<hbm>> -> memref<1x16384x128xf32, #tpu.memory_space<hbm>>
      %dma_start3A_705 = tpu.memref_squeeze %dma_start3A_704 : memref<1x16384x128xf32, #tpu.memory_space<hbm>> -> memref<16384x128xf32, #tpu.memory_space<hbm>>
      %dma_start3A_706 = arith.constant 0 : i32
      %dma_start3A_707 = tpu.memref_slice %dma_start3A_705[%add3A_689, %dma_start3A_706] : memref<16384x128xf32, #tpu.memory_space<hbm>> -> memref<64x128xf32, #tpu.memory_space<hbm>>
      %dma_start3A_708 = arith.constant 0 : i32
      %dma_start3A_709 = arith.constant 0 : i32
      %dma_start3A_710 = tpu.memref_slice %arg7[%dma_start3A_690, %dma_start3A_708, %dma_start3A_709] : memref<14x64x128xf32, #tpu.memory_space<vmem>> -> memref<1x64x128xf32, #tpu.memory_space<vmem>>
      %dma_start3A_711 = tpu.memref_squeeze %dma_start3A_710 : memref<1x64x128xf32, #tpu.memory_space<vmem>> -> memref<64x128xf32, #tpu.memory_space<vmem>>
      tpu.enqueue_dma source(%dma_start3A_711 : memref<64x128xf32, #tpu.memory_space<vmem>>) target(%dma_start3A_707 : memref<64x128xf32, #tpu.memory_space<hbm>>) target_semaphore(%arg20 : memref<!tpu.dma_semaphore, #tpu.memory_space<semaphore_mem>>)
      %dma_wait3A_712 = arith.constant 13 : i32
      %dma_wait3A_713 = arith.constant 13 : i32
      %dma_wait3A_714 = arith.constant 0 : i32
      %dma_wait3A_715 = arith.constant 0 : i32
      %dma_wait3A_716 = tpu.memref_slice %arg7[%dma_wait3A_713, %dma_wait3A_714, %dma_wait3A_715] : memref<14x64x128xf32, #tpu.memory_space<vmem>> -> memref<1x64x128xf32, #tpu.memory_space<vmem>>
      %dma_wait3A_717 = tpu.memref_squeeze %dma_wait3A_716 : memref<1x64x128xf32, #tpu.memory_space<vmem>> -> memref<64x128xf32, #tpu.memory_space<vmem>>
      %dma_wait3A_718 = arith.constant 0 : i32
      %dma_wait3A_719 = tpu.memref_slice %arg6[%dma_wait3A_712, %dma_wait3A_718] : memref<16x64xi32, #tpu.memory_space<vmem>> -> memref<1x64xi32, #tpu.memory_space<vmem>>
      %dma_wait3A_720 = tpu.memref_squeeze %dma_wait3A_719 : memref<1x64xi32, #tpu.memory_space<vmem>> -> memref<64xi32, #tpu.memory_space<vmem>>
      %dma_wait3A_721 = arith.constant 0 : i32
      %dma_wait3A_722 = arith.constant 0 : i32
      %dma_wait3A_723 = tpu.memref_slice %arg2[%dma_wait3A_721, %dma_wait3A_722] : memref<100000x128xf32, #tpu.memory_space<hbm>> -> memref<100000x128xf32, #tpu.memory_space<hbm>>
      tpu.wait_indirect_dma semaphore(%arg21 : memref<!tpu.dma_semaphore, #tpu.memory_space<semaphore_mem>>) src(%dma_wait3A_723 : memref<100000x128xf32, #tpu.memory_space<hbm>>) dst(%dma_wait3A_717 : memref<64x128xf32, #tpu.memory_space<vmem>>)
      %add3A_724 = arith.constant 832 : i32
      %add3A_725 = arith.addi %mul3A_9, %add3A_724 : i32
      %dma_start3A_726 = arith.constant 13 : i32
      %dma_start3A_727 = arith.constant 1 : i32
      %dma_start3A_728 = arith.constant 0 : i32
      %dma_start3A_729 = arith.constant 0 : i32
      %dma_start3A_730 = tpu.memref_slice %arg7[%dma_start3A_726, %dma_start3A_728, %dma_start3A_729] : memref<14x64x128xf32, #tpu.memory_space<vmem>> -> memref<1x64x128xf32, #tpu.memory_space<vmem>>
      %dma_start3A_731 = tpu.memref_squeeze %dma_start3A_730 : memref<1x64x128xf32, #tpu.memory_space<vmem>> -> memref<64x128xf32, #tpu.memory_space<vmem>>
      %dma_start3A_732 = arith.constant 0 : i32
      %dma_start3A_733 = arith.constant 0 : i32
      %dma_start3A_734 = tpu.memref_slice %arg5[%dma_start3A_727, %dma_start3A_732, %dma_start3A_733] : memref<2x16384x128xf32, #tpu.memory_space<hbm>> -> memref<1x16384x128xf32, #tpu.memory_space<hbm>>
      %dma_start3A_735 = tpu.memref_squeeze %dma_start3A_734 : memref<1x16384x128xf32, #tpu.memory_space<hbm>> -> memref<16384x128xf32, #tpu.memory_space<hbm>>
      %dma_start3A_736 = arith.constant 0 : i32
      %dma_start3A_737 = tpu.memref_slice %dma_start3A_735[%add3A_725, %dma_start3A_736] : memref<16384x128xf32, #tpu.memory_space<hbm>> -> memref<64x128xf32, #tpu.memory_space<hbm>>
      %dma_start3A_738 = arith.constant 0 : i32
      %dma_start3A_739 = arith.constant 0 : i32
      %dma_start3A_740 = tpu.memref_slice %arg5[%dma_start3A_727, %dma_start3A_738, %dma_start3A_739] : memref<2x16384x128xf32, #tpu.memory_space<hbm>> -> memref<1x16384x128xf32, #tpu.memory_space<hbm>>
      %dma_start3A_741 = tpu.memref_squeeze %dma_start3A_740 : memref<1x16384x128xf32, #tpu.memory_space<hbm>> -> memref<16384x128xf32, #tpu.memory_space<hbm>>
      %dma_start3A_742 = arith.constant 0 : i32
      %dma_start3A_743 = tpu.memref_slice %dma_start3A_741[%add3A_725, %dma_start3A_742] : memref<16384x128xf32, #tpu.memory_space<hbm>> -> memref<64x128xf32, #tpu.memory_space<hbm>>
      %dma_start3A_744 = arith.constant 0 : i32
      %dma_start3A_745 = arith.constant 0 : i32
      %dma_start3A_746 = tpu.memref_slice %arg7[%dma_start3A_726, %dma_start3A_744, %dma_start3A_745] : memref<14x64x128xf32, #tpu.memory_space<vmem>> -> memref<1x64x128xf32, #tpu.memory_space<vmem>>
      %dma_start3A_747 = tpu.memref_squeeze %dma_start3A_746 : memref<1x64x128xf32, #tpu.memory_space<vmem>> -> memref<64x128xf32, #tpu.memory_space<vmem>>
      tpu.enqueue_dma source(%dma_start3A_747 : memref<64x128xf32, #tpu.memory_space<vmem>>) target(%dma_start3A_743 : memref<64x128xf32, #tpu.memory_space<hbm>>) target_semaphore(%arg21 : memref<!tpu.dma_semaphore, #tpu.memory_space<semaphore_mem>>)
      %dma_wait3A_748 = arith.constant 14 : i32
      %dma_wait3A_749 = arith.constant 0 : i32
      %dma_wait3A_750 = arith.constant 0 : i32
      %dma_wait3A_751 = arith.constant 0 : i32
      %dma_wait3A_752 = tpu.memref_slice %arg7[%dma_wait3A_749, %dma_wait3A_750, %dma_wait3A_751] : memref<14x64x128xf32, #tpu.memory_space<vmem>> -> memref<1x64x128xf32, #tpu.memory_space<vmem>>
      %dma_wait3A_753 = tpu.memref_squeeze %dma_wait3A_752 : memref<1x64x128xf32, #tpu.memory_space<vmem>> -> memref<64x128xf32, #tpu.memory_space<vmem>>
      %dma_wait3A_754 = arith.constant 0 : i32
      %dma_wait3A_755 = tpu.memref_slice %arg6[%dma_wait3A_748, %dma_wait3A_754] : memref<16x64xi32, #tpu.memory_space<vmem>> -> memref<1x64xi32, #tpu.memory_space<vmem>>
      %dma_wait3A_756 = tpu.memref_squeeze %dma_wait3A_755 : memref<1x64xi32, #tpu.memory_space<vmem>> -> memref<64xi32, #tpu.memory_space<vmem>>
      %dma_wait3A_757 = arith.constant 0 : i32
      %dma_wait3A_758 = arith.constant 0 : i32
      %dma_wait3A_759 = tpu.memref_slice %arg2[%dma_wait3A_757, %dma_wait3A_758] : memref<100000x128xf32, #tpu.memory_space<hbm>> -> memref<100000x128xf32, #tpu.memory_space<hbm>>
      tpu.wait_indirect_dma semaphore(%arg8 : memref<!tpu.dma_semaphore, #tpu.memory_space<semaphore_mem>>) src(%dma_wait3A_759 : memref<100000x128xf32, #tpu.memory_space<hbm>>) dst(%dma_wait3A_753 : memref<64x128xf32, #tpu.memory_space<vmem>>)
      %add3A_760 = arith.constant 896 : i32
      %add3A_761 = arith.addi %mul3A_9, %add3A_760 : i32
      %dma_start3A_762 = arith.constant 0 : i32
      %dma_start3A_763 = arith.constant 1 : i32
      %dma_start3A_764 = arith.constant 0 : i32
      %dma_start3A_765 = arith.constant 0 : i32
      %dma_start3A_766 = tpu.memref_slice %arg7[%dma_start3A_762, %dma_start3A_764, %dma_start3A_765] : memref<14x64x128xf32, #tpu.memory_space<vmem>> -> memref<1x64x128xf32, #tpu.memory_space<vmem>>
      %dma_start3A_767 = tpu.memref_squeeze %dma_start3A_766 : memref<1x64x128xf32, #tpu.memory_space<vmem>> -> memref<64x128xf32, #tpu.memory_space<vmem>>
      %dma_start3A_768 = arith.constant 0 : i32
      %dma_start3A_769 = arith.constant 0 : i32
      %dma_start3A_770 = tpu.memref_slice %arg5[%dma_start3A_763, %dma_start3A_768, %dma_start3A_769] : memref<2x16384x128xf32, #tpu.memory_space<hbm>> -> memref<1x16384x128xf32, #tpu.memory_space<hbm>>
      %dma_start3A_771 = tpu.memref_squeeze %dma_start3A_770 : memref<1x16384x128xf32, #tpu.memory_space<hbm>> -> memref<16384x128xf32, #tpu.memory_space<hbm>>
      %dma_start3A_772 = arith.constant 0 : i32
      %dma_start3A_773 = tpu.memref_slice %dma_start3A_771[%add3A_761, %dma_start3A_772] : memref<16384x128xf32, #tpu.memory_space<hbm>> -> memref<64x128xf32, #tpu.memory_space<hbm>>
      %dma_start3A_774 = arith.constant 0 : i32
      %dma_start3A_775 = arith.constant 0 : i32
      %dma_start3A_776 = tpu.memref_slice %arg5[%dma_start3A_763, %dma_start3A_774, %dma_start3A_775] : memref<2x16384x128xf32, #tpu.memory_space<hbm>> -> memref<1x16384x128xf32, #tpu.memory_space<hbm>>
      %dma_start3A_777 = tpu.memref_squeeze %dma_start3A_776 : memref<1x16384x128xf32, #tpu.memory_space<hbm>> -> memref<16384x128xf32, #tpu.memory_space<hbm>>
      %dma_start3A_778 = arith.constant 0 : i32
      %dma_start3A_779 = tpu.memref_slice %dma_start3A_777[%add3A_761, %dma_start3A_778] : memref<16384x128xf32, #tpu.memory_space<hbm>> -> memref<64x128xf32, #tpu.memory_space<hbm>>
      %dma_start3A_780 = arith.constant 0 : i32
      %dma_start3A_781 = arith.constant 0 : i32
      %dma_start3A_782 = tpu.memref_slice %arg7[%dma_start3A_762, %dma_start3A_780, %dma_start3A_781] : memref<14x64x128xf32, #tpu.memory_space<vmem>> -> memref<1x64x128xf32, #tpu.memory_space<vmem>>
      %dma_start3A_783 = tpu.memref_squeeze %dma_start3A_782 : memref<1x64x128xf32, #tpu.memory_space<vmem>> -> memref<64x128xf32, #tpu.memory_space<vmem>>
      tpu.enqueue_dma source(%dma_start3A_783 : memref<64x128xf32, #tpu.memory_space<vmem>>) target(%dma_start3A_779 : memref<64x128xf32, #tpu.memory_space<hbm>>) target_semaphore(%arg8 : memref<!tpu.dma_semaphore, #tpu.memory_space<semaphore_mem>>)
      %dma_wait3A_784 = arith.constant 15 : i32
      %dma_wait3A_785 = arith.constant 1 : i32
      %dma_wait3A_786 = arith.constant 0 : i32
      %dma_wait3A_787 = arith.constant 0 : i32
      %dma_wait3A_788 = tpu.memref_slice %arg7[%dma_wait3A_785, %dma_wait3A_786, %dma_wait3A_787] : memref<14x64x128xf32, #tpu.memory_space<vmem>> -> memref<1x64x128xf32, #tpu.memory_space<vmem>>
      %dma_wait3A_789 = tpu.memref_squeeze %dma_wait3A_788 : memref<1x64x128xf32, #tpu.memory_space<vmem>> -> memref<64x128xf32, #tpu.memory_space<vmem>>
      %dma_wait3A_790 = arith.constant 0 : i32
      %dma_wait3A_791 = tpu.memref_slice %arg6[%dma_wait3A_784, %dma_wait3A_790] : memref<16x64xi32, #tpu.memory_space<vmem>> -> memref<1x64xi32, #tpu.memory_space<vmem>>
      %dma_wait3A_792 = tpu.memref_squeeze %dma_wait3A_791 : memref<1x64xi32, #tpu.memory_space<vmem>> -> memref<64xi32, #tpu.memory_space<vmem>>
      %dma_wait3A_793 = arith.constant 0 : i32
      %dma_wait3A_794 = arith.constant 0 : i32
      %dma_wait3A_795 = tpu.memref_slice %arg2[%dma_wait3A_793, %dma_wait3A_794] : memref<100000x128xf32, #tpu.memory_space<hbm>> -> memref<100000x128xf32, #tpu.memory_space<hbm>>
      tpu.wait_indirect_dma semaphore(%arg9 : memref<!tpu.dma_semaphore, #tpu.memory_space<semaphore_mem>>) src(%dma_wait3A_795 : memref<100000x128xf32, #tpu.memory_space<hbm>>) dst(%dma_wait3A_789 : memref<64x128xf32, #tpu.memory_space<vmem>>)
      %add3A_796 = arith.constant 960 : i32
      %add3A_797 = arith.addi %mul3A_9, %add3A_796 : i32
      %dma_start3A_798 = arith.constant 1 : i32
      %dma_start3A_799 = arith.constant 1 : i32
      %dma_start3A_800 = arith.constant 0 : i32
      %dma_start3A_801 = arith.constant 0 : i32
      %dma_start3A_802 = tpu.memref_slice %arg7[%dma_start3A_798, %dma_start3A_800, %dma_start3A_801] : memref<14x64x128xf32, #tpu.memory_space<vmem>> -> memref<1x64x128xf32, #tpu.memory_space<vmem>>
      %dma_start3A_803 = tpu.memref_squeeze %dma_start3A_802 : memref<1x64x128xf32, #tpu.memory_space<vmem>> -> memref<64x128xf32, #tpu.memory_space<vmem>>
      %dma_start3A_804 = arith.constant 0 : i32
      %dma_start3A_805 = arith.constant 0 : i32
      %dma_start3A_806 = tpu.memref_slice %arg5[%dma_start3A_799, %dma_start3A_804, %dma_start3A_805] : memref<2x16384x128xf32, #tpu.memory_space<hbm>> -> memref<1x16384x128xf32, #tpu.memory_space<hbm>>
      %dma_start3A_807 = tpu.memref_squeeze %dma_start3A_806 : memref<1x16384x128xf32, #tpu.memory_space<hbm>> -> memref<16384x128xf32, #tpu.memory_space<hbm>>
      %dma_start3A_808 = arith.constant 0 : i32
      %dma_start3A_809 = tpu.memref_slice %dma_start3A_807[%add3A_797, %dma_start3A_808] : memref<16384x128xf32, #tpu.memory_space<hbm>> -> memref<64x128xf32, #tpu.memory_space<hbm>>
      %dma_start3A_810 = arith.constant 0 : i32
      %dma_start3A_811 = arith.constant 0 : i32
      %dma_start3A_812 = tpu.memref_slice %arg5[%dma_start3A_799, %dma_start3A_810, %dma_start3A_811] : memref<2x16384x128xf32, #tpu.memory_space<hbm>> -> memref<1x16384x128xf32, #tpu.memory_space<hbm>>
      %dma_start3A_813 = tpu.memref_squeeze %dma_start3A_812 : memref<1x16384x128xf32, #tpu.memory_space<hbm>> -> memref<16384x128xf32, #tpu.memory_space<hbm>>
      %dma_start3A_814 = arith.constant 0 : i32
      %dma_start3A_815 = tpu.memref_slice %dma_start3A_813[%add3A_797, %dma_start3A_814] : memref<16384x128xf32, #tpu.memory_space<hbm>> -> memref<64x128xf32, #tpu.memory_space<hbm>>
      %dma_start3A_816 = arith.constant 0 : i32
      %dma_start3A_817 = arith.constant 0 : i32
      %dma_start3A_818 = tpu.memref_slice %arg7[%dma_start3A_798, %dma_start3A_816, %dma_start3A_817] : memref<14x64x128xf32, #tpu.memory_space<vmem>> -> memref<1x64x128xf32, #tpu.memory_space<vmem>>
      %dma_start3A_819 = tpu.memref_squeeze %dma_start3A_818 : memref<1x64x128xf32, #tpu.memory_space<vmem>> -> memref<64x128xf32, #tpu.memory_space<vmem>>
      tpu.enqueue_dma source(%dma_start3A_819 : memref<64x128xf32, #tpu.memory_space<vmem>>) target(%dma_start3A_815 : memref<64x128xf32, #tpu.memory_space<hbm>>) target_semaphore(%arg9 : memref<!tpu.dma_semaphore, #tpu.memory_space<semaphore_mem>>)
      %dma_wait3A_820 = arith.constant 2 : i32
      %dma_wait3A_821 = arith.constant 1 : i32
      %dma_wait3A_822 = arith.constant 0 : i32
      %dma_wait3A_823 = arith.constant 0 : i32
      %dma_wait3A_824 = tpu.memref_slice %arg7[%dma_wait3A_820, %dma_wait3A_822, %dma_wait3A_823] : memref<14x64x128xf32, #tpu.memory_space<vmem>> -> memref<1x64x128xf32, #tpu.memory_space<vmem>>
      %dma_wait3A_825 = tpu.memref_squeeze %dma_wait3A_824 : memref<1x64x128xf32, #tpu.memory_space<vmem>> -> memref<64x128xf32, #tpu.memory_space<vmem>>
      %dma_wait3A_826 = arith.constant 0 : i32
      %dma_wait3A_827 = arith.constant 0 : i32
      %dma_wait3A_828 = tpu.memref_slice %arg5[%dma_wait3A_821, %dma_wait3A_826, %dma_wait3A_827] : memref<2x16384x128xf32, #tpu.memory_space<hbm>> -> memref<1x16384x128xf32, #tpu.memory_space<hbm>>
      %dma_wait3A_829 = tpu.memref_squeeze %dma_wait3A_828 : memref<1x16384x128xf32, #tpu.memory_space<hbm>> -> memref<16384x128xf32, #tpu.memory_space<hbm>>
      %dma_wait3A_830 = arith.constant 0 : i32
      %dma_wait3A_831 = tpu.memref_slice %dma_wait3A_829[%add3A_295, %dma_wait3A_830] : memref<16384x128xf32, #tpu.memory_space<hbm>> -> memref<64x128xf32, #tpu.memory_space<hbm>>
      %dma_wait3A_832 = arith.constant 0 : i32
      %dma_wait3A_833 = arith.constant 0 : i32
      %dma_wait3A_834 = tpu.memref_slice %arg5[%dma_wait3A_821, %dma_wait3A_832, %dma_wait3A_833] : memref<2x16384x128xf32, #tpu.memory_space<hbm>> -> memref<1x16384x128xf32, #tpu.memory_space<hbm>>
      %dma_wait3A_835 = tpu.memref_squeeze %dma_wait3A_834 : memref<1x16384x128xf32, #tpu.memory_space<hbm>> -> memref<16384x128xf32, #tpu.memory_space<hbm>>
      %dma_wait3A_836 = arith.constant 0 : i32
      %dma_wait3A_837 = tpu.memref_slice %dma_wait3A_835[%add3A_295, %dma_wait3A_836] : memref<16384x128xf32, #tpu.memory_space<hbm>> -> memref<64x128xf32, #tpu.memory_space<hbm>>
      %dma_wait3A_838 = arith.constant 0 : i32
      %dma_wait3A_839 = arith.constant 0 : i32
      %dma_wait3A_840 = tpu.memref_slice %arg7[%dma_wait3A_820, %dma_wait3A_838, %dma_wait3A_839] : memref<14x64x128xf32, #tpu.memory_space<vmem>> -> memref<1x64x128xf32, #tpu.memory_space<vmem>>
      %dma_wait3A_841 = tpu.memref_squeeze %dma_wait3A_840 : memref<1x64x128xf32, #tpu.memory_space<vmem>> -> memref<64x128xf32, #tpu.memory_space<vmem>>
      tpu.wait_dma2 semaphore(%arg10 : memref<!tpu.dma_semaphore, #tpu.memory_space<semaphore_mem>>) src(%dma_wait3A_841 : memref<64x128xf32, #tpu.memory_space<vmem>>) dst(%dma_wait3A_837 : memref<64x128xf32, #tpu.memory_space<hbm>>)
      %dma_wait3A_842 = arith.constant 3 : i32
      %dma_wait3A_843 = arith.constant 1 : i32
      %dma_wait3A_844 = arith.constant 0 : i32
      %dma_wait3A_845 = arith.constant 0 : i32
      %dma_wait3A_846 = tpu.memref_slice %arg7[%dma_wait3A_842, %dma_wait3A_844, %dma_wait3A_845] : memref<14x64x128xf32, #tpu.memory_space<vmem>> -> memref<1x64x128xf32, #tpu.memory_space<vmem>>
      %dma_wait3A_847 = tpu.memref_squeeze %dma_wait3A_846 : memref<1x64x128xf32, #tpu.memory_space<vmem>> -> memref<64x128xf32, #tpu.memory_space<vmem>>
      %dma_wait3A_848 = arith.constant 0 : i32
      %dma_wait3A_849 = arith.constant 0 : i32
      %dma_wait3A_850 = tpu.memref_slice %arg5[%dma_wait3A_843, %dma_wait3A_848, %dma_wait3A_849] : memref<2x16384x128xf32, #tpu.memory_space<hbm>> -> memref<1x16384x128xf32, #tpu.memory_space<hbm>>
      %dma_wait3A_851 = tpu.memref_squeeze %dma_wait3A_850 : memref<1x16384x128xf32, #tpu.memory_space<hbm>> -> memref<16384x128xf32, #tpu.memory_space<hbm>>
      %dma_wait3A_852 = arith.constant 0 : i32
      %dma_wait3A_853 = tpu.memref_slice %dma_wait3A_851[%add3A_365, %dma_wait3A_852] : memref<16384x128xf32, #tpu.memory_space<hbm>> -> memref<64x128xf32, #tpu.memory_space<hbm>>
      %dma_wait3A_854 = arith.constant 0 : i32
      %dma_wait3A_855 = arith.constant 0 : i32
      %dma_wait3A_856 = tpu.memref_slice %arg5[%dma_wait3A_843, %dma_wait3A_854, %dma_wait3A_855] : memref<2x16384x128xf32, #tpu.memory_space<hbm>> -> memref<1x16384x128xf32, #tpu.memory_space<hbm>>
      %dma_wait3A_857 = tpu.memref_squeeze %dma_wait3A_856 : memref<1x16384x128xf32, #tpu.memory_space<hbm>> -> memref<16384x128xf32, #tpu.memory_space<hbm>>
      %dma_wait3A_858 = arith.constant 0 : i32
      %dma_wait3A_859 = tpu.memref_slice %dma_wait3A_857[%add3A_365, %dma_wait3A_858] : memref<16384x128xf32, #tpu.memory_space<hbm>> -> memref<64x128xf32, #tpu.memory_space<hbm>>
      %dma_wait3A_860 = arith.constant 0 : i32
      %dma_wait3A_861 = arith.constant 0 : i32
      %dma_wait3A_862 = tpu.memref_slice %arg7[%dma_wait3A_842, %dma_wait3A_860, %dma_wait3A_861] : memref<14x64x128xf32, #tpu.memory_space<vmem>> -> memref<1x64x128xf32, #tpu.memory_space<vmem>>
      %dma_wait3A_863 = tpu.memref_squeeze %dma_wait3A_862 : memref<1x64x128xf32, #tpu.memory_space<vmem>> -> memref<64x128xf32, #tpu.memory_space<vmem>>
      tpu.wait_dma2 semaphore(%arg11 : memref<!tpu.dma_semaphore, #tpu.memory_space<semaphore_mem>>) src(%dma_wait3A_863 : memref<64x128xf32, #tpu.memory_space<vmem>>) dst(%dma_wait3A_859 : memref<64x128xf32, #tpu.memory_space<hbm>>)
      %dma_wait3A_864 = arith.constant 4 : i32
      %dma_wait3A_865 = arith.constant 1 : i32
      %dma_wait3A_866 = arith.constant 0 : i32
      %dma_wait3A_867 = arith.constant 0 : i32
      %dma_wait3A_868 = tpu.memref_slice %arg7[%dma_wait3A_864, %dma_wait3A_866, %dma_wait3A_867] : memref<14x64x128xf32, #tpu.memory_space<vmem>> -> memref<1x64x128xf32, #tpu.memory_space<vmem>>
      %dma_wait3A_869 = tpu.memref_squeeze %dma_wait3A_868 : memref<1x64x128xf32, #tpu.memory_space<vmem>> -> memref<64x128xf32, #tpu.memory_space<vmem>>
      %dma_wait3A_870 = arith.constant 0 : i32
      %dma_wait3A_871 = arith.constant 0 : i32
      %dma_wait3A_872 = tpu.memref_slice %arg5[%dma_wait3A_865, %dma_wait3A_870, %dma_wait3A_871] : memref<2x16384x128xf32, #tpu.memory_space<hbm>> -> memref<1x16384x128xf32, #tpu.memory_space<hbm>>
      %dma_wait3A_873 = tpu.memref_squeeze %dma_wait3A_872 : memref<1x16384x128xf32, #tpu.memory_space<hbm>> -> memref<16384x128xf32, #tpu.memory_space<hbm>>
      %dma_wait3A_874 = arith.constant 0 : i32
      %dma_wait3A_875 = tpu.memref_slice %dma_wait3A_873[%add3A_401, %dma_wait3A_874] : memref<16384x128xf32, #tpu.memory_space<hbm>> -> memref<64x128xf32, #tpu.memory_space<hbm>>
      %dma_wait3A_876 = arith.constant 0 : i32
      %dma_wait3A_877 = arith.constant 0 : i32
      %dma_wait3A_878 = tpu.memref_slice %arg5[%dma_wait3A_865, %dma_wait3A_876, %dma_wait3A_877] : memref<2x16384x128xf32, #tpu.memory_space<hbm>> -> memref<1x16384x128xf32, #tpu.memory_space<hbm>>
      %dma_wait3A_879 = tpu.memref_squeeze %dma_wait3A_878 : memref<1x16384x128xf32, #tpu.memory_space<hbm>> -> memref<16384x128xf32, #tpu.memory_space<hbm>>
      %dma_wait3A_880 = arith.constant 0 : i32
      %dma_wait3A_881 = tpu.memref_slice %dma_wait3A_879[%add3A_401, %dma_wait3A_880] : memref<16384x128xf32, #tpu.memory_space<hbm>> -> memref<64x128xf32, #tpu.memory_space<hbm>>
      %dma_wait3A_882 = arith.constant 0 : i32
      %dma_wait3A_883 = arith.constant 0 : i32
      %dma_wait3A_884 = tpu.memref_slice %arg7[%dma_wait3A_864, %dma_wait3A_882, %dma_wait3A_883] : memref<14x64x128xf32, #tpu.memory_space<vmem>> -> memref<1x64x128xf32, #tpu.memory_space<vmem>>
      %dma_wait3A_885 = tpu.memref_squeeze %dma_wait3A_884 : memref<1x64x128xf32, #tpu.memory_space<vmem>> -> memref<64x128xf32, #tpu.memory_space<vmem>>
      tpu.wait_dma2 semaphore(%arg12 : memref<!tpu.dma_semaphore, #tpu.memory_space<semaphore_mem>>) src(%dma_wait3A_885 : memref<64x128xf32, #tpu.memory_space<vmem>>) dst(%dma_wait3A_881 : memref<64x128xf32, #tpu.memory_space<hbm>>)
      %dma_wait3A_886 = arith.constant 5 : i32
      %dma_wait3A_887 = arith.constant 1 : i32
      %dma_wait3A_888 = arith.constant 0 : i32
      %dma_wait3A_889 = arith.constant 0 : i32
      %dma_wait3A_890 = tpu.memref_slice %arg7[%dma_wait3A_886, %dma_wait3A_888, %dma_wait3A_889] : memref<14x64x128xf32, #tpu.memory_space<vmem>> -> memref<1x64x128xf32, #tpu.memory_space<vmem>>
      %dma_wait3A_891 = tpu.memref_squeeze %dma_wait3A_890 : memref<1x64x128xf32, #tpu.memory_space<vmem>> -> memref<64x128xf32, #tpu.memory_space<vmem>>
      %dma_wait3A_892 = arith.constant 0 : i32
      %dma_wait3A_893 = arith.constant 0 : i32
      %dma_wait3A_894 = tpu.memref_slice %arg5[%dma_wait3A_887, %dma_wait3A_892, %dma_wait3A_893] : memref<2x16384x128xf32, #tpu.memory_space<hbm>> -> memref<1x16384x128xf32, #tpu.memory_space<hbm>>
      %dma_wait3A_895 = tpu.memref_squeeze %dma_wait3A_894 : memref<1x16384x128xf32, #tpu.memory_space<hbm>> -> memref<16384x128xf32, #tpu.memory_space<hbm>>
      %dma_wait3A_896 = arith.constant 0 : i32
      %dma_wait3A_897 = tpu.memref_slice %dma_wait3A_895[%add3A_437, %dma_wait3A_896] : memref<16384x128xf32, #tpu.memory_space<hbm>> -> memref<64x128xf32, #tpu.memory_space<hbm>>
      %dma_wait3A_898 = arith.constant 0 : i32
      %dma_wait3A_899 = arith.constant 0 : i32
      %dma_wait3A_900 = tpu.memref_slice %arg5[%dma_wait3A_887, %dma_wait3A_898, %dma_wait3A_899] : memref<2x16384x128xf32, #tpu.memory_space<hbm>> -> memref<1x16384x128xf32, #tpu.memory_space<hbm>>
      %dma_wait3A_901 = tpu.memref_squeeze %dma_wait3A_900 : memref<1x16384x128xf32, #tpu.memory_space<hbm>> -> memref<16384x128xf32, #tpu.memory_space<hbm>>
      %dma_wait3A_902 = arith.constant 0 : i32
      %dma_wait3A_903 = tpu.memref_slice %dma_wait3A_901[%add3A_437, %dma_wait3A_902] : memref<16384x128xf32, #tpu.memory_space<hbm>> -> memref<64x128xf32, #tpu.memory_space<hbm>>
      %dma_wait3A_904 = arith.constant 0 : i32
      %dma_wait3A_905 = arith.constant 0 : i32
      %dma_wait3A_906 = tpu.memref_slice %arg7[%dma_wait3A_886, %dma_wait3A_904, %dma_wait3A_905] : memref<14x64x128xf32, #tpu.memory_space<vmem>> -> memref<1x64x128xf32, #tpu.memory_space<vmem>>
      %dma_wait3A_907 = tpu.memref_squeeze %dma_wait3A_906 : memref<1x64x128xf32, #tpu.memory_space<vmem>> -> memref<64x128xf32, #tpu.memory_space<vmem>>
      tpu.wait_dma2 semaphore(%arg13 : memref<!tpu.dma_semaphore, #tpu.memory_space<semaphore_mem>>) src(%dma_wait3A_907 : memref<64x128xf32, #tpu.memory_space<vmem>>) dst(%dma_wait3A_903 : memref<64x128xf32, #tpu.memory_space<hbm>>)
      %dma_wait3A_908 = arith.constant 6 : i32
      %dma_wait3A_909 = arith.constant 1 : i32
      %dma_wait3A_910 = arith.constant 0 : i32
      %dma_wait3A_911 = arith.constant 0 : i32
      %dma_wait3A_912 = tpu.memref_slice %arg7[%dma_wait3A_908, %dma_wait3A_910, %dma_wait3A_911] : memref<14x64x128xf32, #tpu.memory_space<vmem>> -> memref<1x64x128xf32, #tpu.memory_space<vmem>>
      %dma_wait3A_913 = tpu.memref_squeeze %dma_wait3A_912 : memref<1x64x128xf32, #tpu.memory_space<vmem>> -> memref<64x128xf32, #tpu.memory_space<vmem>>
      %dma_wait3A_914 = arith.constant 0 : i32
      %dma_wait3A_915 = arith.constant 0 : i32
      %dma_wait3A_916 = tpu.memref_slice %arg5[%dma_wait3A_909, %dma_wait3A_914, %dma_wait3A_915] : memref<2x16384x128xf32, #tpu.memory_space<hbm>> -> memref<1x16384x128xf32, #tpu.memory_space<hbm>>
      %dma_wait3A_917 = tpu.memref_squeeze %dma_wait3A_916 : memref<1x16384x128xf32, #tpu.memory_space<hbm>> -> memref<16384x128xf32, #tpu.memory_space<hbm>>
      %dma_wait3A_918 = arith.constant 0 : i32
      %dma_wait3A_919 = tpu.memref_slice %dma_wait3A_917[%add3A_473, %dma_wait3A_918] : memref<16384x128xf32, #tpu.memory_space<hbm>> -> memref<64x128xf32, #tpu.memory_space<hbm>>
      %dma_wait3A_920 = arith.constant 0 : i32
      %dma_wait3A_921 = arith.constant 0 : i32
      %dma_wait3A_922 = tpu.memref_slice %arg5[%dma_wait3A_909, %dma_wait3A_920, %dma_wait3A_921] : memref<2x16384x128xf32, #tpu.memory_space<hbm>> -> memref<1x16384x128xf32, #tpu.memory_space<hbm>>
      %dma_wait3A_923 = tpu.memref_squeeze %dma_wait3A_922 : memref<1x16384x128xf32, #tpu.memory_space<hbm>> -> memref<16384x128xf32, #tpu.memory_space<hbm>>
      %dma_wait3A_924 = arith.constant 0 : i32
      %dma_wait3A_925 = tpu.memref_slice %dma_wait3A_923[%add3A_473, %dma_wait3A_924] : memref<16384x128xf32, #tpu.memory_space<hbm>> -> memref<64x128xf32, #tpu.memory_space<hbm>>
      %dma_wait3A_926 = arith.constant 0 : i32
      %dma_wait3A_927 = arith.constant 0 : i32
      %dma_wait3A_928 = tpu.memref_slice %arg7[%dma_wait3A_908, %dma_wait3A_926, %dma_wait3A_927] : memref<14x64x128xf32, #tpu.memory_space<vmem>> -> memref<1x64x128xf32, #tpu.memory_space<vmem>>
      %dma_wait3A_929 = tpu.memref_squeeze %dma_wait3A_928 : memref<1x64x128xf32, #tpu.memory_space<vmem>> -> memref<64x128xf32, #tpu.memory_space<vmem>>
      tpu.wait_dma2 semaphore(%arg14 : memref<!tpu.dma_semaphore, #tpu.memory_space<semaphore_mem>>) src(%dma_wait3A_929 : memref<64x128xf32, #tpu.memory_space<vmem>>) dst(%dma_wait3A_925 : memref<64x128xf32, #tpu.memory_space<hbm>>)
      %dma_wait3A_930 = arith.constant 7 : i32
      %dma_wait3A_931 = arith.constant 1 : i32
      %dma_wait3A_932 = arith.constant 0 : i32
      %dma_wait3A_933 = arith.constant 0 : i32
      %dma_wait3A_934 = tpu.memref_slice %arg7[%dma_wait3A_930, %dma_wait3A_932, %dma_wait3A_933] : memref<14x64x128xf32, #tpu.memory_space<vmem>> -> memref<1x64x128xf32, #tpu.memory_space<vmem>>
      %dma_wait3A_935 = tpu.memref_squeeze %dma_wait3A_934 : memref<1x64x128xf32, #tpu.memory_space<vmem>> -> memref<64x128xf32, #tpu.memory_space<vmem>>
      %dma_wait3A_936 = arith.constant 0 : i32
      %dma_wait3A_937 = arith.constant 0 : i32
      %dma_wait3A_938 = tpu.memref_slice %arg5[%dma_wait3A_931, %dma_wait3A_936, %dma_wait3A_937] : memref<2x16384x128xf32, #tpu.memory_space<hbm>> -> memref<1x16384x128xf32, #tpu.memory_space<hbm>>
      %dma_wait3A_939 = tpu.memref_squeeze %dma_wait3A_938 : memref<1x16384x128xf32, #tpu.memory_space<hbm>> -> memref<16384x128xf32, #tpu.memory_space<hbm>>
      %dma_wait3A_940 = arith.constant 0 : i32
      %dma_wait3A_941 = tpu.memref_slice %dma_wait3A_939[%add3A_509, %dma_wait3A_940] : memref<16384x128xf32, #tpu.memory_space<hbm>> -> memref<64x128xf32, #tpu.memory_space<hbm>>
      %dma_wait3A_942 = arith.constant 0 : i32
      %dma_wait3A_943 = arith.constant 0 : i32
      %dma_wait3A_944 = tpu.memref_slice %arg5[%dma_wait3A_931, %dma_wait3A_942, %dma_wait3A_943] : memref<2x16384x128xf32, #tpu.memory_space<hbm>> -> memref<1x16384x128xf32, #tpu.memory_space<hbm>>
      %dma_wait3A_945 = tpu.memref_squeeze %dma_wait3A_944 : memref<1x16384x128xf32, #tpu.memory_space<hbm>> -> memref<16384x128xf32, #tpu.memory_space<hbm>>
      %dma_wait3A_946 = arith.constant 0 : i32
      %dma_wait3A_947 = tpu.memref_slice %dma_wait3A_945[%add3A_509, %dma_wait3A_946] : memref<16384x128xf32, #tpu.memory_space<hbm>> -> memref<64x128xf32, #tpu.memory_space<hbm>>
      %dma_wait3A_948 = arith.constant 0 : i32
      %dma_wait3A_949 = arith.constant 0 : i32
      %dma_wait3A_950 = tpu.memref_slice %arg7[%dma_wait3A_930, %dma_wait3A_948, %dma_wait3A_949] : memref<14x64x128xf32, #tpu.memory_space<vmem>> -> memref<1x64x128xf32, #tpu.memory_space<vmem>>
      %dma_wait3A_951 = tpu.memref_squeeze %dma_wait3A_950 : memref<1x64x128xf32, #tpu.memory_space<vmem>> -> memref<64x128xf32, #tpu.memory_space<vmem>>
      tpu.wait_dma2 semaphore(%arg15 : memref<!tpu.dma_semaphore, #tpu.memory_space<semaphore_mem>>) src(%dma_wait3A_951 : memref<64x128xf32, #tpu.memory_space<vmem>>) dst(%dma_wait3A_947 : memref<64x128xf32, #tpu.memory_space<hbm>>)
      %dma_wait3A_952 = arith.constant 8 : i32
      %dma_wait3A_953 = arith.constant 1 : i32
      %dma_wait3A_954 = arith.constant 0 : i32
      %dma_wait3A_955 = arith.constant 0 : i32
      %dma_wait3A_956 = tpu.memref_slice %arg7[%dma_wait3A_952, %dma_wait3A_954, %dma_wait3A_955] : memref<14x64x128xf32, #tpu.memory_space<vmem>> -> memref<1x64x128xf32, #tpu.memory_space<vmem>>
      %dma_wait3A_957 = tpu.memref_squeeze %dma_wait3A_956 : memref<1x64x128xf32, #tpu.memory_space<vmem>> -> memref<64x128xf32, #tpu.memory_space<vmem>>
      %dma_wait3A_958 = arith.constant 0 : i32
      %dma_wait3A_959 = arith.constant 0 : i32
      %dma_wait3A_960 = tpu.memref_slice %arg5[%dma_wait3A_953, %dma_wait3A_958, %dma_wait3A_959] : memref<2x16384x128xf32, #tpu.memory_space<hbm>> -> memref<1x16384x128xf32, #tpu.memory_space<hbm>>
      %dma_wait3A_961 = tpu.memref_squeeze %dma_wait3A_960 : memref<1x16384x128xf32, #tpu.memory_space<hbm>> -> memref<16384x128xf32, #tpu.memory_space<hbm>>
      %dma_wait3A_962 = arith.constant 0 : i32
      %dma_wait3A_963 = tpu.memref_slice %dma_wait3A_961[%add3A_545, %dma_wait3A_962] : memref<16384x128xf32, #tpu.memory_space<hbm>> -> memref<64x128xf32, #tpu.memory_space<hbm>>
      %dma_wait3A_964 = arith.constant 0 : i32
      %dma_wait3A_965 = arith.constant 0 : i32
      %dma_wait3A_966 = tpu.memref_slice %arg5[%dma_wait3A_953, %dma_wait3A_964, %dma_wait3A_965] : memref<2x16384x128xf32, #tpu.memory_space<hbm>> -> memref<1x16384x128xf32, #tpu.memory_space<hbm>>
      %dma_wait3A_967 = tpu.memref_squeeze %dma_wait3A_966 : memref<1x16384x128xf32, #tpu.memory_space<hbm>> -> memref<16384x128xf32, #tpu.memory_space<hbm>>
      %dma_wait3A_968 = arith.constant 0 : i32
      %dma_wait3A_969 = tpu.memref_slice %dma_wait3A_967[%add3A_545, %dma_wait3A_968] : memref<16384x128xf32, #tpu.memory_space<hbm>> -> memref<64x128xf32, #tpu.memory_space<hbm>>
      %dma_wait3A_970 = arith.constant 0 : i32
      %dma_wait3A_971 = arith.constant 0 : i32
      %dma_wait3A_972 = tpu.memref_slice %arg7[%dma_wait3A_952, %dma_wait3A_970, %dma_wait3A_971] : memref<14x64x128xf32, #tpu.memory_space<vmem>> -> memref<1x64x128xf32, #tpu.memory_space<vmem>>
      %dma_wait3A_973 = tpu.memref_squeeze %dma_wait3A_972 : memref<1x64x128xf32, #tpu.memory_space<vmem>> -> memref<64x128xf32, #tpu.memory_space<vmem>>
      tpu.wait_dma2 semaphore(%arg16 : memref<!tpu.dma_semaphore, #tpu.memory_space<semaphore_mem>>) src(%dma_wait3A_973 : memref<64x128xf32, #tpu.memory_space<vmem>>) dst(%dma_wait3A_969 : memref<64x128xf32, #tpu.memory_space<hbm>>)
      %dma_wait3A_974 = arith.constant 9 : i32
      %dma_wait3A_975 = arith.constant 1 : i32
      %dma_wait3A_976 = arith.constant 0 : i32
      %dma_wait3A_977 = arith.constant 0 : i32
      %dma_wait3A_978 = tpu.memref_slice %arg7[%dma_wait3A_974, %dma_wait3A_976, %dma_wait3A_977] : memref<14x64x128xf32, #tpu.memory_space<vmem>> -> memref<1x64x128xf32, #tpu.memory_space<vmem>>
      %dma_wait3A_979 = tpu.memref_squeeze %dma_wait3A_978 : memref<1x64x128xf32, #tpu.memory_space<vmem>> -> memref<64x128xf32, #tpu.memory_space<vmem>>
      %dma_wait3A_980 = arith.constant 0 : i32
      %dma_wait3A_981 = arith.constant 0 : i32
      %dma_wait3A_982 = tpu.memref_slice %arg5[%dma_wait3A_975, %dma_wait3A_980, %dma_wait3A_981] : memref<2x16384x128xf32, #tpu.memory_space<hbm>> -> memref<1x16384x128xf32, #tpu.memory_space<hbm>>
      %dma_wait3A_983 = tpu.memref_squeeze %dma_wait3A_982 : memref<1x16384x128xf32, #tpu.memory_space<hbm>> -> memref<16384x128xf32, #tpu.memory_space<hbm>>
      %dma_wait3A_984 = arith.constant 0 : i32
      %dma_wait3A_985 = tpu.memref_slice %dma_wait3A_983[%add3A_581, %dma_wait3A_984] : memref<16384x128xf32, #tpu.memory_space<hbm>> -> memref<64x128xf32, #tpu.memory_space<hbm>>
      %dma_wait3A_986 = arith.constant 0 : i32
      %dma_wait3A_987 = arith.constant 0 : i32
      %dma_wait3A_988 = tpu.memref_slice %arg5[%dma_wait3A_975, %dma_wait3A_986, %dma_wait3A_987] : memref<2x16384x128xf32, #tpu.memory_space<hbm>> -> memref<1x16384x128xf32, #tpu.memory_space<hbm>>
      %dma_wait3A_989 = tpu.memref_squeeze %dma_wait3A_988 : memref<1x16384x128xf32, #tpu.memory_space<hbm>> -> memref<16384x128xf32, #tpu.memory_space<hbm>>
      %dma_wait3A_990 = arith.constant 0 : i32
      %dma_wait3A_991 = tpu.memref_slice %dma_wait3A_989[%add3A_581, %dma_wait3A_990] : memref<16384x128xf32, #tpu.memory_space<hbm>> -> memref<64x128xf32, #tpu.memory_space<hbm>>
      %dma_wait3A_992 = arith.constant 0 : i32
      %dma_wait3A_993 = arith.constant 0 : i32
      %dma_wait3A_994 = tpu.memref_slice %arg7[%dma_wait3A_974, %dma_wait3A_992, %dma_wait3A_993] : memref<14x64x128xf32, #tpu.memory_space<vmem>> -> memref<1x64x128xf32, #tpu.memory_space<vmem>>
      %dma_wait3A_995 = tpu.memref_squeeze %dma_wait3A_994 : memref<1x64x128xf32, #tpu.memory_space<vmem>> -> memref<64x128xf32, #tpu.memory_space<vmem>>
      tpu.wait_dma2 semaphore(%arg17 : memref<!tpu.dma_semaphore, #tpu.memory_space<semaphore_mem>>) src(%dma_wait3A_995 : memref<64x128xf32, #tpu.memory_space<vmem>>) dst(%dma_wait3A_991 : memref<64x128xf32, #tpu.memory_space<hbm>>)
      %dma_wait3A_996 = arith.constant 10 : i32
      %dma_wait3A_997 = arith.constant 1 : i32
      %dma_wait3A_998 = arith.constant 0 : i32
      %dma_wait3A_999 = arith.constant 0 : i32
      %dma_wait3A_1000 = tpu.memref_slice %arg7[%dma_wait3A_996, %dma_wait3A_998, %dma_wait3A_999] : memref<14x64x128xf32, #tpu.memory_space<vmem>> -> memref<1x64x128xf32, #tpu.memory_space<vmem>>
      %dma_wait3A_1001 = tpu.memref_squeeze %dma_wait3A_1000 : memref<1x64x128xf32, #tpu.memory_space<vmem>> -> memref<64x128xf32, #tpu.memory_space<vmem>>
      %dma_wait3A_1002 = arith.constant 0 : i32
      %dma_wait3A_1003 = arith.constant 0 : i32
      %dma_wait3A_1004 = tpu.memref_slice %arg5[%dma_wait3A_997, %dma_wait3A_1002, %dma_wait3A_1003] : memref<2x16384x128xf32, #tpu.memory_space<hbm>> -> memref<1x16384x128xf32, #tpu.memory_space<hbm>>
      %dma_wait3A_1005 = tpu.memref_squeeze %dma_wait3A_1004 : memref<1x16384x128xf32, #tpu.memory_space<hbm>> -> memref<16384x128xf32, #tpu.memory_space<hbm>>
      %dma_wait3A_1006 = arith.constant 0 : i32
      %dma_wait3A_1007 = tpu.memref_slice %dma_wait3A_1005[%add3A_617, %dma_wait3A_1006] : memref<16384x128xf32, #tpu.memory_space<hbm>> -> memref<64x128xf32, #tpu.memory_space<hbm>>
      %dma_wait3A_1008 = arith.constant 0 : i32
      %dma_wait3A_1009 = arith.constant 0 : i32
      %dma_wait3A_1010 = tpu.memref_slice %arg5[%dma_wait3A_997, %dma_wait3A_1008, %dma_wait3A_1009] : memref<2x16384x128xf32, #tpu.memory_space<hbm>> -> memref<1x16384x128xf32, #tpu.memory_space<hbm>>
      %dma_wait3A_1011 = tpu.memref_squeeze %dma_wait3A_1010 : memref<1x16384x128xf32, #tpu.memory_space<hbm>> -> memref<16384x128xf32, #tpu.memory_space<hbm>>
      %dma_wait3A_1012 = arith.constant 0 : i32
      %dma_wait3A_1013 = tpu.memref_slice %dma_wait3A_1011[%add3A_617, %dma_wait3A_1012] : memref<16384x128xf32, #tpu.memory_space<hbm>> -> memref<64x128xf32, #tpu.memory_space<hbm>>
      %dma_wait3A_1014 = arith.constant 0 : i32
      %dma_wait3A_1015 = arith.constant 0 : i32
      %dma_wait3A_1016 = tpu.memref_slice %arg7[%dma_wait3A_996, %dma_wait3A_1014, %dma_wait3A_1015] : memref<14x64x128xf32, #tpu.memory_space<vmem>> -> memref<1x64x128xf32, #tpu.memory_space<vmem>>
      %dma_wait3A_1017 = tpu.memref_squeeze %dma_wait3A_1016 : memref<1x64x128xf32, #tpu.memory_space<vmem>> -> memref<64x128xf32, #tpu.memory_space<vmem>>
      tpu.wait_dma2 semaphore(%arg18 : memref<!tpu.dma_semaphore, #tpu.memory_space<semaphore_mem>>) src(%dma_wait3A_1017 : memref<64x128xf32, #tpu.memory_space<vmem>>) dst(%dma_wait3A_1013 : memref<64x128xf32, #tpu.memory_space<hbm>>)
      %dma_wait3A_1018 = arith.constant 11 : i32
      %dma_wait3A_1019 = arith.constant 1 : i32
      %dma_wait3A_1020 = arith.constant 0 : i32
      %dma_wait3A_1021 = arith.constant 0 : i32
      %dma_wait3A_1022 = tpu.memref_slice %arg7[%dma_wait3A_1018, %dma_wait3A_1020, %dma_wait3A_1021] : memref<14x64x128xf32, #tpu.memory_space<vmem>> -> memref<1x64x128xf32, #tpu.memory_space<vmem>>
      %dma_wait3A_1023 = tpu.memref_squeeze %dma_wait3A_1022 : memref<1x64x128xf32, #tpu.memory_space<vmem>> -> memref<64x128xf32, #tpu.memory_space<vmem>>
      %dma_wait3A_1024 = arith.constant 0 : i32
      %dma_wait3A_1025 = arith.constant 0 : i32
      %dma_wait3A_1026 = tpu.memref_slice %arg5[%dma_wait3A_1019, %dma_wait3A_1024, %dma_wait3A_1025] : memref<2x16384x128xf32, #tpu.memory_space<hbm>> -> memref<1x16384x128xf32, #tpu.memory_space<hbm>>
      %dma_wait3A_1027 = tpu.memref_squeeze %dma_wait3A_1026 : memref<1x16384x128xf32, #tpu.memory_space<hbm>> -> memref<16384x128xf32, #tpu.memory_space<hbm>>
      %dma_wait3A_1028 = arith.constant 0 : i32
      %dma_wait3A_1029 = tpu.memref_slice %dma_wait3A_1027[%add3A_653, %dma_wait3A_1028] : memref<16384x128xf32, #tpu.memory_space<hbm>> -> memref<64x128xf32, #tpu.memory_space<hbm>>
      %dma_wait3A_1030 = arith.constant 0 : i32
      %dma_wait3A_1031 = arith.constant 0 : i32
      %dma_wait3A_1032 = tpu.memref_slice %arg5[%dma_wait3A_1019, %dma_wait3A_1030, %dma_wait3A_1031] : memref<2x16384x128xf32, #tpu.memory_space<hbm>> -> memref<1x16384x128xf32, #tpu.memory_space<hbm>>
      %dma_wait3A_1033 = tpu.memref_squeeze %dma_wait3A_1032 : memref<1x16384x128xf32, #tpu.memory_space<hbm>> -> memref<16384x128xf32, #tpu.memory_space<hbm>>
      %dma_wait3A_1034 = arith.constant 0 : i32
      %dma_wait3A_1035 = tpu.memref_slice %dma_wait3A_1033[%add3A_653, %dma_wait3A_1034] : memref<16384x128xf32, #tpu.memory_space<hbm>> -> memref<64x128xf32, #tpu.memory_space<hbm>>
      %dma_wait3A_1036 = arith.constant 0 : i32
      %dma_wait3A_1037 = arith.constant 0 : i32
      %dma_wait3A_1038 = tpu.memref_slice %arg7[%dma_wait3A_1018, %dma_wait3A_1036, %dma_wait3A_1037] : memref<14x64x128xf32, #tpu.memory_space<vmem>> -> memref<1x64x128xf32, #tpu.memory_space<vmem>>
      %dma_wait3A_1039 = tpu.memref_squeeze %dma_wait3A_1038 : memref<1x64x128xf32, #tpu.memory_space<vmem>> -> memref<64x128xf32, #tpu.memory_space<vmem>>
      tpu.wait_dma2 semaphore(%arg19 : memref<!tpu.dma_semaphore, #tpu.memory_space<semaphore_mem>>) src(%dma_wait3A_1039 : memref<64x128xf32, #tpu.memory_space<vmem>>) dst(%dma_wait3A_1035 : memref<64x128xf32, #tpu.memory_space<hbm>>)
      %dma_wait3A_1040 = arith.constant 12 : i32
      %dma_wait3A_1041 = arith.constant 1 : i32
      %dma_wait3A_1042 = arith.constant 0 : i32
      %dma_wait3A_1043 = arith.constant 0 : i32
      %dma_wait3A_1044 = tpu.memref_slice %arg7[%dma_wait3A_1040, %dma_wait3A_1042, %dma_wait3A_1043] : memref<14x64x128xf32, #tpu.memory_space<vmem>> -> memref<1x64x128xf32, #tpu.memory_space<vmem>>
      %dma_wait3A_1045 = tpu.memref_squeeze %dma_wait3A_1044 : memref<1x64x128xf32, #tpu.memory_space<vmem>> -> memref<64x128xf32, #tpu.memory_space<vmem>>
      %dma_wait3A_1046 = arith.constant 0 : i32
      %dma_wait3A_1047 = arith.constant 0 : i32
      %dma_wait3A_1048 = tpu.memref_slice %arg5[%dma_wait3A_1041, %dma_wait3A_1046, %dma_wait3A_1047] : memref<2x16384x128xf32, #tpu.memory_space<hbm>> -> memref<1x16384x128xf32, #tpu.memory_space<hbm>>
      %dma_wait3A_1049 = tpu.memref_squeeze %dma_wait3A_1048 : memref<1x16384x128xf32, #tpu.memory_space<hbm>> -> memref<16384x128xf32, #tpu.memory_space<hbm>>
      %dma_wait3A_1050 = arith.constant 0 : i32
      %dma_wait3A_1051 = tpu.memref_slice %dma_wait3A_1049[%add3A_689, %dma_wait3A_1050] : memref<16384x128xf32, #tpu.memory_space<hbm>> -> memref<64x128xf32, #tpu.memory_space<hbm>>
      %dma_wait3A_1052 = arith.constant 0 : i32
      %dma_wait3A_1053 = arith.constant 0 : i32
      %dma_wait3A_1054 = tpu.memref_slice %arg5[%dma_wait3A_1041, %dma_wait3A_1052, %dma_wait3A_1053] : memref<2x16384x128xf32, #tpu.memory_space<hbm>> -> memref<1x16384x128xf32, #tpu.memory_space<hbm>>
      %dma_wait3A_1055 = tpu.memref_squeeze %dma_wait3A_1054 : memref<1x16384x128xf32, #tpu.memory_space<hbm>> -> memref<16384x128xf32, #tpu.memory_space<hbm>>
      %dma_wait3A_1056 = arith.constant 0 : i32
      %dma_wait3A_1057 = tpu.memref_slice %dma_wait3A_1055[%add3A_689, %dma_wait3A_1056] : memref<16384x128xf32, #tpu.memory_space<hbm>> -> memref<64x128xf32, #tpu.memory_space<hbm>>
      %dma_wait3A_1058 = arith.constant 0 : i32
      %dma_wait3A_1059 = arith.constant 0 : i32
      %dma_wait3A_1060 = tpu.memref_slice %arg7[%dma_wait3A_1040, %dma_wait3A_1058, %dma_wait3A_1059] : memref<14x64x128xf32, #tpu.memory_space<vmem>> -> memref<1x64x128xf32, #tpu.memory_space<vmem>>
      %dma_wait3A_1061 = tpu.memref_squeeze %dma_wait3A_1060 : memref<1x64x128xf32, #tpu.memory_space<vmem>> -> memref<64x128xf32, #tpu.memory_space<vmem>>
      tpu.wait_dma2 semaphore(%arg20 : memref<!tpu.dma_semaphore, #tpu.memory_space<semaphore_mem>>) src(%dma_wait3A_1061 : memref<64x128xf32, #tpu.memory_space<vmem>>) dst(%dma_wait3A_1057 : memref<64x128xf32, #tpu.memory_space<hbm>>)
      %dma_wait3A_1062 = arith.constant 13 : i32
      %dma_wait3A_1063 = arith.constant 1 : i32
      %dma_wait3A_1064 = arith.constant 0 : i32
      %dma_wait3A_1065 = arith.constant 0 : i32
      %dma_wait3A_1066 = tpu.memref_slice %arg7[%dma_wait3A_1062, %dma_wait3A_1064, %dma_wait3A_1065] : memref<14x64x128xf32, #tpu.memory_space<vmem>> -> memref<1x64x128xf32, #tpu.memory_space<vmem>>
      %dma_wait3A_1067 = tpu.memref_squeeze %dma_wait3A_1066 : memref<1x64x128xf32, #tpu.memory_space<vmem>> -> memref<64x128xf32, #tpu.memory_space<vmem>>
      %dma_wait3A_1068 = arith.constant 0 : i32
      %dma_wait3A_1069 = arith.constant 0 : i32
      %dma_wait3A_1070 = tpu.memref_slice %arg5[%dma_wait3A_1063, %dma_wait3A_1068, %dma_wait3A_1069] : memref<2x16384x128xf32, #tpu.memory_space<hbm>> -> memref<1x16384x128xf32, #tpu.memory_space<hbm>>
      %dma_wait3A_1071 = tpu.memref_squeeze %dma_wait3A_1070 : memref<1x16384x128xf32, #tpu.memory_space<hbm>> -> memref<16384x128xf32, #tpu.memory_space<hbm>>
      %dma_wait3A_1072 = arith.constant 0 : i32
      %dma_wait3A_1073 = tpu.memref_slice %dma_wait3A_1071[%add3A_725, %dma_wait3A_1072] : memref<16384x128xf32, #tpu.memory_space<hbm>> -> memref<64x128xf32, #tpu.memory_space<hbm>>
      %dma_wait3A_1074 = arith.constant 0 : i32
      %dma_wait3A_1075 = arith.constant 0 : i32
      %dma_wait3A_1076 = tpu.memref_slice %arg5[%dma_wait3A_1063, %dma_wait3A_1074, %dma_wait3A_1075] : memref<2x16384x128xf32, #tpu.memory_space<hbm>> -> memref<1x16384x128xf32, #tpu.memory_space<hbm>>
      %dma_wait3A_1077 = tpu.memref_squeeze %dma_wait3A_1076 : memref<1x16384x128xf32, #tpu.memory_space<hbm>> -> memref<16384x128xf32, #tpu.memory_space<hbm>>
      %dma_wait3A_1078 = arith.constant 0 : i32
      %dma_wait3A_1079 = tpu.memref_slice %dma_wait3A_1077[%add3A_725, %dma_wait3A_1078] : memref<16384x128xf32, #tpu.memory_space<hbm>> -> memref<64x128xf32, #tpu.memory_space<hbm>>
      %dma_wait3A_1080 = arith.constant 0 : i32
      %dma_wait3A_1081 = arith.constant 0 : i32
      %dma_wait3A_1082 = tpu.memref_slice %arg7[%dma_wait3A_1062, %dma_wait3A_1080, %dma_wait3A_1081] : memref<14x64x128xf32, #tpu.memory_space<vmem>> -> memref<1x64x128xf32, #tpu.memory_space<vmem>>
      %dma_wait3A_1083 = tpu.memref_squeeze %dma_wait3A_1082 : memref<1x64x128xf32, #tpu.memory_space<vmem>> -> memref<64x128xf32, #tpu.memory_space<vmem>>
      tpu.wait_dma2 semaphore(%arg21 : memref<!tpu.dma_semaphore, #tpu.memory_space<semaphore_mem>>) src(%dma_wait3A_1083 : memref<64x128xf32, #tpu.memory_space<vmem>>) dst(%dma_wait3A_1079 : memref<64x128xf32, #tpu.memory_space<hbm>>)
      %dma_wait3A_1084 = arith.constant 0 : i32
      %dma_wait3A_1085 = arith.constant 1 : i32
      %dma_wait3A_1086 = arith.constant 0 : i32
      %dma_wait3A_1087 = arith.constant 0 : i32
      %dma_wait3A_1088 = tpu.memref_slice %arg7[%dma_wait3A_1084, %dma_wait3A_1086, %dma_wait3A_1087] : memref<14x64x128xf32, #tpu.memory_space<vmem>> -> memref<1x64x128xf32, #tpu.memory_space<vmem>>
      %dma_wait3A_1089 = tpu.memref_squeeze %dma_wait3A_1088 : memref<1x64x128xf32, #tpu.memory_space<vmem>> -> memref<64x128xf32, #tpu.memory_space<vmem>>
      %dma_wait3A_1090 = arith.constant 0 : i32
      %dma_wait3A_1091 = arith.constant 0 : i32
      %dma_wait3A_1092 = tpu.memref_slice %arg5[%dma_wait3A_1085, %dma_wait3A_1090, %dma_wait3A_1091] : memref<2x16384x128xf32, #tpu.memory_space<hbm>> -> memref<1x16384x128xf32, #tpu.memory_space<hbm>>
      %dma_wait3A_1093 = tpu.memref_squeeze %dma_wait3A_1092 : memref<1x16384x128xf32, #tpu.memory_space<hbm>> -> memref<16384x128xf32, #tpu.memory_space<hbm>>
      %dma_wait3A_1094 = arith.constant 0 : i32
      %dma_wait3A_1095 = tpu.memref_slice %dma_wait3A_1093[%add3A_761, %dma_wait3A_1094] : memref<16384x128xf32, #tpu.memory_space<hbm>> -> memref<64x128xf32, #tpu.memory_space<hbm>>
      %dma_wait3A_1096 = arith.constant 0 : i32
      %dma_wait3A_1097 = arith.constant 0 : i32
      %dma_wait3A_1098 = tpu.memref_slice %arg5[%dma_wait3A_1085, %dma_wait3A_1096, %dma_wait3A_1097] : memref<2x16384x128xf32, #tpu.memory_space<hbm>> -> memref<1x16384x128xf32, #tpu.memory_space<hbm>>
      %dma_wait3A_1099 = tpu.memref_squeeze %dma_wait3A_1098 : memref<1x16384x128xf32, #tpu.memory_space<hbm>> -> memref<16384x128xf32, #tpu.memory_space<hbm>>
      %dma_wait3A_1100 = arith.constant 0 : i32
      %dma_wait3A_1101 = tpu.memref_slice %dma_wait3A_1099[%add3A_761, %dma_wait3A_1100] : memref<16384x128xf32, #tpu.memory_space<hbm>> -> memref<64x128xf32, #tpu.memory_space<hbm>>
      %dma_wait3A_1102 = arith.constant 0 : i32
      %dma_wait3A_1103 = arith.constant 0 : i32
      %dma_wait3A_1104 = tpu.memref_slice %arg7[%dma_wait3A_1084, %dma_wait3A_1102, %dma_wait3A_1103] : memref<14x64x128xf32, #tpu.memory_space<vmem>> -> memref<1x64x128xf32, #tpu.memory_space<vmem>>
      %dma_wait3A_1105 = tpu.memref_squeeze %dma_wait3A_1104 : memref<1x64x128xf32, #tpu.memory_space<vmem>> -> memref<64x128xf32, #tpu.memory_space<vmem>>
      tpu.wait_dma2 semaphore(%arg8 : memref<!tpu.dma_semaphore, #tpu.memory_space<semaphore_mem>>) src(%dma_wait3A_1105 : memref<64x128xf32, #tpu.memory_space<vmem>>) dst(%dma_wait3A_1101 : memref<64x128xf32, #tpu.memory_space<hbm>>)
      %dma_wait3A_1106 = arith.constant 1 : i32
      %dma_wait3A_1107 = arith.constant 1 : i32
      %dma_wait3A_1108 = arith.constant 0 : i32
      %dma_wait3A_1109 = arith.constant 0 : i32
      %dma_wait3A_1110 = tpu.memref_slice %arg7[%dma_wait3A_1106, %dma_wait3A_1108, %dma_wait3A_1109] : memref<14x64x128xf32, #tpu.memory_space<vmem>> -> memref<1x64x128xf32, #tpu.memory_space<vmem>>
      %dma_wait3A_1111 = tpu.memref_squeeze %dma_wait3A_1110 : memref<1x64x128xf32, #tpu.memory_space<vmem>> -> memref<64x128xf32, #tpu.memory_space<vmem>>
      %dma_wait3A_1112 = arith.constant 0 : i32
      %dma_wait3A_1113 = arith.constant 0 : i32
      %dma_wait3A_1114 = tpu.memref_slice %arg5[%dma_wait3A_1107, %dma_wait3A_1112, %dma_wait3A_1113] : memref<2x16384x128xf32, #tpu.memory_space<hbm>> -> memref<1x16384x128xf32, #tpu.memory_space<hbm>>
      %dma_wait3A_1115 = tpu.memref_squeeze %dma_wait3A_1114 : memref<1x16384x128xf32, #tpu.memory_space<hbm>> -> memref<16384x128xf32, #tpu.memory_space<hbm>>
      %dma_wait3A_1116 = arith.constant 0 : i32
      %dma_wait3A_1117 = tpu.memref_slice %dma_wait3A_1115[%add3A_797, %dma_wait3A_1116] : memref<16384x128xf32, #tpu.memory_space<hbm>> -> memref<64x128xf32, #tpu.memory_space<hbm>>
      %dma_wait3A_1118 = arith.constant 0 : i32
      %dma_wait3A_1119 = arith.constant 0 : i32
      %dma_wait3A_1120 = tpu.memref_slice %arg5[%dma_wait3A_1107, %dma_wait3A_1118, %dma_wait3A_1119] : memref<2x16384x128xf32, #tpu.memory_space<hbm>> -> memref<1x16384x128xf32, #tpu.memory_space<hbm>>
      %dma_wait3A_1121 = tpu.memref_squeeze %dma_wait3A_1120 : memref<1x16384x128xf32, #tpu.memory_space<hbm>> -> memref<16384x128xf32, #tpu.memory_space<hbm>>
      %dma_wait3A_1122 = arith.constant 0 : i32
      %dma_wait3A_1123 = tpu.memref_slice %dma_wait3A_1121[%add3A_797, %dma_wait3A_1122] : memref<16384x128xf32, #tpu.memory_space<hbm>> -> memref<64x128xf32, #tpu.memory_space<hbm>>
      %dma_wait3A_1124 = arith.constant 0 : i32
      %dma_wait3A_1125 = arith.constant 0 : i32
      %dma_wait3A_1126 = tpu.memref_slice %arg7[%dma_wait3A_1106, %dma_wait3A_1124, %dma_wait3A_1125] : memref<14x64x128xf32, #tpu.memory_space<vmem>> -> memref<1x64x128xf32, #tpu.memory_space<vmem>>
      %dma_wait3A_1127 = tpu.memref_squeeze %dma_wait3A_1126 : memref<1x64x128xf32, #tpu.memory_space<vmem>> -> memref<64x128xf32, #tpu.memory_space<vmem>>
      tpu.wait_dma2 semaphore(%arg9 : memref<!tpu.dma_semaphore, #tpu.memory_space<semaphore_mem>>) src(%dma_wait3A_1127 : memref<64x128xf32, #tpu.memory_space<vmem>>) dst(%dma_wait3A_1123 : memref<64x128xf32, #tpu.memory_space<hbm>>)
    } else {
    }
    return
  }
}

</mosaic_0001>

<sc_bundles>
// kernel: _line_gather.3.cloned.1.call-start
scs
__scs_entry_jumppad:
0x0: {  	(pc) =	sbr.rel $0x88, $3  }
0x1: {  	(tag) =	ssettag $0x0;
	lr =	simm.s32 $0x1  }
0x2: {  	[smem:$0x3F9E] =	sst lr;
	_ =	strace $0xD0000000  }
0x3: {  	_ = 	snop  }
0x4: {  	_ = 	snop  }
0x5: {  	_ = 	snop  }
0x6: {  	_ = 	snop  }
0x7: {  	_ = 	snop  }
__scs_overlays_trampoline_lowered:
0x8: {  	[smem:$0x3FAD] =	sst s0  }
0x9: {  	[smem:$0x3FAE] =	sst s1  }
0xa: {  	[smem:$0x3FAF] =	sst s2  }
0xb: {  	[smem:$0x3FB0] =	sst s3  }
0xc: {  	[smem:$0x3FB1] =	sst s4  }
0xd: {  	[smem:$0x3FB2] =	sst s5  }
0xe: {  	[smem:$0x3FB3] =	sst s6  }
0xf: {  	[smem:$0x3FB4] =	sst s7  }
0x10: {  	[smem:$0x3FB5] =	sst s8  }
0x11: {  	[smem:$0x3FB6] =	sst s9;
	s0 =	simm.s32 @!p0 $0x0  }
0x12: {  	s1 =	sld [smem:$0x3F9C];
	s0 =	simm.s32 @p0 $0x1  }
0x13: {  	[smem:$0x3FB7] =	sst s0;
	s0 =	simm.s32 @!p1 $0x0  }
0x14: {  	s2 =	sld [smem:$0x3F9B];
	s0 =	simm.s32 @p1 $0x1  }
0x15: {  	[smem:$0x3FB8] =	sst s0;
	s0 =	simm.s32 @!p2 $0x0  }
0x16: {  	s3 =	sld [smem:$0x3FDB];
	s0 =	simm.s32 @p2 $0x1  }
0x17: {  	s4 =	simm.s32 $0x1BF5;
	[smem:$0x3FBA] =	sst s0  }
0x18: {  	s0 =	sld [smem:$0x3F9D];
	_ =	swait.ge [sflag:s4], $0x0  }
0x19: {  	s7 =	sld [smem:$0x3F9E]  }
0x1a: {  	s8 =	sadd.s32 $0xFFFFE003, lr  }
0x1b: {  	s9 =	sadd.s32 $0xFFFFFEF7, lr;
	s5 =	simm.s32 $0xFFFFFFFF;
	p2 =	slt.u32 s8, $0xFFFFF086  }
0x1c: {  	p1 =	slt.u32 s9, $0xF7A;
	s5 =	simm.s32 @!p2 $0x0  }
0x1d: {  	s5 =	simm.s32 @p1 $0x1;
	p0 =	seq.s32 s7, s2  }
0x1e: {  	s7 =	smul.u32 @!p0 $0xF7A, s2;
	p2 =	seq.s32 @!p0 s5, $0x0  }
0x1f: {  	s9 =	smul.u32 $0xF7A, s1;
	s8 =	simm.s32 @!p0 $0x1BF5;
	p2 =	por !p2, p0  }
0x20: {  	[sflag:s8] =	ssyncset.s32 @!p0 $0xFFFFF086;
	s6 =	sadd.s32 @!p0 s3, s7;
	s7 =	simm.s32 @!p0 $0x108  }
0x21: {  	s3 =	sadd.s32 s3, s9;
	s6 =	sadd.s32 @!p0 $0x88, s6;
	s7 =	simm.s32 @p2 $0x1082  }
0x22: {  	[simem:s7], [sflag:s8] =	dma.local @!p0 [hbm:s6], $0xF7A  }
0x23: {  	s9 =	sor.u32 $0xD0000000, s2;
	s6 =	simm.s32 $0x108;
	_ =	swait.ge @!p0 [sflag:s8], $0x0  }
0x24: {  	s3 =	sadd.s32 $0x88, s3;
	s6 =	simm.s32 @!p1 $0x1082;
	[sflag:s4] =	ssyncset.s32 $0xFFFFF086  }
0x25: {  	[simem:s6], [sflag:s4] =	dma.local [hbm:s3], $0xF7A  }
0x26: {  	[smem:$0x3F9E] =	sst s1;
	(tag) =	ssettag s2;
	_ =	strace s9  }
0x27: {  	s1 =	sld [smem:$0x3FAE]  }
0x28: {  	s2 =	sld [smem:$0x3FAF]  }
0x29: {  	s4 =	sld [smem:$0x3FB1]  }
0x2a: {  	p0 =	seq.s32 s5, $0x0;
	s5 =	sld [smem:$0x3FB2]  }
0x2b: {  	s6 =	sld [smem:$0x3FB3]  }
0x2c: {  	s7 =	sld [smem:$0x3FB4]  }
0x2d: {  	s3 =	simm.s32 $0x108;
	s8 =	sld [smem:$0x3FB5]  }
0x2e: {  	s3 =	simm.s32 @!p0 $0x1082;
	s9 =	sld [smem:$0x3FB6]  }
0x2f: {  	lr =	sadd.s32 s0, s3;
	s0 =	sld [smem:$0x3FAD]  }
0x30: {  	s3 =	sld [smem:$0x3FB0]  }
0x31: {  	[smem:$0x3FB9] =	sst s10  }
0x32: {  	s10 =	sld [smem:$0x3FB7];
	_ =	sdelay $0x3  }
0x33: {  	p0 =	seq.s32 s10, $0x1;
	s10 =	sld [smem:$0x3FB9];
	_ =	sdelay $0x3  }
0x34: {  	[smem:$0x3FB9] =	sst s10  }
0x35: {  	s10 =	sld [smem:$0x3FB8];
	_ =	sdelay $0x3  }
0x36: {  	p1 =	seq.s32 s10, $0x1;
	s10 =	sld [smem:$0x3FB9];
	_ =	sdelay $0x3  }
0x37: {  	[smem:$0x3FB9] =	sst s10  }
0x38: {  	s10 =	sld [smem:$0x3FBA]  }
0x39: {  	_ = 	snop;
	(pc) =	sbr.ind lr, $3  }
0x3a: {  	_ = 	snop  }
0x3b: {  	_ = 	snop  }
0x3c: {  	p2 =	seq.s32 s10, $0x1;
	s10 =	sld [smem:$0x3FB9]  }
0x3d: {  	_ =	shalt  }
0x3e: {  	_ =	shalt  }
0x3f: {  	_ =	shalt  }
0x40: {  	_ =	shalt  }
0x41: {  	_ =	shalt  }
0x42: {  	_ =	shalt  }
0x43: {  	_ =	shalt  }
0x44: {  	_ =	shalt  }
0x45: {  	_ =	shalt  }
0x46: {  	_ =	shalt  }
0x47: {  	_ =	shalt  }
0x48: {  	_ =	shalt  }
0x49: {  	_ =	shalt  }
0x4a: {  	_ =	shalt  }
0x4b: {  	_ =	shalt  }
0x4c: {  	_ =	shalt  }
0x4d: {  	_ =	shalt  }
0x4e: {  	_ =	shalt  }
0x4f: {  	_ =	shalt  }
0x50: {  	_ =	shalt  }
0x51: {  	_ =	shalt  }
0x52: {  	_ =	shalt  }
0x53: {  	_ =	shalt  }
0x54: {  	_ =	shalt  }
0x55: {  	_ =	shalt  }
0x56: {  	_ =	shalt  }
0x57: {  	_ =	shalt  }
0x58: {  	_ =	shalt  }
0x59: {  	_ =	shalt  }
0x5a: {  	_ =	shalt  }
0x5b: {  	_ =	shalt  }
0x5c: {  	_ =	shalt  }
0x5d: {  	_ =	shalt  }
0x5e: {  	_ =	shalt  }
0x5f: {  	_ =	shalt  }
0x60: {  	_ =	shalt  }
0x61: {  	_ =	shalt  }
0x62: {  	_ =	shalt  }
0x63: {  	_ =	shalt  }
0x64: {  	_ =	shalt  }
0x65: {  	_ =	shalt  }
0x66: {  	_ =	shalt  }
0x67: {  	_ =	shalt  }
0x68: {  	_ =	shalt  }
0x69: {  	_ =	shalt  }
0x6a: {  	_ =	shalt  }
0x6b: {  	_ =	shalt  }
0x6c: {  	_ =	shalt  }
0x6d: {  	_ =	shalt  }
0x6e: {  	_ =	shalt  }
0x6f: {  	_ =	shalt  }
0x70: {  	_ =	shalt  }
0x71: {  	_ =	shalt  }
0x72: {  	_ =	shalt  }
0x73: {  	_ =	shalt  }
0x74: {  	_ =	shalt  }
0x75: {  	_ =	shalt  }
0x76: {  	_ =	shalt  }
0x77: {  	_ =	shalt  }
0x78: {  	_ =	shalt  }
0x79: {  	_ =	shalt  }
0x7a: {  	_ =	shalt  }
0x7b: {  	_ =	shalt  }
0x7c: {  	_ =	shalt  }
0x7d: {  	_ =	shalt  }
0x7e: {  	_ =	shalt  }
0x7f: {  	_ =	shalt  }
0x80: {  	_ =	shalt  }
0x81: {  	_ =	shalt  }
0x82: {  	_ =	shalt  }
0x83: {  	_ =	shalt  }
0x84: {  	_ =	shalt  }
0x85: {  	_ =	shalt  }
0x86: {  	_ =	shalt  }
0x87: {  	_ =	shalt  }
.Lfunc_end0:
.L_simem_size_0:
called_computation_lowered:
.L_overlay_start_0:
0x88: {  	s2 =	sld [smem:$0x3FD9]  }
0x89: {  	s3 =	sld [smem:$0x3FFE];
	_ =	sdelay $0x1  }
0x8a: {  	s1 =	srdreg.scid  }
0x8b: {  	s0 =	sand.u32 $0x1, s1  }
0x8c: {  	s18 =	sshll.u32 s0, $0xA;
	s2 =	sadd.s32 s3, s2  }
0x8d: {  	s2 =	sadd.s32 s2, s18  }
0x8e: {  	[smem:$0x3FC5] =	sst s2  }
0x8f: {  	_ = 	snop  }
0x90: {  	s2 =	sld [smem:$0x3FC9]  }
0x91: {  	s19 =	sld [smem:$0x3FC8]  }
0x92: {  	s4 =	sld [smem:$0x3FC7]  }
0x93: {  	s5 =	sld [smem:$0x3FD0];
	(tm) =	ssettm $0x1  }
0x94: {  	s6 =	sld [smem:$0x3FFB];
	_ =	sdelay $0x3  }
0x95: {  	_ =	strace s6  }
0x96: {  	s6 =	sld [smem:$0x3FFC];
	_ =	sdelay $0x3  }
0x97: {  	_ =	strace s6  }
0x98: {  	s6 =	sld [smem:$0x3FFD];
	_ =	sdelay $0x3  }
0x99: {  	_ =	strace s6  }
0x9a: {  	_ =	strace $0x8FFFFFFF  }
0x9b: {  	s20 =	sld [smem:$0x3FDB];
	_ =	sdelay $0x1  }
0x9c: {  	s7 =	simm.s32 $_scs_section_size  }
0x9d: {  	s8 =	simm.s32 $_size__tile_overlayer_lowered;
	s9 =	simm.s32 $_tile_overlayer_lowered  }
0x9e: {  	s23 =	simm.s32 $0x1BFF;
	s22 =	sshll.u32 s9, $0x1;
	s6 =	sadd.s32 s7, s20  }
0x9f: {  	s10 =	simm.s32 $0x0;
	s21 =	sshll.u32 s8, $0x1;
	s8 =	sadd.s32 s22, s6  }
0xa0: {  	[timem:s10], [sflag:s23] =	dma.local [hbm:s8], s21  }
0xa1: {  	_ =	swait.ge [sflag:s23], s21  }
0xa2: {  	s7 =	ssub.s32 $0x0, s21;
	[sflag:s23] =	ssyncset.done $0x0  }
0xa3: {  	[sflag:s23] =	ssyncadd.s32 s7;
	_ =	sdelay $0x1  }
0xa4: {  	s24 =	simm.s32 $0x1B8B  }
0xa5: {  	_ =	swait.ge [sflag:s24], $0x1  }
0xa6: {  	[sflag:s24] =	ssyncset.done $0x0  }
0xa7: {  	s25 =	simm.s32 $0x1B8E;
	[sflag:s24] =	ssyncadd.s32 $0xFFFFFFFF  }
0xa8: {  	s26 =	simm.s32 $execute0_lowered;
	[smem:$0x3FD2] =	sst s25  }
0xa9: {  	s7 =	sshll.u32 s26, $0x1;
	_ =	strace $0x80000046;
	[dreg:$0x1] =	wrdreg $0xFFFFFFFF  }
0xaa: {  	s28 =	simm.s32 $_size_execute0_lowered;
	s6 =	sadd.s32 s6, s7;
	[dreg:$0x0] =	wrdreg $0x0  }
0xab: {  	s7 =	sshll.u32 s28, $0x1;
	[dreg:$0x2] =	wrdreg s6  }
0xac: {  	[dreg:$0x3] =	wrdreg s7  }
0xad: {  	[dreg:$0x4] =	wrdreg $0xC0  }
0xae: {  	_ =	task [dreg:s10], $0x5FFFF  }
0xaf: {  	[dreg:$0x1] =	wrdreg $0xFFFFFFFF  }
0xb0: {  	[dreg:$0x0] =	wrdreg $0x60  }
0xb1: {  	[dreg:$0x2] =	wrdreg s2  }
0xb2: {  	[dreg:$0x3] =	wrdreg s19  }
0xb3: {  	[dreg:$0x4] =	wrdreg s4  }
0xb4: {  	[dreg:$0x5] =	wrdreg s5  }
0xb5: {  	[dreg:$0x6] =	wrdreg $0x9  }
0xb6: {  	_ =	task.clear_ibuf [dreg:s10], $0x7FFFF;
	_ =	strace $0x90000046  }
0xb7: {  	s29 =	simm.s32 $0x9;
	_ =	strace $0x80000048  }
0xb8: {  	_ =	swait.ge [sflag:s29], $0x1  }
0xb9: {  	[sflag:s29] =	ssyncadd.s32 $0xFFFFFFFF  }
0xba: {  	_ =	strace $0x90000048  }
0xbb: {  	_ =	sfence  }
0xbc: {  	s30 =	sld [smem:$0x0];
	_ =	sdelay $0x2  }
0xbd: {  	s31 =	sshll.u32 s1, $0xD;
	s1 =	sshrl.u32 s1, $0x2  }
0xbe: {  	s3 =	sand.u32 $0x4000, s31;
	s1 =	sadd.s32 s1, s30  }
0xbf: {  	s0 =	sor.u32 s3, s0;
	s1 =	sshll.u32 s1, $0x11  }
0xc0: {  	s0 =	sor.u32 s1, s0  }
0xc1: {  	s0 =	sadd.s32 $0x8F2B, s0  }
0xc2: {  	[sflag:s0] =	ssyncadd.remote.s32 $0x1  }
0xc3: {  	_ =	sfence.sel $0xFFFF  }
0xc4: {  	[dreg:$0x0] =	wrdreg $0xFFFFFFFF;
	(pc) =	sbr.abs _section_cstart, $3  }
0xc5: {  	[dreg:$0x1] =	wrdreg $0xFFFFFFFF  }
0xc6: {  	_ =	task.clear_ibuf [dreg:s10], $0x2FFFF;
	_ =	strace $0x9FFFFFFF  }
0xc7: {  	(tm) =	ssettm $0x7FFFFFFF  }
tec
execute0_lowered:
.L_overlay_start_1:
0x0: {  	(tag) =	ssettag $0x1  }
0x1: {  	s1 =	rddreg [dreg:$0x0]  }
0x2: {  	s0 =	rddreg [dreg:$0x1]  }
0x3: {  	s2 =	rddreg [dreg:$0x2]  }
0x4: {  	s4 =	rddreg [dreg:$0x3];
	s22 =	stileid.u32  }
0x5: {  	s5 =	srdreg.scid;
	s3 =	simm.s32 $0x0;
	s6 =	sshll.u32 s22, $0x1  }
0x6: {  	s5 =	sand.u32 $0x1, s5;
	[smem:$0x7FF] =	sst s3;
	s6 =	sand.u32 $0xE, s6  }
0x7: {  	s23 =	sadd.s32 $0x40000, s4;
	s7 =	ssub.s32 $0x2, s5;
	s5 =	sor.u32 s5, s6  }
0x8: {  	_ =	strace $0x80000047;
	s10 =	sshll.u32 s5, $0xE;
	s5 =	sshll.u32 s5, $0x8  }
0x9: {  	[dreg:$0x7] =	wrdreg s23;
	s2 =	sadd.s32 s2, s5;
	s26 =	sor.u32 $0x400, s10  }
0xa: {  	s29 =	sor.u32 $0x800, s10;
	s30 =	sor.u32 $0xC00, s10;
	s9 =	sor.u32 $0x1000, s10  }
0xb: {  	s11 =	sor.u32 $0x1400, s10;
	s12 =	sor.u32 $0x1800, s10;
	s13 =	sor.u32 $0x1C00, s10  }
0xc: {  	s14 =	sor.u32 $0x2000, s10;
	s15 =	sor.u32 $0x2400, s10;
	s16 =	sor.u32 $0x2800, s10  }
0xd: {  	s17 =	sor.u32 $0x2C00, s10;
	s18 =	sor.u32 $0x3000, s10;
	[dreg:$0x5] =	wrdreg s10  }
0xe: {  	s19 =	sor.u32 $0x3400, s10;
	s0 =	sadd.s32 s0, s5;
	[dreg:$0x6] =	wrdreg s2  }
0xf: {  	s20 =	sor.u32 $0x3800, s10;
	s4 =	sadd.s32 s4, s10;
	[dreg:$0x9] =	wrdreg s0  }
0x10: {  	s21 =	sor.u32 $0x3C00, s10;
	s10 =	sadd.s32 $0x400, s4;
	[dreg:$0x8] =	wrdreg s4  }
0x11: {  	s24 =	sadd.s32 s23, s26;
	[dreg:$0xa] =	wrdreg s10  }
0x12: {  	s26 =	sadd.s32 s23, s30;
	[dreg:$0xb] =	wrdreg s24  }
0x13: {  	s30 =	sadd.s32 s23, s11;
	[dreg:$0xd] =	wrdreg s26  }
0x14: {  	s2 =	sadd.s32 s23, s12;
	[dreg:$0xf] =	wrdreg s30  }
0x15: {  	s5 =	sadd.s32 s23, s13;
	[dreg:$0x10] =	wrdreg s2  }
0x16: {  	s8 =	sshrl.u32 s7, $0x1;
	s6 =	sadd.s32 s23, s14;
	[dreg:$0x11] =	wrdreg s5  }
0x17: {  	s25 =	ssub.s32 s7, s8;
	s7 =	sadd.s32 s23, s15;
	[dreg:$0x12] =	wrdreg s6  }
0x18: {  	s8 =	sadd.s32 s23, s16;
	[dreg:$0x13] =	wrdreg s7  }
0x19: {  	s11 =	sadd.s32 s23, s18;
	[dreg:$0x14] =	wrdreg s8  }
0x1a: {  	s12 =	sadd.s32 s23, s19;
	[dreg:$0x16] =	wrdreg s11  }
0x1b: {  	s13 =	sadd.s32 s23, s20;
	[dreg:$0x17] =	wrdreg s12  }
0x1c: {  	s28 =	simm.s32 $0x1;
	s14 =	sadd.s32 s23, s21;
	[dreg:$0x18] =	wrdreg s13  }
0x1d: {  	s31 =	simm.s32 $0x8;
	s15 =	sadd.s32 $0x800, s4;
	[dreg:$0x19] =	wrdreg s14  }
0x1e: {  	p0 =	sgt.u32 s22, $0x7;
	s16 =	sadd.s32 $0xC00, s4;
	[dreg:$0x1a] =	wrdreg s15  }
0x1f: {  	s18 =	sadd.s32 $0x1400, s4;
	s19 =	sadd.s32 $0x1800, s4;
	[dreg:$0x1b] =	wrdreg s16  }
0x20: {  	s20 =	sadd.s32 $0x1C00, s4;
	s21 =	sadd.s32 $0x2000, s4;
	[dreg:$0x1d] =	wrdreg s18  }
0x21: {  	s22 =	sadd.s32 $0x2400, s4;
	s10 =	smax.u32 s25, $0x1;
	[dreg:$0x1e] =	wrdreg s19  }
0x22: {  	s25 =	sadd.s32 s23, s29;
	s29 =	sadd.s32 s23, s9;
	[dreg:$0x1f] =	wrdreg s20  }
0x23: {  	s9 =	sadd.s32 s23, s17;
	s17 =	sadd.s32 $0x1000, s4;
	[smem:$0x7F6] =	sst s21  }
0x24: {  	[smem:$0x7F7] =	sst s22;
	s23 =	sadd.s32 $0x2800, s4;
	s24 =	sadd.s32 $0x2C00, s4  }
0x25: {  	s26 =	sadd.s32 $0x3400, s4;
	s30 =	sadd.s32 $0x3C00, s4;
	[dreg:$0xc] =	wrdreg s25  }
0x26: {  	s16 =	simm.s32 $0x40;
	s19 =	simm.s32 $0x2800;
	[dreg:$0xe] =	wrdreg s29  }
0x27: {  	s15 =	simm.s32 $0x3;
	s11 =	simm.s32 $0x5;
	[dreg:$0x15] =	wrdreg s9  }
0x28: {  	s22 =	simm.s32 $0x6;
	s18 =	simm.s32 $0x9;
	[dreg:$0x1c] =	wrdreg s17  }
0x29: {  	s6 =	simm.s32 $0xA;
	s7 =	simm.s32 $0xC;
	[smem:$0x7F8] =	sst s23  }
.Ltmp0:
0x2a: {  	s21 =	simm.s32 $0xD;
	[smem:$0x7F9] =	sst s24;
	(pc) =	sbr.rel .LBB2_1-.Ltmp0, $4  }
0x2b: {  	s25 =	sadd.s32 $0x3000, s4;
	[smem:$0x7FB] =	sst s26;
	s29 =	sadd.s32 $0x3800, s4  }
0x2c: {  	[smem:$0x7FD] =	sst s30;
	s17 =	simm.s32 $0x800;
	s9 =	simm.s32 $0x4  }
0x2d: {  	s24 =	simm.s32 $0x7;
	s4 =	simm.s32 $0xB;
	[smem:$0x7FA] =	sst s25  }
0x2e: {  	s23 =	simm.s32 $0xE;
	[smem:$0x7FC] =	sst s29;
	s25 =	simm.s32 $0x2  }
.LBB2_3:
0x2f: {  	s26 =	rddreg [dreg:$0x6];
	s0 =	simm.s32 $0xF  }
0x30: {  	[tilespmem:s3], [sflag:$0xF] =	stream.linear.gather [hbm4b:s26+s3], $0x800, $0x38;
	[tilespmem:$0x1C800] =	vst v63  }
0x31: {  	_ =	swait.ge [sflag:s0], $0x800  }
0x32: {  	[sflag:s0] =	ssyncset.done $0x0  }
0x33: {  	[sflag:s0] =	ssyncadd.s32 $0xFFFFF800  }
0x34: {  	[tilespmem:s17], [sflag:$0x1] =	stream.indirect.gather [hbm4b:s1+s16], $0x80, s3, s16, $0xb8;
	[tilespmem:$0x1C800] =	vst v63  }
0x35: {  	s17 =	simm.s32 $0x80  }
0x36: {  	[tilespmem:s19], [sflag:$0x2] =	stream.indirect.gather [hbm4b:s1+s16], $0x80, s17, s16, $0xb8;
	[tilespmem:$0x1C800] =	vst v63  }
0x37: {  	s30 =	simm.s32 $0x4800;
	s19 =	simm.s32 $0x100  }
0x38: {  	[tilespmem:s30], [sflag:$0x3] =	stream.indirect.gather [hbm4b:s1+s16], $0x80, s19, s16, $0xb8;
	[tilespmem:$0x1C800] =	vst v63  }
0x39: {  	s20 =	simm.s32 $0x180;
	s0 =	simm.s32 $0x6800  }
0x3a: {  	[tilespmem:s0], [sflag:$0x4] =	stream.indirect.gather [hbm4b:s1+s16], $0x80, s20, s16, $0xb8;
	[tilespmem:$0x1C800] =	vst v63  }
0x3b: {  	s29 =	simm.s32 $0x200;
	s5 =	simm.s32 $0x8800  }
0x3c: {  	[tilespmem:s5], [sflag:$0x5] =	stream.indirect.gather [hbm4b:s1+s16], $0x80, s29, s16, $0xb8;
	[tilespmem:$0x1C800] =	vst v63  }
0x3d: {  	s2 =	simm.s32 $0x280;
	s8 =	simm.s32 $0xA800  }
0x3e: {  	[tilespmem:s8], [sflag:$0x6] =	stream.indirect.gather [hbm4b:s1+s16], $0x80, s2, s16, $0xb8;
	[tilespmem:$0x1C800] =	vst v63  }
0x3f: {  	s12 =	simm.s32 $0x300;
	s20 =	simm.s32 $0xC800  }
0x40: {  	[tilespmem:s20], [sflag:$0x7] =	stream.indirect.gather [hbm4b:s1+s16], $0x80, s12, s16, $0xb8;
	[tilespmem:$0x1C800] =	vst v63  }
0x41: {  	s13 =	simm.s32 $0x380;
	s12 =	simm.s32 $0xE800  }
0x42: {  	[tilespmem:s12], [sflag:$0x8] =	stream.indirect.gather [hbm4b:s1+s16], $0x80, s13, s16, $0xb8;
	[tilespmem:$0x1C800] =	vst v63  }
0x43: {  	s14 =	simm.s32 $0x400;
	s13 =	simm.s32 $0x10800  }
0x44: {  	[tilespmem:s13], [sflag:$0x9] =	stream.indirect.gather [hbm4b:s1+s16], $0x80, s14, s16, $0xb8;
	[tilespmem:$0x1C800] =	vst v63  }
0x45: {  	s17 =	simm.s32 $0x480;
	s14 =	simm.s32 $0x12800  }
0x46: {  	[tilespmem:s14], [sflag:$0xA] =	stream.indirect.gather [hbm4b:s1+s16], $0x80, s17, s16, $0xb8;
	[tilespmem:$0x1C800] =	vst v63  }
0x47: {  	s19 =	simm.s32 $0x500;
	s17 =	simm.s32 $0x14800  }
0x48: {  	[tilespmem:s17], [sflag:$0xB] =	stream.indirect.gather [hbm4b:s1+s16], $0x80, s19, s16, $0xb8;
	[tilespmem:$0x1C800] =	vst v63  }
0x49: {  	s26 =	simm.s32 $0x580;
	s29 =	simm.s32 $0x16800  }
0x4a: {  	[tilespmem:s29], [sflag:$0xC] =	stream.indirect.gather [hbm4b:s1+s16], $0x80, s26, s16, $0xb8;
	[tilespmem:$0x1C800] =	vst v63  }
0x4b: {  	s26 =	simm.s32 $0x600;
	s29 =	simm.s32 $0x18800  }
0x4c: {  	[tilespmem:s29], [sflag:$0xD] =	stream.indirect.gather [hbm4b:s1+s16], $0x80, s26, s16, $0xb8;
	[tilespmem:$0x1C800] =	vst v63  }
0x4d: {  	s26 =	simm.s32 $0x680;
	s29 =	simm.s32 $0x1A800  }
0x4e: {  	[tilespmem:s29], [sflag:$0xE] =	stream.indirect.gather [hbm4b:s1+s16], $0x80, s26, s16, $0xb8;
	[tilespmem:$0x1C800] =	vst v63  }
0x4f: {  	_ =	swait.ge [sflag:s28], $0x2000  }
0x50: {  	s26 =	rddreg [dreg:$0x5]  }
0x51: {  	[sflag:s28] =	ssyncset.done $0x0;
	s29 =	rddreg [dreg:$0x7]  }
0x52: {  	s19 =	simm.s32 $0x800;
	[sflag:s28] =	ssyncadd.s32 $0xFFFFE000;
	s26 =	sadd.s32 s26, s29  }
0x53: {  	[hbm4b:s26+s3] =	stream.linear.scatter [tilespmem:s19], [sflag:$0x1], $0x2000, $0x38;
	[tilespmem:$0x1C800] =	vst v63  }
0x54: {  	_ =	swait.ge [sflag:s25], $0x2000  }
0x55: {  	[sflag:s25] =	ssyncset.done $0x0  }
0x56: {  	s2 =	simm.s32 $0x2800;
	s29 =	rddreg [dreg:$0xb];
	[sflag:s25] =	ssyncadd.s32 $0xFFFFE000  }
0x57: {  	[hbm4b:s29+s3] =	stream.linear.scatter [tilespmem:s2], [sflag:$0x2], $0x2000, $0x38;
	[tilespmem:$0x1C800] =	vst v63  }
0x58: {  	_ =	swait.ge [sflag:s28], $0x2000  }
0x59: {  	[sflag:s28] =	ssyncset.done $0x0  }
0x5a: {  	s29 =	simm.s32 $0x700;
	[sflag:s28] =	ssyncadd.s32 $0xFFFFE000  }
0x5b: {  	[tilespmem:s19], [sflag:$0x1] =	stream.indirect.gather [hbm4b:s1+s16], $0x80, s29, s16, $0xb8;
	[tilespmem:$0x1C800] =	vst v63  }
0x5c: {  	_ =	swait.ge [sflag:s15], $0x2000  }
0x5d: {  	[sflag:s15] =	ssyncset.done $0x0  }
0x5e: {  	s2 =	rddreg [dreg:$0xc];
	[sflag:s15] =	ssyncadd.s32 $0xFFFFE000  }
0x5f: {  	[hbm4b:s2+s3] =	stream.linear.scatter [tilespmem:s30], [sflag:$0x3], $0x2000, $0x38;
	[tilespmem:$0x1C800] =	vst v63  }
0x60: {  	_ =	swait.ge [sflag:s25], $0x2000  }
0x61: {  	[sflag:s25] =	ssyncset.done $0x0  }
0x62: {  	s19 =	simm.s32 $0x2800;
	s29 =	simm.s32 $0x780;
	[sflag:s25] =	ssyncadd.s32 $0xFFFFE000  }
0x63: {  	[tilespmem:s19], [sflag:$0x2] =	stream.indirect.gather [hbm4b:s1+s16], $0x80, s29, s16, $0xb8;
	[tilespmem:$0x1C800] =	vst v63  }
0x64: {  	_ =	swait.ge [sflag:s9], $0x2000  }
0x65: {  	[sflag:s9] =	ssyncset.done $0x0  }
0x66: {  	s30 =	rddreg [dreg:$0xd];
	[sflag:s9] =	ssyncadd.s32 $0xFFFFE000  }
0x67: {  	[hbm4b:s30+s3] =	stream.linear.scatter [tilespmem:s0], [sflag:$0x4], $0x2000, $0x38;
	[tilespmem:$0x1C800] =	vst v63  }
0x68: {  	_ =	swait.ge [sflag:s11], $0x2000  }
0x69: {  	[sflag:s11] =	ssyncset.done $0x0  }
0x6a: {  	s2 =	rddreg [dreg:$0xe];
	[sflag:s11] =	ssyncadd.s32 $0xFFFFE000  }
0x6b: {  	[hbm4b:s2+s3] =	stream.linear.scatter [tilespmem:s5], [sflag:$0x5], $0x2000, $0x38;
	[tilespmem:$0x1C800] =	vst v63  }
0x6c: {  	_ =	swait.ge [sflag:s22], $0x2000  }
0x6d: {  	[sflag:s22] =	ssyncset.done $0x0  }
0x6e: {  	s5 =	rddreg [dreg:$0xf];
	[sflag:s22] =	ssyncadd.s32 $0xFFFFE000  }
0x6f: {  	[hbm4b:s5+s3] =	stream.linear.scatter [tilespmem:s8], [sflag:$0x6], $0x2000, $0x38;
	[tilespmem:$0x1C800] =	vst v63  }
0x70: {  	_ =	swait.ge [sflag:s24], $0x2000  }
0x71: {  	[sflag:s24] =	ssyncset.done $0x0  }
0x72: {  	s29 =	rddreg [dreg:$0x10];
	[sflag:s24] =	ssyncadd.s32 $0xFFFFE000  }
0x73: {  	[hbm4b:s29+s3] =	stream.linear.scatter [tilespmem:s20], [sflag:$0x7], $0x2000, $0x38;
	[tilespmem:$0x1C800] =	vst v63  }
0x74: {  	_ =	swait.ge [sflag:s31], $0x2000  }
0x75: {  	[sflag:s31] =	ssyncset.done $0x0  }
0x76: {  	s30 =	rddreg [dreg:$0x11];
	[sflag:s31] =	ssyncadd.s32 $0xFFFFE000  }
0x77: {  	[hbm4b:s30+s3] =	stream.linear.scatter [tilespmem:s12], [sflag:$0x8], $0x2000, $0x38;
	[tilespmem:$0x1C800] =	vst v63  }
0x78: {  	_ =	swait.ge [sflag:s18], $0x2000  }
0x79: {  	[sflag:s18] =	ssyncset.done $0x0  }
0x7a: {  	s0 =	rddreg [dreg:$0x12];
	[sflag:s18] =	ssyncadd.s32 $0xFFFFE000  }
0x7b: {  	[hbm4b:s0+s3] =	stream.linear.scatter [tilespmem:s13], [sflag:$0x9], $0x2000, $0x38;
	[tilespmem:$0x1C800] =	vst v63  }
0x7c: {  	_ =	swait.ge [sflag:s6], $0x2000  }
0x7d: {  	[sflag:s6] =	ssyncset.done $0x0  }
0x7e: {  	s2 =	rddreg [dreg:$0x13];
	[sflag:s6] =	ssyncadd.s32 $0xFFFFE000  }
0x7f: {  	[hbm4b:s2+s3] =	stream.linear.scatter [tilespmem:s14], [sflag:$0xA], $0x2000, $0x38;
	[tilespmem:$0x1C800] =	vst v63  }
0x80: {  	_ =	swait.ge [sflag:s4], $0x2000  }
0x81: {  	[sflag:s4] =	ssyncset.done $0x0  }
0x82: {  	s5 =	rddreg [dreg:$0x14];
	[sflag:s4] =	ssyncadd.s32 $0xFFFFE000  }
0x83: {  	[hbm4b:s5+s3] =	stream.linear.scatter [tilespmem:s17], [sflag:$0xB], $0x2000, $0x38;
	[tilespmem:$0x1C800] =	vst v63  }
0x84: {  	_ =	swait.ge [sflag:s7], $0x2000  }
0x85: {  	[sflag:s7] =	ssyncset.done $0x0  }
0x86: {  	s12 =	simm.s32 $0x16800;
	s8 =	rddreg [dreg:$0x15];
	[sflag:s7] =	ssyncadd.s32 $0xFFFFE000  }
0x87: {  	[hbm4b:s8+s3] =	stream.linear.scatter [tilespmem:s12], [sflag:$0xC], $0x2000, $0x38;
	[tilespmem:$0x1C800] =	vst v63  }
0x88: {  	_ =	swait.ge [sflag:s21], $0x2000  }
0x89: {  	[sflag:s21] =	ssyncset.done $0x0  }
0x8a: {  	s14 =	simm.s32 $0x18800;
	s13 =	rddreg [dreg:$0x16];
	[sflag:s21] =	ssyncadd.s32 $0xFFFFE000  }
0x8b: {  	[hbm4b:s13+s3] =	stream.linear.scatter [tilespmem:s14], [sflag:$0xD], $0x2000, $0x38;
	[tilespmem:$0x1C800] =	vst v63  }
0x8c: {  	_ =	swait.ge [sflag:s23], $0x2000  }
0x8d: {  	[sflag:s23] =	ssyncset.done $0x0  }
0x8e: {  	s29 =	simm.s32 $0x1A800;
	s20 =	rddreg [dreg:$0x17];
	[sflag:s23] =	ssyncadd.s32 $0xFFFFE000  }
0x8f: {  	[hbm4b:s20+s3] =	stream.linear.scatter [tilespmem:s29], [sflag:$0xE], $0x2000, $0x38;
	[tilespmem:$0x1C800] =	vst v63  }
0x90: {  	_ =	swait.ge [sflag:s28], $0x2000  }
0x91: {  	[sflag:s28] =	ssyncset.done $0x0  }
0x92: {  	s17 =	simm.s32 $0x800;
	s30 =	rddreg [dreg:$0x18];
	[sflag:s28] =	ssyncadd.s32 $0xFFFFE000  }
0x93: {  	[hbm4b:s30+s3] =	stream.linear.scatter [tilespmem:s17], [sflag:$0x1], $0x2000, $0x38;
	[tilespmem:$0x1C800] =	vst v63  }
0x94: {  	_ =	swait.ge [sflag:s25], $0x2000  }
0x95: {  	[sflag:s25] =	ssyncset.done $0x0  }
0x96: {  	s26 =	rddreg [dreg:$0x19];
	[sflag:s25] =	ssyncadd.s32 $0xFFFFE000  }
.LBB2_4:
0x97: {  	[hbm4b:s26+s3] =	stream.linear.scatter [tilespmem:s19], [sflag:$0x2], $0x2000, $0x38;
	[tilespmem:$0x1C800] =	vst v63  }
0x98: {  	_ =	swait.ge [sflag:s15], $0x2000  }
0x99: {  	[sflag:s15] =	ssyncset.done $0x0  }
0x9a: {  	[sflag:s15] =	ssyncadd.s32 $0xFFFFE000  }
0x9b: {  	_ =	swait.ge [sflag:s9], $0x2000  }
0x9c: {  	[sflag:s9] =	ssyncset.done $0x0  }
0x9d: {  	[sflag:s9] =	ssyncadd.s32 $0xFFFFE000  }
0x9e: {  	_ =	swait.ge [sflag:s11], $0x2000  }
0x9f: {  	[sflag:s11] =	ssyncset.done $0x0  }
0xa0: {  	[sflag:s11] =	ssyncadd.s32 $0xFFFFE000  }
0xa1: {  	_ =	swait.ge [sflag:s22], $0x2000  }
0xa2: {  	[sflag:s22] =	ssyncset.done $0x0  }
0xa3: {  	[sflag:s22] =	ssyncadd.s32 $0xFFFFE000  }
0xa4: {  	_ =	swait.ge [sflag:s24], $0x2000  }
0xa5: {  	[sflag:s24] =	ssyncset.done $0x0  }
0xa6: {  	[sflag:s24] =	ssyncadd.s32 $0xFFFFE000  }
0xa7: {  	_ =	swait.ge [sflag:s31], $0x2000  }
0xa8: {  	[sflag:s31] =	ssyncset.done $0x0  }
0xa9: {  	[sflag:s31] =	ssyncadd.s32 $0xFFFFE000  }
0xaa: {  	_ =	swait.ge [sflag:s18], $0x2000  }
0xab: {  	[sflag:s18] =	ssyncset.done $0x0  }
0xac: {  	[sflag:s18] =	ssyncadd.s32 $0xFFFFE000  }
0xad: {  	_ =	swait.ge [sflag:s6], $0x2000  }
0xae: {  	[sflag:s6] =	ssyncset.done $0x0  }
0xaf: {  	[sflag:s6] =	ssyncadd.s32 $0xFFFFE000  }
0xb0: {  	_ =	swait.ge [sflag:s4], $0x2000  }
0xb1: {  	[sflag:s4] =	ssyncset.done $0x0  }
0xb2: {  	[sflag:s4] =	ssyncadd.s32 $0xFFFFE000  }
0xb3: {  	_ =	swait.ge [sflag:s7], $0x2000  }
0xb4: {  	[sflag:s7] =	ssyncset.done $0x0  }
0xb5: {  	[sflag:s7] =	ssyncadd.s32 $0xFFFFE000  }
0xb6: {  	_ =	swait.ge [sflag:s21], $0x2000  }
0xb7: {  	[sflag:s21] =	ssyncset.done $0x0  }
0xb8: {  	[sflag:s21] =	ssyncadd.s32 $0xFFFFE000  }
0xb9: {  	_ =	swait.ge [sflag:s23], $0x2000  }
0xba: {  	[sflag:s23] =	ssyncset.done $0x0  }
0xbb: {  	s10 =	sadd.s32 $0xFFFFFFFF, s10;
	[sflag:s23] =	ssyncadd.s32 $0xFFFFE000  }
0xbc: {  	p1 =	sne.s32 s10, $0x0;
	_ =	swait.ge [sflag:s28], $0x2000  }
.Ltmp1:
0xbd: {  	[sflag:s28] =	ssyncset.done $0x0;
	(pc) =	sbr.rel @!p1 .LBB2_5-.Ltmp1, $4  }
0xbe: {  	[sflag:s28] =	ssyncadd.s32 $0xFFFFE000  }
0xbf: {  	_ =	swait.ge [sflag:s25], $0x2000  }
0xc0: {  	[sflag:s25] =	ssyncset.done $0x0  }
0xc1: {  	[sflag:s25] =	ssyncadd.s32 $0xFFFFE000  }
.LBB2_1:
.Ltmp2:
0xc2: {  	(pc) =	sbr.rel @p0 .LBB2_3-.Ltmp2, $1  }
0xc3: {  	_ =	sdelay $0x3  }
0xc4: {  	s26 =	rddreg [dreg:$0x9];
	s0 =	simm.s32 $0xF  }
0xc5: {  	[tilespmem:s3], [sflag:$0xF] =	stream.linear.gather [hbm4b:s26+s3], $0x800, $0x38;
	[tilespmem:$0x1C800] =	vst v63  }
0xc6: {  	_ =	swait.ge [sflag:s0], $0x800  }
0xc7: {  	[sflag:s0] =	ssyncset.done $0x0  }
0xc8: {  	[sflag:s0] =	ssyncadd.s32 $0xFFFFF800  }
0xc9: {  	[tilespmem:s17], [sflag:$0x1] =	stream.indirect.gather [hbm4b:s1+s16], $0x80, s3, s16, $0xb8;
	[tilespmem:$0x1C800] =	vst v63  }
0xca: {  	s30 =	simm.s32 $0x80  }
0xcb: {  	[tilespmem:s19], [sflag:$0x2] =	stream.indirect.gather [hbm4b:s1+s16], $0x80, s30, s16, $0xb8;
	[tilespmem:$0x1C800] =	vst v63  }
0xcc: {  	s2 =	simm.s32 $0x100;
	s30 =	simm.s32 $0x4800  }
0xcd: {  	[tilespmem:s30], [sflag:$0x3] =	stream.indirect.gather [hbm4b:s1+s16], $0x80, s2, s16, $0xb8;
	[tilespmem:$0x1C800] =	vst v63  }
0xce: {  	s5 =	simm.s32 $0x180;
	s0 =	simm.s32 $0x6800  }
0xcf: {  	[tilespmem:s0], [sflag:$0x4] =	stream.indirect.gather [hbm4b:s1+s16], $0x80, s5, s16, $0xb8;
	[tilespmem:$0x1C800] =	vst v63  }
0xd0: {  	s8 =	simm.s32 $0x200;
	s5 =	simm.s32 $0x8800  }
0xd1: {  	[tilespmem:s5], [sflag:$0x5] =	stream.indirect.gather [hbm4b:s1+s16], $0x80, s8, s16, $0xb8;
	[tilespmem:$0x1C800] =	vst v63  }
0xd2: {  	s12 =	simm.s32 $0x280;
	s8 =	simm.s32 $0xA800  }
0xd3: {  	[tilespmem:s8], [sflag:$0x6] =	stream.indirect.gather [hbm4b:s1+s16], $0x80, s12, s16, $0xb8;
	[tilespmem:$0x1C800] =	vst v63  }
0xd4: {  	s13 =	simm.s32 $0x300;
	s20 =	simm.s32 $0xC800  }
0xd5: {  	[tilespmem:s20], [sflag:$0x7] =	stream.indirect.gather [hbm4b:s1+s16], $0x80, s13, s16, $0xb8;
	[tilespmem:$0x1C800] =	vst v63  }
0xd6: {  	s14 =	simm.s32 $0x380;
	s12 =	simm.s32 $0xE800  }
0xd7: {  	[tilespmem:s12], [sflag:$0x8] =	stream.indirect.gather [hbm4b:s1+s16], $0x80, s14, s16, $0xb8;
	[tilespmem:$0x1C800] =	vst v63  }
0xd8: {  	s29 =	simm.s32 $0x400;
	s13 =	simm.s32 $0x10800  }
0xd9: {  	[tilespmem:s13], [sflag:$0x9] =	stream.indirect.gather [hbm4b:s1+s16], $0x80, s29, s16, $0xb8;
	[tilespmem:$0x1C800] =	vst v63  }
0xda: {  	s2 =	simm.s32 $0x480;
	s14 =	simm.s32 $0x12800  }
0xdb: {  	[tilespmem:s14], [sflag:$0xA] =	stream.indirect.gather [hbm4b:s1+s16], $0x80, s2, s16, $0xb8;
	[tilespmem:$0x1C800] =	vst v63  }
0xdc: {  	s29 =	simm.s32 $0x500;
	s2 =	simm.s32 $0x14800  }
0xdd: {  	[tilespmem:s2], [sflag:$0xB] =	stream.indirect.gather [hbm4b:s1+s16], $0x80, s29, s16, $0xb8;
	[tilespmem:$0x1C800] =	vst v63  }
0xde: {  	s26 =	simm.s32 $0x580;
	s29 =	simm.s32 $0x16800  }
0xdf: {  	[tilespmem:s29], [sflag:$0xC] =	stream.indirect.gather [hbm4b:s1+s16], $0x80, s26, s16, $0xb8;
	[tilespmem:$0x1C800] =	vst v63  }
0xe0: {  	s26 =	simm.s32 $0x600;
	s29 =	simm.s32 $0x18800  }
0xe1: {  	[tilespmem:s29], [sflag:$0xD] =	stream.indirect.gather [hbm4b:s1+s16], $0x80, s26, s16, $0xb8;
	[tilespmem:$0x1C800] =	vst v63  }
0xe2: {  	s26 =	simm.s32 $0x680;
	s29 =	simm.s32 $0x1A800  }
0xe3: {  	[tilespmem:s29], [sflag:$0xE] =	stream.indirect.gather [hbm4b:s1+s16], $0x80, s26, s16, $0xb8;
	[tilespmem:$0x1C800] =	vst v63  }
0xe4: {  	_ =	swait.ge [sflag:s28], $0x2000  }
0xe5: {  	[sflag:s28] =	ssyncset.done $0x0  }
0xe6: {  	s26 =	rddreg [dreg:$0x8];
	[sflag:s28] =	ssyncadd.s32 $0xFFFFE000  }
0xe7: {  	[hbm4b:s26+s3] =	stream.linear.scatter [tilespmem:s17], [sflag:$0x1], $0x2000, $0x38;
	[tilespmem:$0x1C800] =	vst v63  }
0xe8: {  	_ =	swait.ge [sflag:s25], $0x2000  }
0xe9: {  	[sflag:s25] =	ssyncset.done $0x0  }
0xea: {  	s26 =	rddreg [dreg:$0xa];
	[sflag:s25] =	ssyncadd.s32 $0xFFFFE000  }
0xeb: {  	[hbm4b:s26+s3] =	stream.linear.scatter [tilespmem:s19], [sflag:$0x2], $0x2000, $0x38;
	[tilespmem:$0x1C800] =	vst v63  }
0xec: {  	_ =	swait.ge [sflag:s28], $0x2000  }
0xed: {  	[sflag:s28] =	ssyncset.done $0x0  }
0xee: {  	s26 =	simm.s32 $0x700;
	[sflag:s28] =	ssyncadd.s32 $0xFFFFE000  }
0xef: {  	[tilespmem:s17], [sflag:$0x1] =	stream.indirect.gather [hbm4b:s1+s16], $0x80, s26, s16, $0xb8;
	[tilespmem:$0x1C800] =	vst v63  }
0xf0: {  	_ =	swait.ge [sflag:s15], $0x2000  }
0xf1: {  	[sflag:s15] =	ssyncset.done $0x0  }
0xf2: {  	s26 =	rddreg [dreg:$0x1a];
	[sflag:s15] =	ssyncadd.s32 $0xFFFFE000  }
0xf3: {  	[hbm4b:s26+s3] =	stream.linear.scatter [tilespmem:s30], [sflag:$0x3], $0x2000, $0x38;
	[tilespmem:$0x1C800] =	vst v63  }
0xf4: {  	_ =	swait.ge [sflag:s25], $0x2000  }
0xf5: {  	[sflag:s25] =	ssyncset.done $0x0  }
0xf6: {  	s30 =	simm.s32 $0x780;
	[sflag:s25] =	ssyncadd.s32 $0xFFFFE000  }
0xf7: {  	[tilespmem:s19], [sflag:$0x2] =	stream.indirect.gather [hbm4b:s1+s16], $0x80, s30, s16, $0xb8;
	[tilespmem:$0x1C800] =	vst v63  }
0xf8: {  	_ =	swait.ge [sflag:s9], $0x2000  }
0xf9: {  	[sflag:s9] =	ssyncset.done $0x0  }
0xfa: {  	s30 =	rddreg [dreg:$0x1b];
	[sflag:s9] =	ssyncadd.s32 $0xFFFFE000  }
0xfb: {  	[hbm4b:s30+s3] =	stream.linear.scatter [tilespmem:s0], [sflag:$0x4], $0x2000, $0x38;
	[tilespmem:$0x1C800] =	vst v63  }
0xfc: {  	_ =	swait.ge [sflag:s11], $0x2000  }
0xfd: {  	[sflag:s11] =	ssyncset.done $0x0  }
0xfe: {  	s0 =	rddreg [dreg:$0x1c];
	[sflag:s11] =	ssyncadd.s32 $0xFFFFE000  }
0xff: {  	[hbm4b:s0+s3] =	stream.linear.scatter [tilespmem:s5], [sflag:$0x5], $0x2000, $0x38;
	[tilespmem:$0x1C800] =	vst v63  }
0x100: {  	_ =	swait.ge [sflag:s22], $0x2000  }
0x101: {  	[sflag:s22] =	ssyncset.done $0x0  }
0x102: {  	s5 =	rddreg [dreg:$0x1d];
	[sflag:s22] =	ssyncadd.s32 $0xFFFFE000  }
0x103: {  	[hbm4b:s5+s3] =	stream.linear.scatter [tilespmem:s8], [sflag:$0x6], $0x2000, $0x38;
	[tilespmem:$0x1C800] =	vst v63  }
0x104: {  	_ =	swait.ge [sflag:s24], $0x2000  }
0x105: {  	[sflag:s24] =	ssyncset.done $0x0  }
0x106: {  	s8 =	rddreg [dreg:$0x1e];
	[sflag:s24] =	ssyncadd.s32 $0xFFFFE000  }
0x107: {  	[hbm4b:s8+s3] =	stream.linear.scatter [tilespmem:s20], [sflag:$0x7], $0x2000, $0x38;
	[tilespmem:$0x1C800] =	vst v63  }
0x108: {  	_ =	swait.ge [sflag:s31], $0x2000  }
0x109: {  	[sflag:s31] =	ssyncset.done $0x0  }
0x10a: {  	s20 =	rddreg [dreg:$0x1f];
	[sflag:s31] =	ssyncadd.s32 $0xFFFFE000  }
0x10b: {  	[hbm4b:s20+s3] =	stream.linear.scatter [tilespmem:s12], [sflag:$0x8], $0x2000, $0x38;
	[tilespmem:$0x1C800] =	vst v63  }
0x10c: {  	_ =	swait.ge [sflag:s18], $0x2000  }
0x10d: {  	s30 =	sld [smem:$0x7F6]  }
0x10e: {  	[sflag:s18] =	ssyncset.done $0x0  }
0x10f: {  	[sflag:s18] =	ssyncadd.s32 $0xFFFFE000  }
0x110: {  	[hbm4b:s30+s3] =	stream.linear.scatter [tilespmem:s13], [sflag:$0x9], $0x2000, $0x38;
	[tilespmem:$0x1C800] =	vst v63  }
0x111: {  	_ =	swait.ge [sflag:s6], $0x2000  }
0x112: {  	s0 =	sld [smem:$0x7F7]  }
0x113: {  	[sflag:s6] =	ssyncset.done $0x0  }
0x114: {  	[sflag:s6] =	ssyncadd.s32 $0xFFFFE000  }
0x115: {  	[hbm4b:s0+s3] =	stream.linear.scatter [tilespmem:s14], [sflag:$0xA], $0x2000, $0x38;
	[tilespmem:$0x1C800] =	vst v63  }
0x116: {  	_ =	swait.ge [sflag:s4], $0x2000  }
0x117: {  	s5 =	sld [smem:$0x7F8]  }
0x118: {  	[sflag:s4] =	ssyncset.done $0x0  }
0x119: {  	[sflag:s4] =	ssyncadd.s32 $0xFFFFE000  }
0x11a: {  	[hbm4b:s5+s3] =	stream.linear.scatter [tilespmem:s2], [sflag:$0xB], $0x2000, $0x38;
	[tilespmem:$0x1C800] =	vst v63  }
0x11b: {  	_ =	swait.ge [sflag:s7], $0x2000  }
0x11c: {  	s8 =	sld [smem:$0x7F9]  }
0x11d: {  	[sflag:s7] =	ssyncset.done $0x0  }
0x11e: {  	s12 =	simm.s32 $0x16800;
	[sflag:s7] =	ssyncadd.s32 $0xFFFFE000  }
0x11f: {  	[hbm4b:s8+s3] =	stream.linear.scatter [tilespmem:s12], [sflag:$0xC], $0x2000, $0x38;
	[tilespmem:$0x1C800] =	vst v63  }
0x120: {  	_ =	swait.ge [sflag:s21], $0x2000  }
0x121: {  	s13 =	sld [smem:$0x7FA]  }
0x122: {  	[sflag:s21] =	ssyncset.done $0x0  }
0x123: {  	s14 =	simm.s32 $0x18800;
	[sflag:s21] =	ssyncadd.s32 $0xFFFFE000  }
0x124: {  	[hbm4b:s13+s3] =	stream.linear.scatter [tilespmem:s14], [sflag:$0xD], $0x2000, $0x38;
	[tilespmem:$0x1C800] =	vst v63  }
0x125: {  	_ =	swait.ge [sflag:s23], $0x2000  }
0x126: {  	s20 =	sld [smem:$0x7FB]  }
0x127: {  	[sflag:s23] =	ssyncset.done $0x0  }
0x128: {  	s29 =	simm.s32 $0x1A800;
	[sflag:s23] =	ssyncadd.s32 $0xFFFFE000  }
0x129: {  	[hbm4b:s20+s3] =	stream.linear.scatter [tilespmem:s29], [sflag:$0xE], $0x2000, $0x38;
	[tilespmem:$0x1C800] =	vst v63  }
0x12a: {  	_ =	swait.ge [sflag:s28], $0x2000  }
0x12b: {  	s30 =	sld [smem:$0x7FC]  }
0x12c: {  	[sflag:s28] =	ssyncset.done $0x0  }
0x12d: {  	[sflag:s28] =	ssyncadd.s32 $0xFFFFE000  }
0x12e: {  	[hbm4b:s30+s3] =	stream.linear.scatter [tilespmem:s17], [sflag:$0x1], $0x2000, $0x38;
	[tilespmem:$0x1C800] =	vst v63  }
.Ltmp3:
0x12f: {  	_ = 	snop;
	(pc) =	sbr.rel .LBB2_4-.Ltmp3, $4  }
0x130: {  	_ =	swait.ge [sflag:s25], $0x2000  }
0x131: {  	s26 =	sld [smem:$0x7FD]  }
0x132: {  	[sflag:s25] =	ssyncset.done $0x0  }
0x133: {  	[sflag:s25] =	ssyncadd.s32 $0xFFFFE000  }
.LBB2_5:
0x134: {  	_ =	sfence.sel $0x180000  }
0x135: {  	[bflag:$0x0] =	sbarrier.arrive $0xFFFF  }
0x136: {  	_ =	strace $0x90000047  }
0x137: {  	s0 =	stileid.u32;
	[bflag:$0x2] =	sbarrier.arrive $0xFFFF  }
0x138: {  	p0 =	sne.s32 s0, $0x0;
	s0 =	rddreg [dreg:$0x4]  }
0x139: {  	s0 =	sadd.s32 @!p0 $0x100000, s0  }
0x13a: {  	[sflag:s0] =	ssyncadd.tile.s32 @!p0 $0x1;
	_ =	shalt  }
.Lfunc_end2:
_tile_overlayer_lowered:
.L_overlay_start_2:
0x13b: {  	(tag) =	ssettag $0x2  }
0x13c: {  	s0 =	rddreg [dreg:$0x0];
	s2 =	stileid.u32  }
0x13d: {  	s1 =	rddreg [dreg:$0x1];
	p0 =	sne.s32 s2, $0x0  }
0x13e: {  	s3 =	rddreg [dreg:$0x2];
	[bflag:$0x3] =	sbarrier.arrive $0xFFFF;
	s2 =	simm.s32 @!p0 $0x1C0F  }
0x13f: {  	[timem:s3], [sflag:s2] =	dma.local @!p0 [hbm:s0], s1  }
0x140: {  	s0 =	simm.s32 @!p0 $0xF  }
0x141: {  	_ =	swait.ge @!p0 [sflag:s0], s1  }
0x142: {  	s1 =	ssub.s32 @!p0 $0x0, s1;
	[sflag:s0] =	ssyncset.done @!p0 $0x0  }
0x143: {  	[sflag:s0] =	ssyncadd.s32 @!p0 s1  }
0x144: {  	[bflag:$0x3] =	sbarrier.arrive $0xFFFF  }
0x145: {  	_ =	shalt  }

</sc_bundles>
